<compile_context>
chip_gen: v7x
topology: tpu7x:2x2x1
jax: 0.10.2.dev20260603
libtpu: 0.0.44.dev20260713+nightly
codegen_flags: <defaults>
</compile_context>

<pallas_src>
import jax
import jax.numpy as jnp
from jax import lax
from jax.experimental import pallas as pl
from jax.experimental.pallas import tpu as pltpu
from jax.experimental.pallas import tpu_sc as plsc

N = 10000
E = 160000
D = 256
H = 256
G = 64

HALF = 128
NTILE = 16
CHUNK = 128
NCHUNK = 80
NBUF = 2
GRP = 16
EPAD = NTILE * NCHUNK * CHUNK
NPAD = 10112
NROWB = 10
RB = N // NROWB



def _fill_const(ref, rows, value):
    cols = ref.shape[1] // 16

    def body(r, cr):
        def inner(q, cr2):
            ref[r, pl.ds(q * 16, 16)] = jnp.full((16,), value, jnp.float32)
            return cr2
        return lax.fori_loop(0, cols, inner, cr)

    lax.fori_loop(0, rows, body, 0)


def _deg_body(dstr_hbm, deg_out, dbuf, ones_v, stage_v, deg_sh):
    c = lax.axis_index("c")
    s = lax.axis_index("s")

    _fill_const(ones_v, CHUNK, 1.0)
    _fill_const(stage_v, CHUNK, 0.0)

    def zloop(k, cr):
        j = s + NTILE * k

        @pl.when(j < NPAD // CHUNK)
        def _zero():
            pltpu.sync_copy(stage_v, deg_sh.at[pl.ds(j * CHUNK, CHUNK)])
        return cr
    lax.fori_loop(0, 5, zloop, 0)
    plsc.subcore_barrier()

    pltpu.sync_copy(dstr_hbm.at[s], dbuf)

    def eloop(k, cr):
        j = 2 * k + c
        pltpu.sync_copy(ones_v, deg_sh.at[dbuf.at[j]], add=True)
        return cr
    lax.fori_loop(0, NCHUNK // 2, eloop, 0)
    plsc.subcore_barrier()

    def xloop(k, cr):
        j = s + NTILE * k

        @pl.when(j < NPAD // CHUNK)
        def _exp():
            pltpu.sync_copy(deg_sh.at[pl.ds(j * CHUNK, CHUNK)], stage_v)
            pltpu.sync_copy(stage_v,
                            deg_out.at[c].at[pl.ds(j * CHUNK, CHUNK)])
        return cr
    lax.fori_loop(0, 5, xloop, 0)


def _make_deg_kernel():
    mesh = plsc.VectorSubcoreMesh(core_axis_name="c", subcore_axis_name="s")
    return pl.kernel(
        _deg_body,
        out_type=jax.ShapeDtypeStruct((2, NPAD, HALF), jnp.float32),
        mesh=mesh,
        scratch_types=[
            pltpu.VMEM((NCHUNK, CHUNK), jnp.int32),
            pltpu.VMEM((CHUNK, HALF), jnp.float32),
            pltpu.VMEM((CHUNK, HALF), jnp.float32),
            pltpu.VMEM_SHARED((NPAD, HALF), jnp.float32),
        ],
    )


def _edge_body(tab_hbm, srcr_hbm, dstr_hbm, out,
               src_v, dst_v, b0, b1, acc_sh,
               g0, g1, s0, s1):
    c = lax.axis_index("c")
    s = lax.axis_index("s")
    bufs = (b0, b1)
    gsem = (g0, g1)
    ssem = (s0, s1)

    _fill_const(b0, CHUNK, 0.0)

    def zloop(k, cr):
        j = s + NTILE * k

        @pl.when(j < NPAD // CHUNK)
        def _zero():
            pltpu.sync_copy(b0, acc_sh.at[pl.ds(j * CHUNK, CHUNK)])
        return cr
    lax.fori_loop(0, 5, zloop, 0)

    plsc.subcore_barrier()

    def gloop(g, cr):
        pltpu.sync_copy(srcr_hbm.at[s].at[pl.ds(g * GRP, GRP)], src_v)
        pltpu.sync_copy(dstr_hbm.at[s].at[pl.ds(g * GRP, GRP)], dst_v)

        def adj(r, cr2):
            def adj2(q, cr3):
                v = src_v[r, pl.ds(q * 16, 16)]
                src_v[r, pl.ds(q * 16, 16)] = v + c * N
                return cr3
            return lax.fori_loop(0, CHUNK // 16, adj2, cr2)
        lax.fori_loop(0, GRP, adj, 0)

        for i in range(NBUF):
            pltpu.async_copy(tab_hbm.at[src_v.at[i]], bufs[i], gsem[i])

        def eloop(k, cr2):
            for i in range(NBUF):
                j = NBUF * k + i
                pltpu.make_async_copy(
                    tab_hbm.at[src_v.at[j]], bufs[i], gsem[i]).wait()
                pltpu.async_copy(bufs[i], acc_sh.at[dst_v.at[j]], ssem[i],
                                 add=True)
            for i in range(NBUF):
                j = NBUF * k + i
                pltpu.make_async_copy(
                    bufs[i], acc_sh.at[dst_v.at[j]], ssem[i]).wait()
                jn = j + NBUF

                @pl.when(jn < GRP)
                def _nx(i=i, jn=jn):
                    pltpu.async_copy(tab_hbm.at[src_v.at[jn]], bufs[i],
                                     gsem[i])
            return cr2
        lax.fori_loop(0, GRP // NBUF, eloop, 0)
        return cr
    lax.fori_loop(0, NCHUNK // GRP, gloop, 0)
    plsc.subcore_barrier()

    def xloop(k, cr):
        j = s + NTILE * k

        @pl.when(j < 78)
        def _full():
            pltpu.sync_copy(acc_sh.at[pl.ds(j * CHUNK, CHUNK)], b0)
            pltpu.sync_copy(b0, out.at[c].at[pl.ds(j * CHUNK, CHUNK)])

        @pl.when(j == 78)
        def _tail():
            pltpu.sync_copy(acc_sh.at[pl.ds(78 * CHUNK, 16)],
                            b0.at[pl.ds(0, 16)])
            pltpu.sync_copy(b0.at[pl.ds(0, 16)],
                            out.at[c].at[pl.ds(78 * CHUNK, 16)])
        return cr
    lax.fori_loop(0, 5, xloop, 0)


def _make_edge_kernel():
    mesh = plsc.VectorSubcoreMesh(core_axis_name="c", subcore_axis_name="s")
    return pl.kernel(
        _edge_body,
        out_type=jax.ShapeDtypeStruct((2, N, HALF), jnp.float32),
        mesh=mesh,
        scratch_types=[
            pltpu.VMEM((GRP, CHUNK), jnp.int32),
            pltpu.VMEM((GRP, CHUNK), jnp.int32),
            pltpu.VMEM((CHUNK, HALF), jnp.float32),
            pltpu.VMEM((CHUNK, HALF), jnp.float32),
            pltpu.VMEM_SHARED((NPAD, HALF), jnp.float32),
            pltpu.SemaphoreType.DMA, pltpu.SemaphoreType.DMA,
            pltpu.SemaphoreType.DMA, pltpu.SemaphoreType.DMA,
        ],
    )



def _dinv_of(deg_ref):
    deg = deg_ref[0, :, 0:1] + deg_ref[1, :, 0:1] + 1.0
    return lax.rsqrt(jnp.maximum(deg, 1e-12))


def _tc1_body(x_ref, w1_ref, deg_ref, m_ref, hs_ref):
    dinv = _dinv_of(deg_ref)
    m = jnp.dot(x_ref[...], w1_ref[...], preferred_element_type=jnp.float32)
    m_ref[...] = m
    hs = m * dinv
    hs_ref[0] = hs[:, :HALF]
    hs_ref[1] = hs[:, HALF:]


def _tc2_body(m_ref, acc_ref, deg_ref, b1_ref, w2_ref, m2_ref, hs_ref):
    dinv = _dinv_of(deg_ref)
    acc = jnp.concatenate([acc_ref[0], acc_ref[1]], axis=1)
    out1 = dinv * acc + (dinv * dinv) * m_ref[...] + b1_ref[...]
    h = jnp.maximum(out1, 0.0)
    m2 = jnp.dot(h, w2_ref[...], preferred_element_type=jnp.float32)
    m2_ref[...] = m2
    hs = m2 * dinv
    hs_ref[0] = hs[:, :HALF]
    hs_ref[1] = hs[:, HALF:]


def _tc3_body(m_ref, acc_ref, deg_ref, b2_ref, batch_ref,
              task_ref, p0w_ref, p0b_ref, p1w_ref, p1b_ref, p2w_ref, p2b_ref,
              score_ref, sums_ref, cnt_ref):
    i = pl.program_id(0)
    dinv = _dinv_of(deg_ref)
    acc = jnp.concatenate([acc_ref[0], acc_ref[1]], axis=1)
    out2 = dinv * acc + (dinv * dinv) * m_ref[...] + b2_ref[...]

    iota = lax.broadcasted_iota(jnp.int32, (RB, G), 1)
    onehot = (batch_ref[...] == iota).astype(jnp.float32)
    contract = (((0,), (0,)), ((), ()))
    psums = lax.dot_general(onehot, out2, contract,
                            preferred_element_type=jnp.float32)
    pcnt = lax.dot_general(onehot, jnp.ones((RB, 128), jnp.float32), contract,
                           preferred_element_type=jnp.float32)

    @pl.when(i == 0)
    def _init():
        sums_ref[...] = jnp.zeros_like(sums_ref)
        cnt_ref[...] = jnp.zeros_like(cnt_ref)

    sums_ref[...] += psums
    cnt_ref[...] += pcnt

    @pl.when(i == NROWB - 1)
    def _final():
        cnt = cnt_ref[:, 0:1]
        pooled = sums_ref[...] / jnp.maximum(cnt, 1.0)
        nrm = jnp.sqrt(jnp.sum(pooled * pooled, axis=1, keepdims=True))
        pooled = pooled / jnp.maximum(nrm, 1e-12)

        t = jnp.dot(task_ref[...], p0w_ref[...],
                    preferred_element_type=jnp.float32) + p0b_ref[...]
        t = jnp.maximum(t, 0.0)
        t = jnp.dot(t, p1w_ref[...],
                    preferred_element_type=jnp.float32) + p1b_ref[...]
        t = jnp.maximum(t, 0.0)
        t = jnp.dot(t, p2w_ref[...],
                    preferred_element_type=jnp.float32) + p2b_ref[...]
        tn = jnp.sqrt(jnp.sum(t * t, axis=1, keepdims=True))
        t = t / jnp.maximum(tn, 1e-12)

        sc = jnp.sum(pooled * t, axis=1, keepdims=True)
        sig = 1.0 / (1.0 + jnp.exp(-sc))
        score_ref[...] = jnp.broadcast_to(sig, (G, 128))


def _row_spec(w):
    return pl.BlockSpec((RB, w), lambda i: (i, 0))


def _stk_spec():
    return pl.BlockSpec((2, RB, HALF), lambda i: (0, i, 0))


def _full_spec(r, w):
    return pl.BlockSpec((r, w), lambda i: (0, 0))


def _make_tc1():
    return pl.pallas_call(
        _tc1_body,
        grid=(NROWB,),
        in_specs=[_row_spec(D), _full_spec(D, H), _stk_spec()],
        out_specs=[_row_spec(H), _stk_spec()],
        out_shape=[jax.ShapeDtypeStruct((N, H), jnp.float32),
                   jax.ShapeDtypeStruct((2, N, HALF), jnp.float32)],
    )


def _make_tc2():
    return pl.pallas_call(
        _tc2_body,
        grid=(NROWB,),
        in_specs=[_row_spec(H), _stk_spec(), _stk_spec(), _full_spec(1, H),
                  _full_spec(H, H)],
        out_specs=[_row_spec(H), _stk_spec()],
        out_shape=[jax.ShapeDtypeStruct((N, H), jnp.float32),
                   jax.ShapeDtypeStruct((2, N, HALF), jnp.float32)],
    )


def _make_tc3():
    return pl.pallas_call(
        _tc3_body,
        grid=(NROWB,),
        in_specs=[_row_spec(H), _stk_spec(), _stk_spec(), _full_spec(1, H),
                  _row_spec(1), _full_spec(G, D),
                  _full_spec(D, H), _full_spec(1, H),
                  _full_spec(H, H), _full_spec(1, H),
                  _full_spec(H, H), _full_spec(1, H)],
        out_specs=[_full_spec(G, 128)],
        out_shape=[jax.ShapeDtypeStruct((G, 128), jnp.float32)],
        scratch_shapes=[pltpu.VMEM((G, H), jnp.float32),
                        pltpu.VMEM((G, 128), jnp.float32)],
    )



@jax.jit
def kernel(node_embedding, task_embedding, edge_index, batch,
           W1, b1, W2, b2, P0w, P0b, P1w, P1b, P2w, P2b):
    src = edge_index[0]
    dst = edge_index[1]
    srcp = jnp.pad(src, (0, EPAD - E)).reshape(NTILE, NCHUNK, CHUNK)
    dstp = jnp.pad(dst, (0, EPAD - E),
                   constant_values=N).reshape(NTILE, NCHUNK, CHUNK)

    deg_kernel = _make_deg_kernel()
    edge_kernel = _make_edge_kernel()
    tc1 = _make_tc1()
    tc2 = _make_tc2()
    tc3 = _make_tc3()

    deg = deg_kernel(dstp)
    m1, hs1 = tc1(node_embedding, W1, deg)
    acc1 = edge_kernel(hs1.reshape(2 * N, HALF), srcp, dstp)
    m2, hs2 = tc2(m1, acc1, deg, b1.reshape(1, H), W2)
    acc2 = edge_kernel(hs2.reshape(2 * N, HALF), srcp, dstp)
    (score,) = tc3(m2, acc2, deg, b2.reshape(1, H),
                   batch.reshape(N, 1), task_embedding,
                   P0w, P0b.reshape(1, H), P1w, P1b.reshape(1, H),
                   P2w, P2b.reshape(1, H))
    return score[:, 0]

# --- scband reference (transcript-rebuilt; emitter-appended) ---
"""Pipeline reference for scband-predictor-68066641707843 (READ-ONLY COPY).

The authoritative reference and input builder live on the scoring server;
editing this copy changes nothing except your own understanding.
"""

import jax, jax.numpy as jnp
import numpy as np

N = 10000
E = 160000
D = 256
H = 256
G = 64


def setup_inputs(seed: int = 0) -> dict:
    key = jax.random.key(seed)
    ks = jax.random.split(key, 16)
    x = jax.random.normal(ks[0], (N, D), dtype=jnp.float32)
    task = jax.random.normal(ks[1], (G, D), dtype=jnp.float32)
    edge_index = jax.random.randint(ks[2], (2, E), 0, N, dtype=jnp.int32)
    batch = jnp.sort(jax.random.randint(ks[3], (N,), 0, G, dtype=jnp.int32))
    def lin(k, fan_in, fan_out):
        bound = 1.0 / np.sqrt(fan_in)
        kw, kb = jax.random.split(k)
        w = jax.random.uniform(kw, (fan_in, fan_out), jnp.float32, -bound, bound)
        b = jax.random.uniform(kb, (fan_out,), jnp.float32, -bound, bound)
        return w, b
    W1, b1 = lin(ks[4], D, H)
    W2, b2 = lin(ks[5], H, H)
    P0w, P0b = lin(ks[6], D, H)
    P1w, P1b = lin(ks[7], H, H)
    P2w, P2b = lin(ks[8], H, H)
    return {"node_embedding": x, "task_embedding": task, "edge_index": edge_index,
            "batch": batch, "W1": W1, "b1": b1, "W2": W2, "b2": b2,
            "P0w": P0w, "P0b": P0b, "P1w": P1w, "P1b": P1b, "P2w": P2w, "P2b": P2b}


def _gcn_conv(x, src, dst, W, b):
    n = x.shape[0]
    h = x @ W
    loop = jnp.arange(n, dtype=src.dtype)
    src_sl = jnp.concatenate([src, loop])
    dst_sl = jnp.concatenate([dst, loop])
    deg = jnp.zeros((n,), jnp.float32).at[dst_sl].add(1.0)
    dinv = jax.lax.rsqrt(jnp.maximum(deg, 1e-12))
    norm = dinv[src_sl] * dinv[dst_sl]
    out = jnp.zeros((n, W.shape[1]), jnp.float32).at[dst_sl].add(h[src_sl] * norm[:, None])
    return out + b


def _l2norm(x, eps=1e-12):
    nrm = jnp.sqrt(jnp.sum(x * x, axis=1, keepdims=True))
    return x / jnp.maximum(nrm, eps)


def reference(node_embedding, task_embedding, edge_index, batch,
              W1, b1, W2, b2, P0w, P0b, P1w, P1b, P2w, P2b):
    src, dst = edge_index[0], edge_index[1]
    # GNN layers (eval mode: dropout is identity)
    h = _gcn_conv(node_embedding, src, dst, W1, b1)
    h = jax.nn.relu(h)
    h = _gcn_conv(h, src, dst, W2, b2)
    # global mean pool over graphs
    sums = jnp.zeros((G, H), jnp.float32).at[batch].add(h)
    counts = jnp.zeros((G,), jnp.float32).at[batch].add(1.0)
    pooled = sums / jnp.maximum(counts, 1.0)[:, None]
    pooled = _l2norm(pooled)
    # projector MLP on task embedding
    t = task_embedding @ P0w + P0b
    t = jax.nn.relu(t)
    t = t @ P1w + P1b
    t = jax.nn.relu(t)
    t = t @ P2w + P2b
    t = _l2norm(t)
    score = jax.nn.sigmoid(jnp.sum(pooled * t, axis=1))
    return score

if __name__ == "__main__":
    import jax
    _d = setup_inputs()
    print(jax.jit(kernel)(*tuple(_d.values())))

</pallas_src>

<mosaic_0001>
#map = affine_map<(d0, d1) -> (0, 0)>
#map1 = affine_map<(d0, d1) -> (0, 0, 0)>
module attributes {stable_mosaic.version = 14 : i64} {
  func.func @_edge_body(%arg0: i32, %arg1: i32, %arg2: memref<20000x128xf32, #tpu.memory_space<hbm>>, %arg3: memref<16x80x128xi32, #tpu.memory_space<hbm>>, %arg4: memref<16x80x128xi32, #tpu.memory_space<hbm>>, %arg5: memref<2x10000x128xf32, #tpu.memory_space<hbm>>, %arg6: memref<16x128xi32, #tpu.memory_space<vmem>>, %arg7: memref<16x128xi32, #tpu.memory_space<vmem>>, %arg8: memref<128x128xf32, #tpu.memory_space<vmem>>, %arg9: memref<128x128xf32, #tpu.memory_space<vmem>>, %arg10: memref<10112x128xf32, #tpu.memory_space<vmem_shared>>, %arg11: memref<!tpu.dma_semaphore, #tpu.memory_space<semaphore_mem>>, %arg12: memref<!tpu.dma_semaphore, #tpu.memory_space<semaphore_mem>>, %arg13: memref<!tpu.dma_semaphore, #tpu.memory_space<semaphore_mem>>, %arg14: memref<!tpu.dma_semaphore, #tpu.memory_space<semaphore_mem>>) attributes {dimension_semantics = [#tpu.dimension_semantics<core_parallel>, #tpu.dimension_semantics<subcore_parallel>], iteration_bounds = array<i64: 2, 16>, scalar_prefetch = 0 : i64, scratch_operands = 9 : i64, tpu.core_type = #tpu.core_type<sc_vector_subcore>, window_params = [{transform_indices = #map}, {transform_indices = #map1}, {transform_indices = #map1}, {transform_indices = #map1}]} {
    %scan3A = arith.constant 0 : i32
    %scan3A_0 = arith.constant 0 : i32
    %scan3A_1 = arith.constant 128 : i32
    %scan3A_2 = arith.addi %scan3A_0, %scan3A_1 : i32
    %scan3A_3 = arith.constant 1 : i32
    scf.for %scan3A_24 = %scan3A_0 to %scan3A_2 step %scan3A_3  : i32 {
      %scan3A_25 = arith.constant 0 : i32
      %scan3A_26 = arith.constant 8 : i32
      %scan3A_27 = arith.addi %scan3A_25, %scan3A_26 : i32
      %scan3A_28 = arith.constant 1 : i32
      scf.for %scan3A_30 = %scan3A_25 to %scan3A_27 step %scan3A_28  : i32 {
        %broadcast_in_dim3A = arith.constant 0.000000e+00 : f32
        %broadcast_in_dim3A_31 = vector.broadcast %broadcast_in_dim3A : f32 to vector<16xf32>
        %mul3A = arith.constant 16 : i32
        %mul3A_32 = arith.muli %scan3A_30, %mul3A : i32
        %swap3A = arith.index_cast %scan3A_24 : i32 to index
        %swap3A_33 = arith.index_cast %mul3A_32 : i32 to index
        %swap3A_34 = tpu.vector_load %arg8[%swap3A, %swap3A_33] {strides = array<i32>} : memref<128x128xf32, #tpu.memory_space<vmem>>, vector<1x16xf32>,
        %swap3A_35 = vector.shape_cast %swap3A_34 : vector<1x16xf32> to vector<16xf32>
        %swap3A_36 = vector.shape_cast %broadcast_in_dim3A_31 : vector<16xf32> to vector<1x16xf32>
        tpu.vector_store %arg8[%swap3A, %swap3A_33], %swap3A_36 {strides = array<i32>} : memref<128x128xf32, #tpu.memory_space<vmem>>, vector<1x16xf32>,
      }
      %scan3A_29 = arith.constant 8 : i32
    }
    %scan3A_4 = arith.constant 128 : i32
    %scan3A_5 = arith.constant 0 : i32
    %scan3A_6 = arith.constant 0 : i32
    %scan3A_7 = arith.constant 5 : i32
    %scan3A_8 = arith.addi %scan3A_6, %scan3A_7 : i32
    %scan3A_9 = arith.constant 1 : i32
    scf.for %scan3A_24 = %scan3A_6 to %scan3A_8 step %scan3A_9  : i32 {
      %mul3A = arith.constant 16 : i32
      %mul3A_25 = arith.muli %mul3A, %scan3A_24 : i32
      %add3A = arith.addi %arg1, %mul3A_25 : i32
      %lt3A = arith.constant 79 : i32
      %lt3A_26 = arith.cmpi slt, %add3A, %lt3A : i32
      %convert_element_type3A = arith.extui %lt3A_26 : i1 to i32
      %cond3A = arith.constant 0 : i32
      %cond3A_27 = arith.cmpi ne, %convert_element_type3A, %cond3A : i32
      scf.if %cond3A_27 {
        %mul3A_28 = arith.constant 128 : i32
        %mul3A_29 = arith.muli %add3A, %mul3A_28 : i32
        "tpu.region"() ({
          %run_scoped3A = tpu.sem_alloc : memref<!tpu.dma_semaphore, #tpu.memory_space<semaphore_mem>>
          %dma_start3A = arith.constant 0 : i32
          %dma_start3A_30 = tpu.memref_slice %arg10[%mul3A_29, %dma_start3A] : memref<10112x128xf32, #tpu.memory_space<vmem_shared>> -> memref<128x128xf32, #tpu.memory_space<vmem_shared>>
          %dma_start3A_31 = arith.constant 0 : i32
          %dma_start3A_32 = tpu.memref_slice %arg10[%mul3A_29, %dma_start3A_31] : memref<10112x128xf32, #tpu.memory_space<vmem_shared>> -> memref<128x128xf32, #tpu.memory_space<vmem_shared>>
          tpu.enqueue_dma source(%arg8 : memref<128x128xf32, #tpu.memory_space<vmem>>) target(%dma_start3A_32 : memref<128x128xf32, #tpu.memory_space<vmem_shared>>) target_semaphore(%run_scoped3A : memref<!tpu.dma_semaphore, #tpu.memory_space<semaphore_mem>>)
          %dma_wait3A = arith.constant 0 : i32
          %dma_wait3A_33 = tpu.memref_slice %arg10[%mul3A_29, %dma_wait3A] : memref<10112x128xf32, #tpu.memory_space<vmem_shared>> -> memref<128x128xf32, #tpu.memory_space<vmem_shared>>
          %dma_wait3A_34 = arith.constant 0 : i32
          %dma_wait3A_35 = tpu.memref_slice %arg10[%mul3A_29, %dma_wait3A_34] : memref<10112x128xf32, #tpu.memory_space<vmem_shared>> -> memref<128x128xf32, #tpu.memory_space<vmem_shared>>
          tpu.wait_dma2 semaphore(%run_scoped3A : memref<!tpu.dma_semaphore, #tpu.memory_space<semaphore_mem>>) src(%arg8 : memref<128x128xf32, #tpu.memory_space<vmem>>) dst(%dma_wait3A_35 : memref<128x128xf32, #tpu.memory_space<vmem_shared>>)
          tpu.yield
        }) : () -> ()
      } else {
      }
    }
    %scan3A_10 = arith.constant 5 : i32
    %barrier3A = arith.constant 0 : index
    tpu.barrier barrier_id(%barrier3A)
    %scan3A_11 = arith.constant 0 : i32
    %scan3A_12 = arith.constant 0 : i32
    %scan3A_13 = arith.constant 5 : i32
    %scan3A_14 = arith.addi %scan3A_12, %scan3A_13 : i32
    %scan3A_15 = arith.constant 1 : i32
    scf.for %scan3A_24 = %scan3A_12 to %scan3A_14 step %scan3A_15  : i32 {
      %mul3A = arith.constant 16 : i32
      %mul3A_25 = arith.muli %scan3A_24, %mul3A : i32
      "tpu.region"() ({
        %run_scoped3A = tpu.sem_alloc : memref<!tpu.dma_semaphore, #tpu.memory_space<semaphore_mem>>
        %dma_start3A_53 = arith.constant 0 : i32
        %dma_start3A_54 = arith.constant 0 : i32
        %dma_start3A_55 = tpu.memref_slice %arg3[%arg1, %dma_start3A_53, %dma_start3A_54] : memref<16x80x128xi32, #tpu.memory_space<hbm>> -> memref<1x80x128xi32, #tpu.memory_space<hbm>>
        %dma_start3A_56 = tpu.memref_squeeze %dma_start3A_55 : memref<1x80x128xi32, #tpu.memory_space<hbm>> -> memref<80x128xi32, #tpu.memory_space<hbm>>
        %dma_start3A_57 = arith.constant 0 : i32
        %dma_start3A_58 = tpu.memref_slice %dma_start3A_56[%mul3A_25, %dma_start3A_57] : memref<80x128xi32, #tpu.memory_space<hbm>> -> memref<16x128xi32, #tpu.memory_space<hbm>>
        %dma_start3A_59 = arith.constant 0 : i32
        %dma_start3A_60 = arith.constant 0 : i32
        %dma_start3A_61 = tpu.memref_slice %arg3[%arg1, %dma_start3A_59, %dma_start3A_60] : memref<16x80x128xi32, #tpu.memory_space<hbm>> -> memref<1x80x128xi32, #tpu.memory_space<hbm>>
        %dma_start3A_62 = tpu.memref_squeeze %dma_start3A_61 : memref<1x80x128xi32, #tpu.memory_space<hbm>> -> memref<80x128xi32, #tpu.memory_space<hbm>>
        %dma_start3A_63 = arith.constant 0 : i32
        %dma_start3A_64 = tpu.memref_slice %dma_start3A_62[%mul3A_25, %dma_start3A_63] : memref<80x128xi32, #tpu.memory_space<hbm>> -> memref<16x128xi32, #tpu.memory_space<hbm>>
        tpu.enqueue_dma source(%dma_start3A_64 : memref<16x128xi32, #tpu.memory_space<hbm>>) target(%arg6 : memref<16x128xi32, #tpu.memory_space<vmem>>) target_semaphore(%run_scoped3A : memref<!tpu.dma_semaphore, #tpu.memory_space<semaphore_mem>>)
        %dma_wait3A = arith.constant 0 : i32
        %dma_wait3A_65 = arith.constant 0 : i32
        %dma_wait3A_66 = tpu.memref_slice %arg3[%arg1, %dma_wait3A, %dma_wait3A_65] : memref<16x80x128xi32, #tpu.memory_space<hbm>> -> memref<1x80x128xi32, #tpu.memory_space<hbm>>
        %dma_wait3A_67 = tpu.memref_squeeze %dma_wait3A_66 : memref<1x80x128xi32, #tpu.memory_space<hbm>> -> memref<80x128xi32, #tpu.memory_space<hbm>>
        %dma_wait3A_68 = arith.constant 0 : i32
        %dma_wait3A_69 = tpu.memref_slice %dma_wait3A_67[%mul3A_25, %dma_wait3A_68] : memref<80x128xi32, #tpu.memory_space<hbm>> -> memref<16x128xi32, #tpu.memory_space<hbm>>
        %dma_wait3A_70 = arith.constant 0 : i32
        %dma_wait3A_71 = arith.constant 0 : i32
        %dma_wait3A_72 = tpu.memref_slice %arg3[%arg1, %dma_wait3A_70, %dma_wait3A_71] : memref<16x80x128xi32, #tpu.memory_space<hbm>> -> memref<1x80x128xi32, #tpu.memory_space<hbm>>
        %dma_wait3A_73 = tpu.memref_squeeze %dma_wait3A_72 : memref<1x80x128xi32, #tpu.memory_space<hbm>> -> memref<80x128xi32, #tpu.memory_space<hbm>>
        %dma_wait3A_74 = arith.constant 0 : i32
        %dma_wait3A_75 = tpu.memref_slice %dma_wait3A_73[%mul3A_25, %dma_wait3A_74] : memref<80x128xi32, #tpu.memory_space<hbm>> -> memref<16x128xi32, #tpu.memory_space<hbm>>
        tpu.wait_dma2 semaphore(%run_scoped3A : memref<!tpu.dma_semaphore, #tpu.memory_space<semaphore_mem>>) src(%dma_wait3A_75 : memref<16x128xi32, #tpu.memory_space<hbm>>) dst(%arg6 : memref<16x128xi32, #tpu.memory_space<vmem>>)
        tpu.yield
      }) : () -> ()
      %mul3A_26 = arith.constant 16 : i32
      %mul3A_27 = arith.muli %scan3A_24, %mul3A_26 : i32
      "tpu.region"() ({
        %run_scoped3A = tpu.sem_alloc : memref<!tpu.dma_semaphore, #tpu.memory_space<semaphore_mem>>
        %dma_start3A_53 = arith.constant 0 : i32
        %dma_start3A_54 = arith.constant 0 : i32
        %dma_start3A_55 = tpu.memref_slice %arg4[%arg1, %dma_start3A_53, %dma_start3A_54] : memref<16x80x128xi32, #tpu.memory_space<hbm>> -> memref<1x80x128xi32, #tpu.memory_space<hbm>>
        %dma_start3A_56 = tpu.memref_squeeze %dma_start3A_55 : memref<1x80x128xi32, #tpu.memory_space<hbm>> -> memref<80x128xi32, #tpu.memory_space<hbm>>
        %dma_start3A_57 = arith.constant 0 : i32
        %dma_start3A_58 = tpu.memref_slice %dma_start3A_56[%mul3A_27, %dma_start3A_57] : memref<80x128xi32, #tpu.memory_space<hbm>> -> memref<16x128xi32, #tpu.memory_space<hbm>>
        %dma_start3A_59 = arith.constant 0 : i32
        %dma_start3A_60 = arith.constant 0 : i32
        %dma_start3A_61 = tpu.memref_slice %arg4[%arg1, %dma_start3A_59, %dma_start3A_60] : memref<16x80x128xi32, #tpu.memory_space<hbm>> -> memref<1x80x128xi32, #tpu.memory_space<hbm>>
        %dma_start3A_62 = tpu.memref_squeeze %dma_start3A_61 : memref<1x80x128xi32, #tpu.memory_space<hbm>> -> memref<80x128xi32, #tpu.memory_space<hbm>>
        %dma_start3A_63 = arith.constant 0 : i32
        %dma_start3A_64 = tpu.memref_slice %dma_start3A_62[%mul3A_27, %dma_start3A_63] : memref<80x128xi32, #tpu.memory_space<hbm>> -> memref<16x128xi32, #tpu.memory_space<hbm>>
        tpu.enqueue_dma source(%dma_start3A_64 : memref<16x128xi32, #tpu.memory_space<hbm>>) target(%arg7 : memref<16x128xi32, #tpu.memory_space<vmem>>) target_semaphore(%run_scoped3A : memref<!tpu.dma_semaphore, #tpu.memory_space<semaphore_mem>>)
        %dma_wait3A = arith.constant 0 : i32
        %dma_wait3A_65 = arith.constant 0 : i32
        %dma_wait3A_66 = tpu.memref_slice %arg4[%arg1, %dma_wait3A, %dma_wait3A_65] : memref<16x80x128xi32, #tpu.memory_space<hbm>> -> memref<1x80x128xi32, #tpu.memory_space<hbm>>
        %dma_wait3A_67 = tpu.memref_squeeze %dma_wait3A_66 : memref<1x80x128xi32, #tpu.memory_space<hbm>> -> memref<80x128xi32, #tpu.memory_space<hbm>>
        %dma_wait3A_68 = arith.constant 0 : i32
        %dma_wait3A_69 = tpu.memref_slice %dma_wait3A_67[%mul3A_27, %dma_wait3A_68] : memref<80x128xi32, #tpu.memory_space<hbm>> -> memref<16x128xi32, #tpu.memory_space<hbm>>
        %dma_wait3A_70 = arith.constant 0 : i32
        %dma_wait3A_71 = arith.constant 0 : i32
        %dma_wait3A_72 = tpu.memref_slice %arg4[%arg1, %dma_wait3A_70, %dma_wait3A_71] : memref<16x80x128xi32, #tpu.memory_space<hbm>> -> memref<1x80x128xi32, #tpu.memory_space<hbm>>
        %dma_wait3A_73 = tpu.memref_squeeze %dma_wait3A_72 : memref<1x80x128xi32, #tpu.memory_space<hbm>> -> memref<80x128xi32, #tpu.memory_space<hbm>>
        %dma_wait3A_74 = arith.constant 0 : i32
        %dma_wait3A_75 = tpu.memref_slice %dma_wait3A_73[%mul3A_27, %dma_wait3A_74] : memref<80x128xi32, #tpu.memory_space<hbm>> -> memref<16x128xi32, #tpu.memory_space<hbm>>
        tpu.wait_dma2 semaphore(%run_scoped3A : memref<!tpu.dma_semaphore, #tpu.memory_space<semaphore_mem>>) src(%dma_wait3A_75 : memref<16x128xi32, #tpu.memory_space<hbm>>) dst(%arg7 : memref<16x128xi32, #tpu.memory_space<vmem>>)
        tpu.yield
      }) : () -> ()
      %scan3A_28 = arith.constant 0 : i32
      %scan3A_29 = arith.constant 0 : i32
      %scan3A_30 = arith.constant 16 : i32
      %scan3A_31 = arith.addi %scan3A_29, %scan3A_30 : i32
      %scan3A_32 = arith.constant 1 : i32
      scf.for %scan3A_53 = %scan3A_29 to %scan3A_31 step %scan3A_32  : i32 {
        %scan3A_54 = arith.constant 0 : i32
        %scan3A_55 = arith.constant 8 : i32
        %scan3A_56 = arith.addi %scan3A_54, %scan3A_55 : i32
        %scan3A_57 = arith.constant 1 : i32
        scf.for %scan3A_59 = %scan3A_54 to %scan3A_56 step %scan3A_57  : i32 {
          %mul3A_60 = arith.constant 16 : i32
          %mul3A_61 = arith.muli %scan3A_59, %mul3A_60 : i32
          %get3A = arith.index_cast %scan3A_53 : i32 to index
          %get3A_62 = arith.index_cast %mul3A_61 : i32 to index
          %get3A_63 = tpu.vector_load %arg6[%get3A, %get3A_62] {strides = array<i32>} : memref<16x128xi32, #tpu.memory_space<vmem>>, vector<1x16xi32>,
          %get3A_64 = vector.shape_cast %get3A_63 : vector<1x16xi32> to vector<16xi32>
          %mul3A_65 = arith.constant 10000 : i32
          %mul3A_66 = arith.muli %arg0, %mul3A_65 : i32
          %add3A = vector.broadcast %mul3A_66 : i32 to vector<16xi32>
          %add3A_67 = arith.addi %get3A_64, %add3A : vector<16xi32>
          %mul3A_68 = arith.constant 16 : i32
          %mul3A_69 = arith.muli %scan3A_59, %mul3A_68 : i32
          %swap3A = arith.index_cast %scan3A_53 : i32 to index
          %swap3A_70 = arith.index_cast %mul3A_69 : i32 to index
          %swap3A_71 = tpu.vector_load %arg6[%swap3A, %swap3A_70] {strides = array<i32>} : memref<16x128xi32, #tpu.memory_space<vmem>>, vector<1x16xi32>,
          %swap3A_72 = vector.shape_cast %swap3A_71 : vector<1x16xi32> to vector<16xi32>
          %swap3A_73 = vector.shape_cast %add3A_67 : vector<16xi32> to vector<1x16xi32>
          tpu.vector_store %arg6[%swap3A, %swap3A_70], %swap3A_73 {strides = array<i32>} : memref<16x128xi32, #tpu.memory_space<vmem>>, vector<1x16xi32>,
        }
        %scan3A_58 = arith.constant 8 : i32
      }
      %scan3A_33 = arith.constant 16 : i32
      %dma_start3A = arith.constant 0 : i32
      %dma_start3A_34 = arith.constant 0 : i32
      %dma_start3A_35 = tpu.memref_slice %arg6[%dma_start3A, %dma_start3A_34] : memref<16x128xi32, #tpu.memory_space<vmem>> -> memref<1x128xi32, #tpu.memory_space<vmem>>
      %dma_start3A_36 = tpu.memref_squeeze %dma_start3A_35 : memref<1x128xi32, #tpu.memory_space<vmem>> -> memref<128xi32, #tpu.memory_space<vmem>>
      %dma_start3A_37 = arith.constant 0 : i32
      %dma_start3A_38 = arith.constant 0 : i32
      %dma_start3A_39 = tpu.memref_slice %arg2[%dma_start3A_37, %dma_start3A_38] : memref<20000x128xf32, #tpu.memory_space<hbm>> -> memref<20000x128xf32, #tpu.memory_space<hbm>>
      tpu.enqueue_indirect_dma source(%dma_start3A_39 : memref<20000x128xf32, #tpu.memory_space<hbm>>) target(%arg8 : memref<128x128xf32, #tpu.memory_space<vmem>>) offsets(%dma_start3A_36 : memref<128xi32, #tpu.memory_space<vmem>>) semaphore(%arg11 : memref<!tpu.dma_semaphore, #tpu.memory_space<semaphore_mem>>)
      %dma_start3A_40 = arith.constant 1 : i32
      %dma_start3A_41 = arith.constant 0 : i32
      %dma_start3A_42 = tpu.memref_slice %arg6[%dma_start3A_40, %dma_start3A_41] : memref<16x128xi32, #tpu.memory_space<vmem>> -> memref<1x128xi32, #tpu.memory_space<vmem>>
      %dma_start3A_43 = tpu.memref_squeeze %dma_start3A_42 : memref<1x128xi32, #tpu.memory_space<vmem>> -> memref<128xi32, #tpu.memory_space<vmem>>
      %dma_start3A_44 = arith.constant 0 : i32
      %dma_start3A_45 = arith.constant 0 : i32
      %dma_start3A_46 = tpu.memref_slice %arg2[%dma_start3A_44, %dma_start3A_45] : memref<20000x128xf32, #tpu.memory_space<hbm>> -> memref<20000x128xf32, #tpu.memory_space<hbm>>
      tpu.enqueue_indirect_dma source(%dma_start3A_46 : memref<20000x128xf32, #tpu.memory_space<hbm>>) target(%arg9 : memref<128x128xf32, #tpu.memory_space<vmem>>) offsets(%dma_start3A_43 : memref<128xi32, #tpu.memory_space<vmem>>) semaphore(%arg12 : memref<!tpu.dma_semaphore, #tpu.memory_space<semaphore_mem>>)
      %scan3A_47 = arith.constant 0 : i32
      %scan3A_48 = arith.constant 0 : i32
      %scan3A_49 = arith.constant 8 : i32
      %scan3A_50 = arith.addi %scan3A_48, %scan3A_49 : i32
      %scan3A_51 = arith.constant 1 : i32
      scf.for %scan3A_53 = %scan3A_48 to %scan3A_50 step %scan3A_51  : i32 {
        %mul3A_54 = arith.constant 2 : i32
        %mul3A_55 = arith.muli %mul3A_54, %scan3A_53 : i32
        %add3A = arith.constant 0 : i32
        %add3A_56 = arith.addi %mul3A_55, %add3A : i32
        %dma_wait3A = arith.constant 0 : i32
        %dma_wait3A_57 = tpu.memref_slice %arg6[%add3A_56, %dma_wait3A] : memref<16x128xi32, #tpu.memory_space<vmem>> -> memref<1x128xi32, #tpu.memory_space<vmem>>
        %dma_wait3A_58 = tpu.memref_squeeze %dma_wait3A_57 : memref<1x128xi32, #tpu.memory_space<vmem>> -> memref<128xi32, #tpu.memory_space<vmem>>
        %dma_wait3A_59 = arith.constant 0 : i32
        %dma_wait3A_60 = arith.constant 0 : i32
        %dma_wait3A_61 = tpu.memref_slice %arg2[%dma_wait3A_59, %dma_wait3A_60] : memref<20000x128xf32, #tpu.memory_space<hbm>> -> memref<20000x128xf32, #tpu.memory_space<hbm>>
        tpu.wait_indirect_dma semaphore(%arg11 : memref<!tpu.dma_semaphore, #tpu.memory_space<semaphore_mem>>) src(%dma_wait3A_61 : memref<20000x128xf32, #tpu.memory_space<hbm>>) dst(%arg8 : memref<128x128xf32, #tpu.memory_space<vmem>>)
        %dma_start3A_62 = arith.constant 0 : i32
        %dma_start3A_63 = tpu.memref_slice %arg7[%add3A_56, %dma_start3A_62] : memref<16x128xi32, #tpu.memory_space<vmem>> -> memref<1x128xi32, #tpu.memory_space<vmem>>
        %dma_start3A_64 = tpu.memref_squeeze %dma_start3A_63 : memref<1x128xi32, #tpu.memory_space<vmem>> -> memref<128xi32, #tpu.memory_space<vmem>>
        %dma_start3A_65 = arith.constant 0 : i32
        %dma_start3A_66 = arith.constant 0 : i32
        %dma_start3A_67 = tpu.memref_slice %arg10[%dma_start3A_65, %dma_start3A_66] : memref<10112x128xf32, #tpu.memory_space<vmem_shared>> -> memref<10112x128xf32, #tpu.memory_space<vmem_shared>>
        tpu.enqueue_indirect_dma source(%arg8 : memref<128x128xf32, #tpu.memory_space<vmem>>) target(%dma_start3A_67 : memref<10112x128xf32, #tpu.memory_space<vmem_shared>>) offsets(%dma_start3A_64 : memref<128xi32, #tpu.memory_space<vmem>>) semaphore(%arg13 : memref<!tpu.dma_semaphore, #tpu.memory_space<semaphore_mem>>) {add = true}
        %mul3A_68 = arith.constant 2 : i32
        %mul3A_69 = arith.muli %mul3A_68, %scan3A_53 : i32
        %add3A_70 = arith.constant 1 : i32
        %add3A_71 = arith.addi %mul3A_69, %add3A_70 : i32
        %dma_wait3A_72 = arith.constant 0 : i32
        %dma_wait3A_73 = tpu.memref_slice %arg6[%add3A_71, %dma_wait3A_72] : memref<16x128xi32, #tpu.memory_space<vmem>> -> memref<1x128xi32, #tpu.memory_space<vmem>>
        %dma_wait3A_74 = tpu.memref_squeeze %dma_wait3A_73 : memref<1x128xi32, #tpu.memory_space<vmem>> -> memref<128xi32, #tpu.memory_space<vmem>>
        %dma_wait3A_75 = arith.constant 0 : i32
        %dma_wait3A_76 = arith.constant 0 : i32
        %dma_wait3A_77 = tpu.memref_slice %arg2[%dma_wait3A_75, %dma_wait3A_76] : memref<20000x128xf32, #tpu.memory_space<hbm>> -> memref<20000x128xf32, #tpu.memory_space<hbm>>
        tpu.wait_indirect_dma semaphore(%arg12 : memref<!tpu.dma_semaphore, #tpu.memory_space<semaphore_mem>>) src(%dma_wait3A_77 : memref<20000x128xf32, #tpu.memory_space<hbm>>) dst(%arg9 : memref<128x128xf32, #tpu.memory_space<vmem>>)
        %dma_start3A_78 = arith.constant 0 : i32
        %dma_start3A_79 = tpu.memref_slice %arg7[%add3A_71, %dma_start3A_78] : memref<16x128xi32, #tpu.memory_space<vmem>> -> memref<1x128xi32, #tpu.memory_space<vmem>>
        %dma_start3A_80 = tpu.memref_squeeze %dma_start3A_79 : memref<1x128xi32, #tpu.memory_space<vmem>> -> memref<128xi32, #tpu.memory_space<vmem>>
        %dma_start3A_81 = arith.constant 0 : i32
        %dma_start3A_82 = arith.constant 0 : i32
        %dma_start3A_83 = tpu.memref_slice %arg10[%dma_start3A_81, %dma_start3A_82] : memref<10112x128xf32, #tpu.memory_space<vmem_shared>> -> memref<10112x128xf32, #tpu.memory_space<vmem_shared>>
        tpu.enqueue_indirect_dma source(%arg9 : memref<128x128xf32, #tpu.memory_space<vmem>>) target(%dma_start3A_83 : memref<10112x128xf32, #tpu.memory_space<vmem_shared>>) offsets(%dma_start3A_80 : memref<128xi32, #tpu.memory_space<vmem>>) semaphore(%arg14 : memref<!tpu.dma_semaphore, #tpu.memory_space<semaphore_mem>>) {add = true}
        %mul3A_84 = arith.constant 2 : i32
        %mul3A_85 = arith.muli %mul3A_84, %scan3A_53 : i32
        %add3A_86 = arith.constant 0 : i32
        %add3A_87 = arith.addi %mul3A_85, %add3A_86 : i32
        %dma_wait3A_88 = arith.constant 0 : i32
        %dma_wait3A_89 = tpu.memref_slice %arg7[%add3A_87, %dma_wait3A_88] : memref<16x128xi32, #tpu.memory_space<vmem>> -> memref<1x128xi32, #tpu.memory_space<vmem>>
        %dma_wait3A_90 = tpu.memref_squeeze %dma_wait3A_89 : memref<1x128xi32, #tpu.memory_space<vmem>> -> memref<128xi32, #tpu.memory_space<vmem>>
        %dma_wait3A_91 = arith.constant 0 : i32
        %dma_wait3A_92 = arith.constant 0 : i32
        %dma_wait3A_93 = tpu.memref_slice %arg10[%dma_wait3A_91, %dma_wait3A_92] : memref<10112x128xf32, #tpu.memory_space<vmem_shared>> -> memref<10112x128xf32, #tpu.memory_space<vmem_shared>>
        tpu.wait_indirect_dma semaphore(%arg13 : memref<!tpu.dma_semaphore, #tpu.memory_space<semaphore_mem>>) src(%arg8 : memref<128x128xf32, #tpu.memory_space<vmem>>) dst(%dma_wait3A_93 : memref<10112x128xf32, #tpu.memory_space<vmem_shared>>)
        %add3A_94 = arith.constant 2 : i32
        %add3A_95 = arith.addi %add3A_87, %add3A_94 : i32
        %lt3A = arith.constant 16 : i32
        %lt3A_96 = arith.cmpi slt, %add3A_95, %lt3A : i32
        %convert_element_type3A = arith.extui %lt3A_96 : i1 to i32
        %cond3A = arith.constant 0 : i32
        %cond3A_97 = arith.cmpi ne, %convert_element_type3A, %cond3A : i32
        scf.if %cond3A_97 {
          %dma_start3A_115 = arith.constant 0 : i32
          %dma_start3A_116 = tpu.memref_slice %arg6[%add3A_95, %dma_start3A_115] : memref<16x128xi32, #tpu.memory_space<vmem>> -> memref<1x128xi32, #tpu.memory_space<vmem>>
          %dma_start3A_117 = tpu.memref_squeeze %dma_start3A_116 : memref<1x128xi32, #tpu.memory_space<vmem>> -> memref<128xi32, #tpu.memory_space<vmem>>
          %dma_start3A_118 = arith.constant 0 : i32
          %dma_start3A_119 = arith.constant 0 : i32
          %dma_start3A_120 = tpu.memref_slice %arg2[%dma_start3A_118, %dma_start3A_119] : memref<20000x128xf32, #tpu.memory_space<hbm>> -> memref<20000x128xf32, #tpu.memory_space<hbm>>
          tpu.enqueue_indirect_dma source(%dma_start3A_120 : memref<20000x128xf32, #tpu.memory_space<hbm>>) target(%arg8 : memref<128x128xf32, #tpu.memory_space<vmem>>) offsets(%dma_start3A_117 : memref<128xi32, #tpu.memory_space<vmem>>) semaphore(%arg11 : memref<!tpu.dma_semaphore, #tpu.memory_space<semaphore_mem>>)
        } else {
        }
        %mul3A_98 = arith.constant 2 : i32
        %mul3A_99 = arith.muli %mul3A_98, %scan3A_53 : i32
        %add3A_100 = arith.constant 1 : i32
        %add3A_101 = arith.addi %mul3A_99, %add3A_100 : i32
        %dma_wait3A_102 = arith.constant 0 : i32
        %dma_wait3A_103 = tpu.memref_slice %arg7[%add3A_101, %dma_wait3A_102] : memref<16x128xi32, #tpu.memory_space<vmem>> -> memref<1x128xi32, #tpu.memory_space<vmem>>
        %dma_wait3A_104 = tpu.memref_squeeze %dma_wait3A_103 : memref<1x128xi32, #tpu.memory_space<vmem>> -> memref<128xi32, #tpu.memory_space<vmem>>
        %dma_wait3A_105 = arith.constant 0 : i32
        %dma_wait3A_106 = arith.constant 0 : i32
        %dma_wait3A_107 = tpu.memref_slice %arg10[%dma_wait3A_105, %dma_wait3A_106] : memref<10112x128xf32, #tpu.memory_space<vmem_shared>> -> memref<10112x128xf32, #tpu.memory_space<vmem_shared>>
        tpu.wait_indirect_dma semaphore(%arg14 : memref<!tpu.dma_semaphore, #tpu.memory_space<semaphore_mem>>) src(%arg9 : memref<128x128xf32, #tpu.memory_space<vmem>>) dst(%dma_wait3A_107 : memref<10112x128xf32, #tpu.memory_space<vmem_shared>>)
        %add3A_108 = arith.constant 2 : i32
        %add3A_109 = arith.addi %add3A_101, %add3A_108 : i32
        %lt3A_110 = arith.constant 16 : i32
        %lt3A_111 = arith.cmpi slt, %add3A_109, %lt3A_110 : i32
        %convert_element_type3A_112 = arith.extui %lt3A_111 : i1 to i32
        %cond3A_113 = arith.constant 0 : i32
        %cond3A_114 = arith.cmpi ne, %convert_element_type3A_112, %cond3A_113 : i32
        scf.if %cond3A_114 {
          %dma_start3A_115 = arith.constant 0 : i32
          %dma_start3A_116 = tpu.memref_slice %arg6[%add3A_109, %dma_start3A_115] : memref<16x128xi32, #tpu.memory_space<vmem>> -> memref<1x128xi32, #tpu.memory_space<vmem>>
          %dma_start3A_117 = tpu.memref_squeeze %dma_start3A_116 : memref<1x128xi32, #tpu.memory_space<vmem>> -> memref<128xi32, #tpu.memory_space<vmem>>
          %dma_start3A_118 = arith.constant 0 : i32
          %dma_start3A_119 = arith.constant 0 : i32
          %dma_start3A_120 = tpu.memref_slice %arg2[%dma_start3A_118, %dma_start3A_119] : memref<20000x128xf32, #tpu.memory_space<hbm>> -> memref<20000x128xf32, #tpu.memory_space<hbm>>
          tpu.enqueue_indirect_dma source(%dma_start3A_120 : memref<20000x128xf32, #tpu.memory_space<hbm>>) target(%arg9 : memref<128x128xf32, #tpu.memory_space<vmem>>) offsets(%dma_start3A_117 : memref<128xi32, #tpu.memory_space<vmem>>) semaphore(%arg12 : memref<!tpu.dma_semaphore, #tpu.memory_space<semaphore_mem>>)
        } else {
        }
      }
      %scan3A_52 = arith.constant 8 : i32
    }
    %scan3A_16 = arith.constant 5 : i32
    %barrier3A_17 = arith.constant 0 : index
    tpu.barrier barrier_id(%barrier3A_17)
    %scan3A_18 = arith.constant 0 : i32
    %scan3A_19 = arith.constant 0 : i32
    %scan3A_20 = arith.constant 5 : i32
    %scan3A_21 = arith.addi %scan3A_19, %scan3A_20 : i32
    %scan3A_22 = arith.constant 1 : i32
    scf.for %scan3A_24 = %scan3A_19 to %scan3A_21 step %scan3A_22  : i32 {
      %mul3A = arith.constant 16 : i32
      %mul3A_25 = arith.muli %mul3A, %scan3A_24 : i32
      %add3A = arith.addi %arg1, %mul3A_25 : i32
      %lt3A = arith.constant 78 : i32
      %lt3A_26 = arith.cmpi slt, %add3A, %lt3A : i32
      %convert_element_type3A = arith.extui %lt3A_26 : i1 to i32
      %cond3A = arith.constant 0 : i32
      %cond3A_27 = arith.cmpi ne, %convert_element_type3A, %cond3A : i32
      scf.if %cond3A_27 {
        %mul3A_32 = arith.constant 128 : i32
        %mul3A_33 = arith.muli %add3A, %mul3A_32 : i32
        "tpu.region"() ({
          %run_scoped3A = tpu.sem_alloc : memref<!tpu.dma_semaphore, #tpu.memory_space<semaphore_mem>>
          %dma_start3A = arith.constant 0 : i32
          %dma_start3A_36 = tpu.memref_slice %arg10[%mul3A_33, %dma_start3A] : memref<10112x128xf32, #tpu.memory_space<vmem_shared>> -> memref<128x128xf32, #tpu.memory_space<vmem_shared>>
          %dma_start3A_37 = arith.constant 0 : i32
          %dma_start3A_38 = tpu.memref_slice %arg10[%mul3A_33, %dma_start3A_37] : memref<10112x128xf32, #tpu.memory_space<vmem_shared>> -> memref<128x128xf32, #tpu.memory_space<vmem_shared>>
          tpu.enqueue_dma source(%dma_start3A_38 : memref<128x128xf32, #tpu.memory_space<vmem_shared>>) target(%arg8 : memref<128x128xf32, #tpu.memory_space<vmem>>) target_semaphore(%run_scoped3A : memref<!tpu.dma_semaphore, #tpu.memory_space<semaphore_mem>>)
          %dma_wait3A = arith.constant 0 : i32
          %dma_wait3A_39 = tpu.memref_slice %arg10[%mul3A_33, %dma_wait3A] : memref<10112x128xf32, #tpu.memory_space<vmem_shared>> -> memref<128x128xf32, #tpu.memory_space<vmem_shared>>
          %dma_wait3A_40 = arith.constant 0 : i32
          %dma_wait3A_41 = tpu.memref_slice %arg10[%mul3A_33, %dma_wait3A_40] : memref<10112x128xf32, #tpu.memory_space<vmem_shared>> -> memref<128x128xf32, #tpu.memory_space<vmem_shared>>
          tpu.wait_dma2 semaphore(%run_scoped3A : memref<!tpu.dma_semaphore, #tpu.memory_space<semaphore_mem>>) src(%dma_wait3A_41 : memref<128x128xf32, #tpu.memory_space<vmem_shared>>) dst(%arg8 : memref<128x128xf32, #tpu.memory_space<vmem>>)
          tpu.yield
        }) : () -> ()
        %mul3A_34 = arith.constant 128 : i32
        %mul3A_35 = arith.muli %add3A, %mul3A_34 : i32
        "tpu.region"() ({
          %run_scoped3A = tpu.sem_alloc : memref<!tpu.dma_semaphore, #tpu.memory_space<semaphore_mem>>
          %dma_start3A = arith.constant 0 : i32
          %dma_start3A_36 = arith.constant 0 : i32
          %dma_start3A_37 = tpu.memref_slice %arg5[%arg0, %dma_start3A, %dma_start3A_36] : memref<2x10000x128xf32, #tpu.memory_space<hbm>> -> memref<1x10000x128xf32, #tpu.memory_space<hbm>>
          %dma_start3A_38 = tpu.memref_squeeze %dma_start3A_37 : memref<1x10000x128xf32, #tpu.memory_space<hbm>> -> memref<10000x128xf32, #tpu.memory_space<hbm>>
          %dma_start3A_39 = arith.constant 0 : i32
          %dma_start3A_40 = tpu.memref_slice %dma_start3A_38[%mul3A_35, %dma_start3A_39] : memref<10000x128xf32, #tpu.memory_space<hbm>> -> memref<128x128xf32, #tpu.memory_space<hbm>>
          %dma_start3A_41 = arith.constant 0 : i32
          %dma_start3A_42 = arith.constant 0 : i32
          %dma_start3A_43 = tpu.memref_slice %arg5[%arg0, %dma_start3A_41, %dma_start3A_42] : memref<2x10000x128xf32, #tpu.memory_space<hbm>> -> memref<1x10000x128xf32, #tpu.memory_space<hbm>>
          %dma_start3A_44 = tpu.memref_squeeze %dma_start3A_43 : memref<1x10000x128xf32, #tpu.memory_space<hbm>> -> memref<10000x128xf32, #tpu.memory_space<hbm>>
          %dma_start3A_45 = arith.constant 0 : i32
          %dma_start3A_46 = tpu.memref_slice %dma_start3A_44[%mul3A_35, %dma_start3A_45] : memref<10000x128xf32, #tpu.memory_space<hbm>> -> memref<128x128xf32, #tpu.memory_space<hbm>>
          tpu.enqueue_dma source(%arg8 : memref<128x128xf32, #tpu.memory_space<vmem>>) target(%dma_start3A_46 : memref<128x128xf32, #tpu.memory_space<hbm>>) target_semaphore(%run_scoped3A : memref<!tpu.dma_semaphore, #tpu.memory_space<semaphore_mem>>)
          %dma_wait3A = arith.constant 0 : i32
          %dma_wait3A_47 = arith.constant 0 : i32
          %dma_wait3A_48 = tpu.memref_slice %arg5[%arg0, %dma_wait3A, %dma_wait3A_47] : memref<2x10000x128xf32, #tpu.memory_space<hbm>> -> memref<1x10000x128xf32, #tpu.memory_space<hbm>>
          %dma_wait3A_49 = tpu.memref_squeeze %dma_wait3A_48 : memref<1x10000x128xf32, #tpu.memory_space<hbm>> -> memref<10000x128xf32, #tpu.memory_space<hbm>>
          %dma_wait3A_50 = arith.constant 0 : i32
          %dma_wait3A_51 = tpu.memref_slice %dma_wait3A_49[%mul3A_35, %dma_wait3A_50] : memref<10000x128xf32, #tpu.memory_space<hbm>> -> memref<128x128xf32, #tpu.memory_space<hbm>>
          %dma_wait3A_52 = arith.constant 0 : i32
          %dma_wait3A_53 = arith.constant 0 : i32
          %dma_wait3A_54 = tpu.memref_slice %arg5[%arg0, %dma_wait3A_52, %dma_wait3A_53] : memref<2x10000x128xf32, #tpu.memory_space<hbm>> -> memref<1x10000x128xf32, #tpu.memory_space<hbm>>
          %dma_wait3A_55 = tpu.memref_squeeze %dma_wait3A_54 : memref<1x10000x128xf32, #tpu.memory_space<hbm>> -> memref<10000x128xf32, #tpu.memory_space<hbm>>
          %dma_wait3A_56 = arith.constant 0 : i32
          %dma_wait3A_57 = tpu.memref_slice %dma_wait3A_55[%mul3A_35, %dma_wait3A_56] : memref<10000x128xf32, #tpu.memory_space<hbm>> -> memref<128x128xf32, #tpu.memory_space<hbm>>
          tpu.wait_dma2 semaphore(%run_scoped3A : memref<!tpu.dma_semaphore, #tpu.memory_space<semaphore_mem>>) src(%arg8 : memref<128x128xf32, #tpu.memory_space<vmem>>) dst(%dma_wait3A_57 : memref<128x128xf32, #tpu.memory_space<hbm>>)
          tpu.yield
        }) : () -> ()
      } else {
      }
      %eq3A = arith.constant 78 : i32
      %eq3A_28 = arith.cmpi eq, %add3A, %eq3A : i32
      %convert_element_type3A_29 = arith.extui %eq3A_28 : i1 to i32
      %cond3A_30 = arith.constant 0 : i32
      %cond3A_31 = arith.cmpi ne, %convert_element_type3A_29, %cond3A_30 : i32
      scf.if %cond3A_31 {
        "tpu.region"() ({
          %run_scoped3A = tpu.sem_alloc : memref<!tpu.dma_semaphore, #tpu.memory_space<semaphore_mem>>
          %dma_start3A = arith.constant 0 : i32
          %dma_start3A_32 = arith.constant 0 : i32
          %dma_start3A_33 = tpu.memref_slice %arg8[%dma_start3A, %dma_start3A_32] : memref<128x128xf32, #tpu.memory_space<vmem>> -> memref<16x128xf32, #tpu.memory_space<vmem>>
          %dma_start3A_34 = arith.constant 9984 : i32
          %dma_start3A_35 = arith.constant 0 : i32
          %dma_start3A_36 = tpu.memref_slice %arg10[%dma_start3A_34, %dma_start3A_35] : memref<10112x128xf32, #tpu.memory_space<vmem_shared>> -> memref<16x128xf32, #tpu.memory_space<vmem_shared>>
          %dma_start3A_37 = arith.constant 0 : i32
          %dma_start3A_38 = arith.constant 0 : i32
          %dma_start3A_39 = tpu.memref_slice %arg8[%dma_start3A_37, %dma_start3A_38] : memref<128x128xf32, #tpu.memory_space<vmem>> -> memref<16x128xf32, #tpu.memory_space<vmem>>
          %dma_start3A_40 = arith.constant 9984 : i32
          %dma_start3A_41 = arith.constant 0 : i32
          %dma_start3A_42 = tpu.memref_slice %arg10[%dma_start3A_40, %dma_start3A_41] : memref<10112x128xf32, #tpu.memory_space<vmem_shared>> -> memref<16x128xf32, #tpu.memory_space<vmem_shared>>
          tpu.enqueue_dma source(%dma_start3A_42 : memref<16x128xf32, #tpu.memory_space<vmem_shared>>) target(%dma_start3A_39 : memref<16x128xf32, #tpu.memory_space<vmem>>) target_semaphore(%run_scoped3A : memref<!tpu.dma_semaphore, #tpu.memory_space<semaphore_mem>>)
          %dma_wait3A = arith.constant 0 : i32
          %dma_wait3A_43 = arith.constant 0 : i32
          %dma_wait3A_44 = tpu.memref_slice %arg8[%dma_wait3A, %dma_wait3A_43] : memref<128x128xf32, #tpu.memory_space<vmem>> -> memref<16x128xf32, #tpu.memory_space<vmem>>
          %dma_wait3A_45 = arith.constant 9984 : i32
          %dma_wait3A_46 = arith.constant 0 : i32
          %dma_wait3A_47 = tpu.memref_slice %arg10[%dma_wait3A_45, %dma_wait3A_46] : memref<10112x128xf32, #tpu.memory_space<vmem_shared>> -> memref<16x128xf32, #tpu.memory_space<vmem_shared>>
          %dma_wait3A_48 = arith.constant 0 : i32
          %dma_wait3A_49 = arith.constant 0 : i32
          %dma_wait3A_50 = tpu.memref_slice %arg8[%dma_wait3A_48, %dma_wait3A_49] : memref<128x128xf32, #tpu.memory_space<vmem>> -> memref<16x128xf32, #tpu.memory_space<vmem>>
          %dma_wait3A_51 = arith.constant 9984 : i32
          %dma_wait3A_52 = arith.constant 0 : i32
          %dma_wait3A_53 = tpu.memref_slice %arg10[%dma_wait3A_51, %dma_wait3A_52] : memref<10112x128xf32, #tpu.memory_space<vmem_shared>> -> memref<16x128xf32, #tpu.memory_space<vmem_shared>>
          tpu.wait_dma2 semaphore(%run_scoped3A : memref<!tpu.dma_semaphore, #tpu.memory_space<semaphore_mem>>) src(%dma_wait3A_53 : memref<16x128xf32, #tpu.memory_space<vmem_shared>>) dst(%dma_wait3A_50 : memref<16x128xf32, #tpu.memory_space<vmem>>)
          tpu.yield
        }) : () -> ()
        "tpu.region"() ({
          %run_scoped3A = tpu.sem_alloc : memref<!tpu.dma_semaphore, #tpu.memory_space<semaphore_mem>>
          %dma_start3A = arith.constant 0 : i32
          %dma_start3A_32 = arith.constant 0 : i32
          %dma_start3A_33 = tpu.memref_slice %arg8[%dma_start3A, %dma_start3A_32] : memref<128x128xf32, #tpu.memory_space<vmem>> -> memref<16x128xf32, #tpu.memory_space<vmem>>
          %dma_start3A_34 = arith.constant 0 : i32
          %dma_start3A_35 = arith.constant 0 : i32
          %dma_start3A_36 = tpu.memref_slice %arg5[%arg0, %dma_start3A_34, %dma_start3A_35] : memref<2x10000x128xf32, #tpu.memory_space<hbm>> -> memref<1x10000x128xf32, #tpu.memory_space<hbm>>
          %dma_start3A_37 = tpu.memref_squeeze %dma_start3A_36 : memref<1x10000x128xf32, #tpu.memory_space<hbm>> -> memref<10000x128xf32, #tpu.memory_space<hbm>>
          %dma_start3A_38 = arith.constant 9984 : i32
          %dma_start3A_39 = arith.constant 0 : i32
          %dma_start3A_40 = tpu.memref_slice %dma_start3A_37[%dma_start3A_38, %dma_start3A_39] : memref<10000x128xf32, #tpu.memory_space<hbm>> -> memref<16x128xf32, #tpu.memory_space<hbm>>
          %dma_start3A_41 = arith.constant 0 : i32
          %dma_start3A_42 = arith.constant 0 : i32
          %dma_start3A_43 = tpu.memref_slice %arg5[%arg0, %dma_start3A_41, %dma_start3A_42] : memref<2x10000x128xf32, #tpu.memory_space<hbm>> -> memref<1x10000x128xf32, #tpu.memory_space<hbm>>
          %dma_start3A_44 = tpu.memref_squeeze %dma_start3A_43 : memref<1x10000x128xf32, #tpu.memory_space<hbm>> -> memref<10000x128xf32, #tpu.memory_space<hbm>>
          %dma_start3A_45 = arith.constant 9984 : i32
          %dma_start3A_46 = arith.constant 0 : i32
          %dma_start3A_47 = tpu.memref_slice %dma_start3A_44[%dma_start3A_45, %dma_start3A_46] : memref<10000x128xf32, #tpu.memory_space<hbm>> -> memref<16x128xf32, #tpu.memory_space<hbm>>
          %dma_start3A_48 = arith.constant 0 : i32
          %dma_start3A_49 = arith.constant 0 : i32
          %dma_start3A_50 = tpu.memref_slice %arg8[%dma_start3A_48, %dma_start3A_49] : memref<128x128xf32, #tpu.memory_space<vmem>> -> memref<16x128xf32, #tpu.memory_space<vmem>>
          tpu.enqueue_dma source(%dma_start3A_50 : memref<16x128xf32, #tpu.memory_space<vmem>>) target(%dma_start3A_47 : memref<16x128xf32, #tpu.memory_space<hbm>>) target_semaphore(%run_scoped3A : memref<!tpu.dma_semaphore, #tpu.memory_space<semaphore_mem>>)
          %dma_wait3A = arith.constant 0 : i32
          %dma_wait3A_51 = arith.constant 0 : i32
          %dma_wait3A_52 = tpu.memref_slice %arg8[%dma_wait3A, %dma_wait3A_51] : memref<128x128xf32, #tpu.memory_space<vmem>> -> memref<16x128xf32, #tpu.memory_space<vmem>>
          %dma_wait3A_53 = arith.constant 0 : i32
          %dma_wait3A_54 = arith.constant 0 : i32
          %dma_wait3A_55 = tpu.memref_slice %arg5[%arg0, %dma_wait3A_53, %dma_wait3A_54] : memref<2x10000x128xf32, #tpu.memory_space<hbm>> -> memref<1x10000x128xf32, #tpu.memory_space<hbm>>
          %dma_wait3A_56 = tpu.memref_squeeze %dma_wait3A_55 : memref<1x10000x128xf32, #tpu.memory_space<hbm>> -> memref<10000x128xf32, #tpu.memory_space<hbm>>
          %dma_wait3A_57 = arith.constant 9984 : i32
          %dma_wait3A_58 = arith.constant 0 : i32
          %dma_wait3A_59 = tpu.memref_slice %dma_wait3A_56[%dma_wait3A_57, %dma_wait3A_58] : memref<10000x128xf32, #tpu.memory_space<hbm>> -> memref<16x128xf32, #tpu.memory_space<hbm>>
          %dma_wait3A_60 = arith.constant 0 : i32
          %dma_wait3A_61 = arith.constant 0 : i32
          %dma_wait3A_62 = tpu.memref_slice %arg5[%arg0, %dma_wait3A_60, %dma_wait3A_61] : memref<2x10000x128xf32, #tpu.memory_space<hbm>> -> memref<1x10000x128xf32, #tpu.memory_space<hbm>>
          %dma_wait3A_63 = tpu.memref_squeeze %dma_wait3A_62 : memref<1x10000x128xf32, #tpu.memory_space<hbm>> -> memref<10000x128xf32, #tpu.memory_space<hbm>>
          %dma_wait3A_64 = arith.constant 9984 : i32
          %dma_wait3A_65 = arith.constant 0 : i32
          %dma_wait3A_66 = tpu.memref_slice %dma_wait3A_63[%dma_wait3A_64, %dma_wait3A_65] : memref<10000x128xf32, #tpu.memory_space<hbm>> -> memref<16x128xf32, #tpu.memory_space<hbm>>
          %dma_wait3A_67 = arith.constant 0 : i32
          %dma_wait3A_68 = arith.constant 0 : i32
          %dma_wait3A_69 = tpu.memref_slice %arg8[%dma_wait3A_67, %dma_wait3A_68] : memref<128x128xf32, #tpu.memory_space<vmem>> -> memref<16x128xf32, #tpu.memory_space<vmem>>
          tpu.wait_dma2 semaphore(%run_scoped3A : memref<!tpu.dma_semaphore, #tpu.memory_space<semaphore_mem>>) src(%dma_wait3A_69 : memref<16x128xf32, #tpu.memory_space<vmem>>) dst(%dma_wait3A_66 : memref<16x128xf32, #tpu.memory_space<hbm>>)
          tpu.yield
        }) : () -> ()
      } else {
      }
    }
    %scan3A_23 = arith.constant 5 : i32
    return
  }
}

#map = affine_map<(d0, d1) -> (0, 0, 0)>
module attributes {stable_mosaic.version = 14 : i64} {
  func.func @_deg_body(%arg0: i32, %arg1: i32, %arg2: memref<16x80x128xi32, #tpu.memory_space<hbm>>, %arg3: memref<2x10112x128xf32, #tpu.memory_space<hbm>>, %arg4: memref<80x128xi32, #tpu.memory_space<vmem>>, %arg5: memref<128x128xf32, #tpu.memory_space<vmem>>, %arg6: memref<128x128xf32, #tpu.memory_space<vmem>>, %arg7: memref<10112x128xf32, #tpu.memory_space<vmem_shared>>) attributes {dimension_semantics = [#tpu.dimension_semantics<core_parallel>, #tpu.dimension_semantics<subcore_parallel>], iteration_bounds = array<i64: 2, 16>, scalar_prefetch = 0 : i64, scratch_operands = 4 : i64, tpu.core_type = #tpu.core_type<sc_vector_subcore>, window_params = [{transform_indices = #map}, {transform_indices = #map}]} {
    %scan3A = arith.constant 0 : i32
    %scan3A_0 = arith.constant 0 : i32
    %scan3A_1 = arith.constant 128 : i32
    %scan3A_2 = arith.addi %scan3A_0, %scan3A_1 : i32
    %scan3A_3 = arith.constant 1 : i32
    scf.for %scan3A_30 = %scan3A_0 to %scan3A_2 step %scan3A_3  : i32 {
      %scan3A_31 = arith.constant 0 : i32
      %scan3A_32 = arith.constant 8 : i32
      %scan3A_33 = arith.addi %scan3A_31, %scan3A_32 : i32
      %scan3A_34 = arith.constant 1 : i32
      scf.for %scan3A_36 = %scan3A_31 to %scan3A_33 step %scan3A_34  : i32 {
        %broadcast_in_dim3A = arith.constant 1.000000e+00 : f32
        %broadcast_in_dim3A_37 = vector.broadcast %broadcast_in_dim3A : f32 to vector<16xf32>
        %mul3A = arith.constant 16 : i32
        %mul3A_38 = arith.muli %scan3A_36, %mul3A : i32
        %swap3A = arith.index_cast %scan3A_30 : i32 to index
        %swap3A_39 = arith.index_cast %mul3A_38 : i32 to index
        %swap3A_40 = tpu.vector_load %arg5[%swap3A, %swap3A_39] {strides = array<i32>} : memref<128x128xf32, #tpu.memory_space<vmem>>, vector<1x16xf32>,
        %swap3A_41 = vector.shape_cast %swap3A_40 : vector<1x16xf32> to vector<16xf32>
        %swap3A_42 = vector.shape_cast %broadcast_in_dim3A_37 : vector<16xf32> to vector<1x16xf32>
        tpu.vector_store %arg5[%swap3A, %swap3A_39], %swap3A_42 {strides = array<i32>} : memref<128x128xf32, #tpu.memory_space<vmem>>, vector<1x16xf32>,
      }
      %scan3A_35 = arith.constant 8 : i32
    }
    %scan3A_4 = arith.constant 128 : i32
    %scan3A_5 = arith.constant 0 : i32
    %scan3A_6 = arith.constant 0 : i32
    %scan3A_7 = arith.constant 128 : i32
    %scan3A_8 = arith.addi %scan3A_6, %scan3A_7 : i32
    %scan3A_9 = arith.constant 1 : i32
    scf.for %scan3A_30 = %scan3A_6 to %scan3A_8 step %scan3A_9  : i32 {
      %scan3A_31 = arith.constant 0 : i32
      %scan3A_32 = arith.constant 8 : i32
      %scan3A_33 = arith.addi %scan3A_31, %scan3A_32 : i32
      %scan3A_34 = arith.constant 1 : i32
      scf.for %scan3A_36 = %scan3A_31 to %scan3A_33 step %scan3A_34  : i32 {
        %broadcast_in_dim3A = arith.constant 0.000000e+00 : f32
        %broadcast_in_dim3A_37 = vector.broadcast %broadcast_in_dim3A : f32 to vector<16xf32>
        %mul3A = arith.constant 16 : i32
        %mul3A_38 = arith.muli %scan3A_36, %mul3A : i32
        %swap3A = arith.index_cast %scan3A_30 : i32 to index
        %swap3A_39 = arith.index_cast %mul3A_38 : i32 to index
        %swap3A_40 = tpu.vector_load %arg6[%swap3A, %swap3A_39] {strides = array<i32>} : memref<128x128xf32, #tpu.memory_space<vmem>>, vector<1x16xf32>,
        %swap3A_41 = vector.shape_cast %swap3A_40 : vector<1x16xf32> to vector<16xf32>
        %swap3A_42 = vector.shape_cast %broadcast_in_dim3A_37 : vector<16xf32> to vector<1x16xf32>
        tpu.vector_store %arg6[%swap3A, %swap3A_39], %swap3A_42 {strides = array<i32>} : memref<128x128xf32, #tpu.memory_space<vmem>>, vector<1x16xf32>,
      }
      %scan3A_35 = arith.constant 8 : i32
    }
    %scan3A_10 = arith.constant 128 : i32
    %scan3A_11 = arith.constant 0 : i32
    %scan3A_12 = arith.constant 0 : i32
    %scan3A_13 = arith.constant 5 : i32
    %scan3A_14 = arith.addi %scan3A_12, %scan3A_13 : i32
    %scan3A_15 = arith.constant 1 : i32
    scf.for %scan3A_30 = %scan3A_12 to %scan3A_14 step %scan3A_15  : i32 {
      %mul3A = arith.constant 16 : i32
      %mul3A_31 = arith.muli %mul3A, %scan3A_30 : i32
      %add3A = arith.addi %arg1, %mul3A_31 : i32
      %lt3A = arith.constant 79 : i32
      %lt3A_32 = arith.cmpi slt, %add3A, %lt3A : i32
      %convert_element_type3A = arith.extui %lt3A_32 : i1 to i32
      %cond3A = arith.constant 0 : i32
      %cond3A_33 = arith.cmpi ne, %convert_element_type3A, %cond3A : i32
      scf.if %cond3A_33 {
        %mul3A_34 = arith.constant 128 : i32
        %mul3A_35 = arith.muli %add3A, %mul3A_34 : i32
        "tpu.region"() ({
          %run_scoped3A = tpu.sem_alloc : memref<!tpu.dma_semaphore, #tpu.memory_space<semaphore_mem>>
          %dma_start3A = arith.constant 0 : i32
          %dma_start3A_36 = tpu.memref_slice %arg7[%mul3A_35, %dma_start3A] : memref<10112x128xf32, #tpu.memory_space<vmem_shared>> -> memref<128x128xf32, #tpu.memory_space<vmem_shared>>
          %dma_start3A_37 = arith.constant 0 : i32
          %dma_start3A_38 = tpu.memref_slice %arg7[%mul3A_35, %dma_start3A_37] : memref<10112x128xf32, #tpu.memory_space<vmem_shared>> -> memref<128x128xf32, #tpu.memory_space<vmem_shared>>
          tpu.enqueue_dma source(%arg6 : memref<128x128xf32, #tpu.memory_space<vmem>>) target(%dma_start3A_38 : memref<128x128xf32, #tpu.memory_space<vmem_shared>>) target_semaphore(%run_scoped3A : memref<!tpu.dma_semaphore, #tpu.memory_space<semaphore_mem>>)
          %dma_wait3A = arith.constant 0 : i32
          %dma_wait3A_39 = tpu.memref_slice %arg7[%mul3A_35, %dma_wait3A] : memref<10112x128xf32, #tpu.memory_space<vmem_shared>> -> memref<128x128xf32, #tpu.memory_space<vmem_shared>>
          %dma_wait3A_40 = arith.constant 0 : i32
          %dma_wait3A_41 = tpu.memref_slice %arg7[%mul3A_35, %dma_wait3A_40] : memref<10112x128xf32, #tpu.memory_space<vmem_shared>> -> memref<128x128xf32, #tpu.memory_space<vmem_shared>>
          tpu.wait_dma2 semaphore(%run_scoped3A : memref<!tpu.dma_semaphore, #tpu.memory_space<semaphore_mem>>) src(%arg6 : memref<128x128xf32, #tpu.memory_space<vmem>>) dst(%dma_wait3A_41 : memref<128x128xf32, #tpu.memory_space<vmem_shared>>)
          tpu.yield
        }) : () -> ()
      } else {
      }
    }
    %scan3A_16 = arith.constant 5 : i32
    %barrier3A = arith.constant 0 : index
    tpu.barrier barrier_id(%barrier3A)
    "tpu.region"() ({
      %run_scoped3A = tpu.sem_alloc : memref<!tpu.dma_semaphore, #tpu.memory_space<semaphore_mem>>
      %dma_start3A = arith.constant 0 : i32
      %dma_start3A_30 = arith.constant 0 : i32
      %dma_start3A_31 = tpu.memref_slice %arg2[%arg1, %dma_start3A, %dma_start3A_30] : memref<16x80x128xi32, #tpu.memory_space<hbm>> -> memref<1x80x128xi32, #tpu.memory_space<hbm>>
      %dma_start3A_32 = tpu.memref_squeeze %dma_start3A_31 : memref<1x80x128xi32, #tpu.memory_space<hbm>> -> memref<80x128xi32, #tpu.memory_space<hbm>>
      %dma_start3A_33 = arith.constant 0 : i32
      %dma_start3A_34 = arith.constant 0 : i32
      %dma_start3A_35 = tpu.memref_slice %arg2[%arg1, %dma_start3A_33, %dma_start3A_34] : memref<16x80x128xi32, #tpu.memory_space<hbm>> -> memref<1x80x128xi32, #tpu.memory_space<hbm>>
      %dma_start3A_36 = tpu.memref_squeeze %dma_start3A_35 : memref<1x80x128xi32, #tpu.memory_space<hbm>> -> memref<80x128xi32, #tpu.memory_space<hbm>>
      tpu.enqueue_dma source(%dma_start3A_36 : memref<80x128xi32, #tpu.memory_space<hbm>>) target(%arg4 : memref<80x128xi32, #tpu.memory_space<vmem>>) target_semaphore(%run_scoped3A : memref<!tpu.dma_semaphore, #tpu.memory_space<semaphore_mem>>)
      %dma_wait3A = arith.constant 0 : i32
      %dma_wait3A_37 = arith.constant 0 : i32
      %dma_wait3A_38 = tpu.memref_slice %arg2[%arg1, %dma_wait3A, %dma_wait3A_37] : memref<16x80x128xi32, #tpu.memory_space<hbm>> -> memref<1x80x128xi32, #tpu.memory_space<hbm>>
      %dma_wait3A_39 = tpu.memref_squeeze %dma_wait3A_38 : memref<1x80x128xi32, #tpu.memory_space<hbm>> -> memref<80x128xi32, #tpu.memory_space<hbm>>
      %dma_wait3A_40 = arith.constant 0 : i32
      %dma_wait3A_41 = arith.constant 0 : i32
      %dma_wait3A_42 = tpu.memref_slice %arg2[%arg1, %dma_wait3A_40, %dma_wait3A_41] : memref<16x80x128xi32, #tpu.memory_space<hbm>> -> memref<1x80x128xi32, #tpu.memory_space<hbm>>
      %dma_wait3A_43 = tpu.memref_squeeze %dma_wait3A_42 : memref<1x80x128xi32, #tpu.memory_space<hbm>> -> memref<80x128xi32, #tpu.memory_space<hbm>>
      tpu.wait_dma2 semaphore(%run_scoped3A : memref<!tpu.dma_semaphore, #tpu.memory_space<semaphore_mem>>) src(%dma_wait3A_43 : memref<80x128xi32, #tpu.memory_space<hbm>>) dst(%arg4 : memref<80x128xi32, #tpu.memory_space<vmem>>)
      tpu.yield
    }) : () -> ()
    %scan3A_17 = arith.constant 0 : i32
    %scan3A_18 = arith.constant 0 : i32
    %scan3A_19 = arith.constant 40 : i32
    %scan3A_20 = arith.addi %scan3A_18, %scan3A_19 : i32
    %scan3A_21 = arith.constant 1 : i32
    scf.for %scan3A_30 = %scan3A_18 to %scan3A_20 step %scan3A_21  : i32 {
      %mul3A = arith.constant 2 : i32
      %mul3A_31 = arith.muli %mul3A, %scan3A_30 : i32
      %add3A = arith.addi %mul3A_31, %arg0 : i32
      "tpu.region"() ({
        %run_scoped3A = tpu.sem_alloc : memref<!tpu.dma_semaphore, #tpu.memory_space<semaphore_mem>>
        %dma_start3A = arith.constant 0 : i32
        %dma_start3A_32 = tpu.memref_slice %arg4[%add3A, %dma_start3A] : memref<80x128xi32, #tpu.memory_space<vmem>> -> memref<1x128xi32, #tpu.memory_space<vmem>>
        %dma_start3A_33 = tpu.memref_squeeze %dma_start3A_32 : memref<1x128xi32, #tpu.memory_space<vmem>> -> memref<128xi32, #tpu.memory_space<vmem>>
        %dma_start3A_34 = arith.constant 0 : i32
        %dma_start3A_35 = arith.constant 0 : i32
        %dma_start3A_36 = tpu.memref_slice %arg7[%dma_start3A_34, %dma_start3A_35] : memref<10112x128xf32, #tpu.memory_space<vmem_shared>> -> memref<10112x128xf32, #tpu.memory_space<vmem_shared>>
        tpu.enqueue_indirect_dma source(%arg5 : memref<128x128xf32, #tpu.memory_space<vmem>>) target(%dma_start3A_36 : memref<10112x128xf32, #tpu.memory_space<vmem_shared>>) offsets(%dma_start3A_33 : memref<128xi32, #tpu.memory_space<vmem>>) semaphore(%run_scoped3A : memref<!tpu.dma_semaphore, #tpu.memory_space<semaphore_mem>>) {add = true}
        %dma_wait3A = arith.constant 0 : i32
        %dma_wait3A_37 = tpu.memref_slice %arg4[%add3A, %dma_wait3A] : memref<80x128xi32, #tpu.memory_space<vmem>> -> memref<1x128xi32, #tpu.memory_space<vmem>>
        %dma_wait3A_38 = tpu.memref_squeeze %dma_wait3A_37 : memref<1x128xi32, #tpu.memory_space<vmem>> -> memref<128xi32, #tpu.memory_space<vmem>>
        %dma_wait3A_39 = arith.constant 0 : i32
        %dma_wait3A_40 = arith.constant 0 : i32
        %dma_wait3A_41 = tpu.memref_slice %arg7[%dma_wait3A_39, %dma_wait3A_40] : memref<10112x128xf32, #tpu.memory_space<vmem_shared>> -> memref<10112x128xf32, #tpu.memory_space<vmem_shared>>
        tpu.wait_indirect_dma semaphore(%run_scoped3A : memref<!tpu.dma_semaphore, #tpu.memory_space<semaphore_mem>>) src(%arg5 : memref<128x128xf32, #tpu.memory_space<vmem>>) dst(%dma_wait3A_41 : memref<10112x128xf32, #tpu.memory_space<vmem_shared>>)
        tpu.yield
      }) : () -> ()
    }
    %scan3A_22 = arith.constant 40 : i32
    %barrier3A_23 = arith.constant 0 : index
    tpu.barrier barrier_id(%barrier3A_23)
    %scan3A_24 = arith.constant 0 : i32
    %scan3A_25 = arith.constant 0 : i32
    %scan3A_26 = arith.constant 5 : i32
    %scan3A_27 = arith.addi %scan3A_25, %scan3A_26 : i32
    %scan3A_28 = arith.constant 1 : i32
    scf.for %scan3A_30 = %scan3A_25 to %scan3A_27 step %scan3A_28  : i32 {
      %mul3A = arith.constant 16 : i32
      %mul3A_31 = arith.muli %mul3A, %scan3A_30 : i32
      %add3A = arith.addi %arg1, %mul3A_31 : i32
      %lt3A = arith.constant 79 : i32
      %lt3A_32 = arith.cmpi slt, %add3A, %lt3A : i32
      %convert_element_type3A = arith.extui %lt3A_32 : i1 to i32
      %cond3A = arith.constant 0 : i32
      %cond3A_33 = arith.cmpi ne, %convert_element_type3A, %cond3A : i32
      scf.if %cond3A_33 {
        %mul3A_34 = arith.constant 128 : i32
        %mul3A_35 = arith.muli %add3A, %mul3A_34 : i32
        "tpu.region"() ({
          %run_scoped3A = tpu.sem_alloc : memref<!tpu.dma_semaphore, #tpu.memory_space<semaphore_mem>>
          %dma_start3A = arith.constant 0 : i32
          %dma_start3A_38 = tpu.memref_slice %arg7[%mul3A_35, %dma_start3A] : memref<10112x128xf32, #tpu.memory_space<vmem_shared>> -> memref<128x128xf32, #tpu.memory_space<vmem_shared>>
          %dma_start3A_39 = arith.constant 0 : i32
          %dma_start3A_40 = tpu.memref_slice %arg7[%mul3A_35, %dma_start3A_39] : memref<10112x128xf32, #tpu.memory_space<vmem_shared>> -> memref<128x128xf32, #tpu.memory_space<vmem_shared>>
          tpu.enqueue_dma source(%dma_start3A_40 : memref<128x128xf32, #tpu.memory_space<vmem_shared>>) target(%arg6 : memref<128x128xf32, #tpu.memory_space<vmem>>) target_semaphore(%run_scoped3A : memref<!tpu.dma_semaphore, #tpu.memory_space<semaphore_mem>>)
          %dma_wait3A = arith.constant 0 : i32
          %dma_wait3A_41 = tpu.memref_slice %arg7[%mul3A_35, %dma_wait3A] : memref<10112x128xf32, #tpu.memory_space<vmem_shared>> -> memref<128x128xf32, #tpu.memory_space<vmem_shared>>
          %dma_wait3A_42 = arith.constant 0 : i32
          %dma_wait3A_43 = tpu.memref_slice %arg7[%mul3A_35, %dma_wait3A_42] : memref<10112x128xf32, #tpu.memory_space<vmem_shared>> -> memref<128x128xf32, #tpu.memory_space<vmem_shared>>
          tpu.wait_dma2 semaphore(%run_scoped3A : memref<!tpu.dma_semaphore, #tpu.memory_space<semaphore_mem>>) src(%dma_wait3A_43 : memref<128x128xf32, #tpu.memory_space<vmem_shared>>) dst(%arg6 : memref<128x128xf32, #tpu.memory_space<vmem>>)
          tpu.yield
        }) : () -> ()
        %mul3A_36 = arith.constant 128 : i32
        %mul3A_37 = arith.muli %add3A, %mul3A_36 : i32
        "tpu.region"() ({
          %run_scoped3A = tpu.sem_alloc : memref<!tpu.dma_semaphore, #tpu.memory_space<semaphore_mem>>
          %dma_start3A = arith.constant 0 : i32
          %dma_start3A_38 = arith.constant 0 : i32
          %dma_start3A_39 = tpu.memref_slice %arg3[%arg0, %dma_start3A, %dma_start3A_38] : memref<2x10112x128xf32, #tpu.memory_space<hbm>> -> memref<1x10112x128xf32, #tpu.memory_space<hbm>>
          %dma_start3A_40 = tpu.memref_squeeze %dma_start3A_39 : memref<1x10112x128xf32, #tpu.memory_space<hbm>> -> memref<10112x128xf32, #tpu.memory_space<hbm>>
          %dma_start3A_41 = arith.constant 0 : i32
          %dma_start3A_42 = tpu.memref_slice %dma_start3A_40[%mul3A_37, %dma_start3A_41] : memref<10112x128xf32, #tpu.memory_space<hbm>> -> memref<128x128xf32, #tpu.memory_space<hbm>>
          %dma_start3A_43 = arith.constant 0 : i32
          %dma_start3A_44 = arith.constant 0 : i32
          %dma_start3A_45 = tpu.memref_slice %arg3[%arg0, %dma_start3A_43, %dma_start3A_44] : memref<2x10112x128xf32, #tpu.memory_space<hbm>> -> memref<1x10112x128xf32, #tpu.memory_space<hbm>>
          %dma_start3A_46 = tpu.memref_squeeze %dma_start3A_45 : memref<1x10112x128xf32, #tpu.memory_space<hbm>> -> memref<10112x128xf32, #tpu.memory_space<hbm>>
          %dma_start3A_47 = arith.constant 0 : i32
          %dma_start3A_48 = tpu.memref_slice %dma_start3A_46[%mul3A_37, %dma_start3A_47] : memref<10112x128xf32, #tpu.memory_space<hbm>> -> memref<128x128xf32, #tpu.memory_space<hbm>>
          tpu.enqueue_dma source(%arg6 : memref<128x128xf32, #tpu.memory_space<vmem>>) target(%dma_start3A_48 : memref<128x128xf32, #tpu.memory_space<hbm>>) target_semaphore(%run_scoped3A : memref<!tpu.dma_semaphore, #tpu.memory_space<semaphore_mem>>)
          %dma_wait3A = arith.constant 0 : i32
          %dma_wait3A_49 = arith.constant 0 : i32
          %dma_wait3A_50 = tpu.memref_slice %arg3[%arg0, %dma_wait3A, %dma_wait3A_49] : memref<2x10112x128xf32, #tpu.memory_space<hbm>> -> memref<1x10112x128xf32, #tpu.memory_space<hbm>>
          %dma_wait3A_51 = tpu.memref_squeeze %dma_wait3A_50 : memref<1x10112x128xf32, #tpu.memory_space<hbm>> -> memref<10112x128xf32, #tpu.memory_space<hbm>>
          %dma_wait3A_52 = arith.constant 0 : i32
          %dma_wait3A_53 = tpu.memref_slice %dma_wait3A_51[%mul3A_37, %dma_wait3A_52] : memref<10112x128xf32, #tpu.memory_space<hbm>> -> memref<128x128xf32, #tpu.memory_space<hbm>>
          %dma_wait3A_54 = arith.constant 0 : i32
          %dma_wait3A_55 = arith.constant 0 : i32
          %dma_wait3A_56 = tpu.memref_slice %arg3[%arg0, %dma_wait3A_54, %dma_wait3A_55] : memref<2x10112x128xf32, #tpu.memory_space<hbm>> -> memref<1x10112x128xf32, #tpu.memory_space<hbm>>
          %dma_wait3A_57 = tpu.memref_squeeze %dma_wait3A_56 : memref<1x10112x128xf32, #tpu.memory_space<hbm>> -> memref<10112x128xf32, #tpu.memory_space<hbm>>
          %dma_wait3A_58 = arith.constant 0 : i32
          %dma_wait3A_59 = tpu.memref_slice %dma_wait3A_57[%mul3A_37, %dma_wait3A_58] : memref<10112x128xf32, #tpu.memory_space<hbm>> -> memref<128x128xf32, #tpu.memory_space<hbm>>
          tpu.wait_dma2 semaphore(%run_scoped3A : memref<!tpu.dma_semaphore, #tpu.memory_space<semaphore_mem>>) src(%arg6 : memref<128x128xf32, #tpu.memory_space<vmem>>) dst(%dma_wait3A_59 : memref<128x128xf32, #tpu.memory_space<hbm>>)
          tpu.yield
        }) : () -> ()
      } else {
      }
    }
    %scan3A_29 = arith.constant 5 : i32
    return
  }
}

#map = affine_map<(d0, d1) -> (0, 0)>
#map1 = affine_map<(d0, d1) -> (0, 0, 0)>
module attributes {stable_mosaic.version = 14 : i64} {
  func.func @_edge_body(%arg0: i32, %arg1: i32, %arg2: memref<20000x128xf32, #tpu.memory_space<hbm>>, %arg3: memref<16x80x128xi32, #tpu.memory_space<hbm>>, %arg4: memref<16x80x128xi32, #tpu.memory_space<hbm>>, %arg5: memref<2x10000x128xf32, #tpu.memory_space<hbm>>, %arg6: memref<16x128xi32, #tpu.memory_space<vmem>>, %arg7: memref<16x128xi32, #tpu.memory_space<vmem>>, %arg8: memref<128x128xf32, #tpu.memory_space<vmem>>, %arg9: memref<128x128xf32, #tpu.memory_space<vmem>>, %arg10: memref<10112x128xf32, #tpu.memory_space<vmem_shared>>, %arg11: memref<!tpu.dma_semaphore, #tpu.memory_space<semaphore_mem>>, %arg12: memref<!tpu.dma_semaphore, #tpu.memory_space<semaphore_mem>>, %arg13: memref<!tpu.dma_semaphore, #tpu.memory_space<semaphore_mem>>, %arg14: memref<!tpu.dma_semaphore, #tpu.memory_space<semaphore_mem>>) attributes {dimension_semantics = [#tpu.dimension_semantics<core_parallel>, #tpu.dimension_semantics<subcore_parallel>], iteration_bounds = array<i64: 2, 16>, scalar_prefetch = 0 : i64, scratch_operands = 9 : i64, tpu.core_type = #tpu.core_type<sc_vector_subcore>, window_params = [{transform_indices = #map}, {transform_indices = #map1}, {transform_indices = #map1}, {transform_indices = #map1}]} {
    %scan3A = arith.constant 0 : i32
    %scan3A_0 = arith.constant 0 : i32
    %scan3A_1 = arith.constant 128 : i32
    %scan3A_2 = arith.addi %scan3A_0, %scan3A_1 : i32
    %scan3A_3 = arith.constant 1 : i32
    scf.for %scan3A_24 = %scan3A_0 to %scan3A_2 step %scan3A_3  : i32 {
      %scan3A_25 = arith.constant 0 : i32
      %scan3A_26 = arith.constant 8 : i32
      %scan3A_27 = arith.addi %scan3A_25, %scan3A_26 : i32
      %scan3A_28 = arith.constant 1 : i32
      scf.for %scan3A_30 = %scan3A_25 to %scan3A_27 step %scan3A_28  : i32 {
        %broadcast_in_dim3A = arith.constant 0.000000e+00 : f32
        %broadcast_in_dim3A_31 = vector.broadcast %broadcast_in_dim3A : f32 to vector<16xf32>
        %mul3A = arith.constant 16 : i32
        %mul3A_32 = arith.muli %scan3A_30, %mul3A : i32
        %swap3A = arith.index_cast %scan3A_24 : i32 to index
        %swap3A_33 = arith.index_cast %mul3A_32 : i32 to index
        %swap3A_34 = tpu.vector_load %arg8[%swap3A, %swap3A_33] {strides = array<i32>} : memref<128x128xf32, #tpu.memory_space<vmem>>, vector<1x16xf32>,
        %swap3A_35 = vector.shape_cast %swap3A_34 : vector<1x16xf32> to vector<16xf32>
        %swap3A_36 = vector.shape_cast %broadcast_in_dim3A_31 : vector<16xf32> to vector<1x16xf32>
        tpu.vector_store %arg8[%swap3A, %swap3A_33], %swap3A_36 {strides = array<i32>} : memref<128x128xf32, #tpu.memory_space<vmem>>, vector<1x16xf32>,
      }
      %scan3A_29 = arith.constant 8 : i32
    }
    %scan3A_4 = arith.constant 128 : i32
    %scan3A_5 = arith.constant 0 : i32
    %scan3A_6 = arith.constant 0 : i32
    %scan3A_7 = arith.constant 5 : i32
    %scan3A_8 = arith.addi %scan3A_6, %scan3A_7 : i32
    %scan3A_9 = arith.constant 1 : i32
    scf.for %scan3A_24 = %scan3A_6 to %scan3A_8 step %scan3A_9  : i32 {
      %mul3A = arith.constant 16 : i32
      %mul3A_25 = arith.muli %mul3A, %scan3A_24 : i32
      %add3A = arith.addi %arg1, %mul3A_25 : i32
      %lt3A = arith.constant 79 : i32
      %lt3A_26 = arith.cmpi slt, %add3A, %lt3A : i32
      %convert_element_type3A = arith.extui %lt3A_26 : i1 to i32
      %cond3A = arith.constant 0 : i32
      %cond3A_27 = arith.cmpi ne, %convert_element_type3A, %cond3A : i32
      scf.if %cond3A_27 {
        %mul3A_28 = arith.constant 128 : i32
        %mul3A_29 = arith.muli %add3A, %mul3A_28 : i32
        "tpu.region"() ({
          %run_scoped3A = tpu.sem_alloc : memref<!tpu.dma_semaphore, #tpu.memory_space<semaphore_mem>>
          %dma_start3A = arith.constant 0 : i32
          %dma_start3A_30 = tpu.memref_slice %arg10[%mul3A_29, %dma_start3A] : memref<10112x128xf32, #tpu.memory_space<vmem_shared>> -> memref<128x128xf32, #tpu.memory_space<vmem_shared>>
          %dma_start3A_31 = arith.constant 0 : i32
          %dma_start3A_32 = tpu.memref_slice %arg10[%mul3A_29, %dma_start3A_31] : memref<10112x128xf32, #tpu.memory_space<vmem_shared>> -> memref<128x128xf32, #tpu.memory_space<vmem_shared>>
          tpu.enqueue_dma source(%arg8 : memref<128x128xf32, #tpu.memory_space<vmem>>) target(%dma_start3A_32 : memref<128x128xf32, #tpu.memory_space<vmem_shared>>) target_semaphore(%run_scoped3A : memref<!tpu.dma_semaphore, #tpu.memory_space<semaphore_mem>>)
          %dma_wait3A = arith.constant 0 : i32
          %dma_wait3A_33 = tpu.memref_slice %arg10[%mul3A_29, %dma_wait3A] : memref<10112x128xf32, #tpu.memory_space<vmem_shared>> -> memref<128x128xf32, #tpu.memory_space<vmem_shared>>
          %dma_wait3A_34 = arith.constant 0 : i32
          %dma_wait3A_35 = tpu.memref_slice %arg10[%mul3A_29, %dma_wait3A_34] : memref<10112x128xf32, #tpu.memory_space<vmem_shared>> -> memref<128x128xf32, #tpu.memory_space<vmem_shared>>
          tpu.wait_dma2 semaphore(%run_scoped3A : memref<!tpu.dma_semaphore, #tpu.memory_space<semaphore_mem>>) src(%arg8 : memref<128x128xf32, #tpu.memory_space<vmem>>) dst(%dma_wait3A_35 : memref<128x128xf32, #tpu.memory_space<vmem_shared>>)
          tpu.yield
        }) : () -> ()
      } else {
      }
    }
    %scan3A_10 = arith.constant 5 : i32
    %barrier3A = arith.constant 0 : index
    tpu.barrier barrier_id(%barrier3A)
    %scan3A_11 = arith.constant 0 : i32
    %scan3A_12 = arith.constant 0 : i32
    %scan3A_13 = arith.constant 5 : i32
    %scan3A_14 = arith.addi %scan3A_12, %scan3A_13 : i32
    %scan3A_15 = arith.constant 1 : i32
    scf.for %scan3A_24 = %scan3A_12 to %scan3A_14 step %scan3A_15  : i32 {
      %mul3A = arith.constant 16 : i32
      %mul3A_25 = arith.muli %scan3A_24, %mul3A : i32
      "tpu.region"() ({
        %run_scoped3A = tpu.sem_alloc : memref<!tpu.dma_semaphore, #tpu.memory_space<semaphore_mem>>
        %dma_start3A_53 = arith.constant 0 : i32
        %dma_start3A_54 = arith.constant 0 : i32
        %dma_start3A_55 = tpu.memref_slice %arg3[%arg1, %dma_start3A_53, %dma_start3A_54] : memref<16x80x128xi32, #tpu.memory_space<hbm>> -> memref<1x80x128xi32, #tpu.memory_space<hbm>>
        %dma_start3A_56 = tpu.memref_squeeze %dma_start3A_55 : memref<1x80x128xi32, #tpu.memory_space<hbm>> -> memref<80x128xi32, #tpu.memory_space<hbm>>
        %dma_start3A_57 = arith.constant 0 : i32
        %dma_start3A_58 = tpu.memref_slice %dma_start3A_56[%mul3A_25, %dma_start3A_57] : memref<80x128xi32, #tpu.memory_space<hbm>> -> memref<16x128xi32, #tpu.memory_space<hbm>>
        %dma_start3A_59 = arith.constant 0 : i32
        %dma_start3A_60 = arith.constant 0 : i32
        %dma_start3A_61 = tpu.memref_slice %arg3[%arg1, %dma_start3A_59, %dma_start3A_60] : memref<16x80x128xi32, #tpu.memory_space<hbm>> -> memref<1x80x128xi32, #tpu.memory_space<hbm>>
        %dma_start3A_62 = tpu.memref_squeeze %dma_start3A_61 : memref<1x80x128xi32, #tpu.memory_space<hbm>> -> memref<80x128xi32, #tpu.memory_space<hbm>>
        %dma_start3A_63 = arith.constant 0 : i32
        %dma_start3A_64 = tpu.memref_slice %dma_start3A_62[%mul3A_25, %dma_start3A_63] : memref<80x128xi32, #tpu.memory_space<hbm>> -> memref<16x128xi32, #tpu.memory_space<hbm>>
        tpu.enqueue_dma source(%dma_start3A_64 : memref<16x128xi32, #tpu.memory_space<hbm>>) target(%arg6 : memref<16x128xi32, #tpu.memory_space<vmem>>) target_semaphore(%run_scoped3A : memref<!tpu.dma_semaphore, #tpu.memory_space<semaphore_mem>>)
        %dma_wait3A = arith.constant 0 : i32
        %dma_wait3A_65 = arith.constant 0 : i32
        %dma_wait3A_66 = tpu.memref_slice %arg3[%arg1, %dma_wait3A, %dma_wait3A_65] : memref<16x80x128xi32, #tpu.memory_space<hbm>> -> memref<1x80x128xi32, #tpu.memory_space<hbm>>
        %dma_wait3A_67 = tpu.memref_squeeze %dma_wait3A_66 : memref<1x80x128xi32, #tpu.memory_space<hbm>> -> memref<80x128xi32, #tpu.memory_space<hbm>>
        %dma_wait3A_68 = arith.constant 0 : i32
        %dma_wait3A_69 = tpu.memref_slice %dma_wait3A_67[%mul3A_25, %dma_wait3A_68] : memref<80x128xi32, #tpu.memory_space<hbm>> -> memref<16x128xi32, #tpu.memory_space<hbm>>
        %dma_wait3A_70 = arith.constant 0 : i32
        %dma_wait3A_71 = arith.constant 0 : i32
        %dma_wait3A_72 = tpu.memref_slice %arg3[%arg1, %dma_wait3A_70, %dma_wait3A_71] : memref<16x80x128xi32, #tpu.memory_space<hbm>> -> memref<1x80x128xi32, #tpu.memory_space<hbm>>
        %dma_wait3A_73 = tpu.memref_squeeze %dma_wait3A_72 : memref<1x80x128xi32, #tpu.memory_space<hbm>> -> memref<80x128xi32, #tpu.memory_space<hbm>>
        %dma_wait3A_74 = arith.constant 0 : i32
        %dma_wait3A_75 = tpu.memref_slice %dma_wait3A_73[%mul3A_25, %dma_wait3A_74] : memref<80x128xi32, #tpu.memory_space<hbm>> -> memref<16x128xi32, #tpu.memory_space<hbm>>
        tpu.wait_dma2 semaphore(%run_scoped3A : memref<!tpu.dma_semaphore, #tpu.memory_space<semaphore_mem>>) src(%dma_wait3A_75 : memref<16x128xi32, #tpu.memory_space<hbm>>) dst(%arg6 : memref<16x128xi32, #tpu.memory_space<vmem>>)
        tpu.yield
      }) : () -> ()
      %mul3A_26 = arith.constant 16 : i32
      %mul3A_27 = arith.muli %scan3A_24, %mul3A_26 : i32
      "tpu.region"() ({
        %run_scoped3A = tpu.sem_alloc : memref<!tpu.dma_semaphore, #tpu.memory_space<semaphore_mem>>
        %dma_start3A_53 = arith.constant 0 : i32
        %dma_start3A_54 = arith.constant 0 : i32
        %dma_start3A_55 = tpu.memref_slice %arg4[%arg1, %dma_start3A_53, %dma_start3A_54] : memref<16x80x128xi32, #tpu.memory_space<hbm>> -> memref<1x80x128xi32, #tpu.memory_space<hbm>>
        %dma_start3A_56 = tpu.memref_squeeze %dma_start3A_55 : memref<1x80x128xi32, #tpu.memory_space<hbm>> -> memref<80x128xi32, #tpu.memory_space<hbm>>
        %dma_start3A_57 = arith.constant 0 : i32
        %dma_start3A_58 = tpu.memref_slice %dma_start3A_56[%mul3A_27, %dma_start3A_57] : memref<80x128xi32, #tpu.memory_space<hbm>> -> memref<16x128xi32, #tpu.memory_space<hbm>>
        %dma_start3A_59 = arith.constant 0 : i32
        %dma_start3A_60 = arith.constant 0 : i32
        %dma_start3A_61 = tpu.memref_slice %arg4[%arg1, %dma_start3A_59, %dma_start3A_60] : memref<16x80x128xi32, #tpu.memory_space<hbm>> -> memref<1x80x128xi32, #tpu.memory_space<hbm>>
        %dma_start3A_62 = tpu.memref_squeeze %dma_start3A_61 : memref<1x80x128xi32, #tpu.memory_space<hbm>> -> memref<80x128xi32, #tpu.memory_space<hbm>>
        %dma_start3A_63 = arith.constant 0 : i32
        %dma_start3A_64 = tpu.memref_slice %dma_start3A_62[%mul3A_27, %dma_start3A_63] : memref<80x128xi32, #tpu.memory_space<hbm>> -> memref<16x128xi32, #tpu.memory_space<hbm>>
        tpu.enqueue_dma source(%dma_start3A_64 : memref<16x128xi32, #tpu.memory_space<hbm>>) target(%arg7 : memref<16x128xi32, #tpu.memory_space<vmem>>) target_semaphore(%run_scoped3A : memref<!tpu.dma_semaphore, #tpu.memory_space<semaphore_mem>>)
        %dma_wait3A = arith.constant 0 : i32
        %dma_wait3A_65 = arith.constant 0 : i32
        %dma_wait3A_66 = tpu.memref_slice %arg4[%arg1, %dma_wait3A, %dma_wait3A_65] : memref<16x80x128xi32, #tpu.memory_space<hbm>> -> memref<1x80x128xi32, #tpu.memory_space<hbm>>
        %dma_wait3A_67 = tpu.memref_squeeze %dma_wait3A_66 : memref<1x80x128xi32, #tpu.memory_space<hbm>> -> memref<80x128xi32, #tpu.memory_space<hbm>>
        %dma_wait3A_68 = arith.constant 0 : i32
        %dma_wait3A_69 = tpu.memref_slice %dma_wait3A_67[%mul3A_27, %dma_wait3A_68] : memref<80x128xi32, #tpu.memory_space<hbm>> -> memref<16x128xi32, #tpu.memory_space<hbm>>
        %dma_wait3A_70 = arith.constant 0 : i32
        %dma_wait3A_71 = arith.constant 0 : i32
        %dma_wait3A_72 = tpu.memref_slice %arg4[%arg1, %dma_wait3A_70, %dma_wait3A_71] : memref<16x80x128xi32, #tpu.memory_space<hbm>> -> memref<1x80x128xi32, #tpu.memory_space<hbm>>
        %dma_wait3A_73 = tpu.memref_squeeze %dma_wait3A_72 : memref<1x80x128xi32, #tpu.memory_space<hbm>> -> memref<80x128xi32, #tpu.memory_space<hbm>>
        %dma_wait3A_74 = arith.constant 0 : i32
        %dma_wait3A_75 = tpu.memref_slice %dma_wait3A_73[%mul3A_27, %dma_wait3A_74] : memref<80x128xi32, #tpu.memory_space<hbm>> -> memref<16x128xi32, #tpu.memory_space<hbm>>
        tpu.wait_dma2 semaphore(%run_scoped3A : memref<!tpu.dma_semaphore, #tpu.memory_space<semaphore_mem>>) src(%dma_wait3A_75 : memref<16x128xi32, #tpu.memory_space<hbm>>) dst(%arg7 : memref<16x128xi32, #tpu.memory_space<vmem>>)
        tpu.yield
      }) : () -> ()
      %scan3A_28 = arith.constant 0 : i32
      %scan3A_29 = arith.constant 0 : i32
      %scan3A_30 = arith.constant 16 : i32
      %scan3A_31 = arith.addi %scan3A_29, %scan3A_30 : i32
      %scan3A_32 = arith.constant 1 : i32
      scf.for %scan3A_53 = %scan3A_29 to %scan3A_31 step %scan3A_32  : i32 {
        %scan3A_54 = arith.constant 0 : i32
        %scan3A_55 = arith.constant 8 : i32
        %scan3A_56 = arith.addi %scan3A_54, %scan3A_55 : i32
        %scan3A_57 = arith.constant 1 : i32
        scf.for %scan3A_59 = %scan3A_54 to %scan3A_56 step %scan3A_57  : i32 {
          %mul3A_60 = arith.constant 16 : i32
          %mul3A_61 = arith.muli %scan3A_59, %mul3A_60 : i32
          %get3A = arith.index_cast %scan3A_53 : i32 to index
          %get3A_62 = arith.index_cast %mul3A_61 : i32 to index
          %get3A_63 = tpu.vector_load %arg6[%get3A, %get3A_62] {strides = array<i32>} : memref<16x128xi32, #tpu.memory_space<vmem>>, vector<1x16xi32>,
          %get3A_64 = vector.shape_cast %get3A_63 : vector<1x16xi32> to vector<16xi32>
          %mul3A_65 = arith.constant 10000 : i32
          %mul3A_66 = arith.muli %arg0, %mul3A_65 : i32
          %add3A = vector.broadcast %mul3A_66 : i32 to vector<16xi32>
          %add3A_67 = arith.addi %get3A_64, %add3A : vector<16xi32>
          %mul3A_68 = arith.constant 16 : i32
          %mul3A_69 = arith.muli %scan3A_59, %mul3A_68 : i32
          %swap3A = arith.index_cast %scan3A_53 : i32 to index
          %swap3A_70 = arith.index_cast %mul3A_69 : i32 to index
          %swap3A_71 = tpu.vector_load %arg6[%swap3A, %swap3A_70] {strides = array<i32>} : memref<16x128xi32, #tpu.memory_space<vmem>>, vector<1x16xi32>,
          %swap3A_72 = vector.shape_cast %swap3A_71 : vector<1x16xi32> to vector<16xi32>
          %swap3A_73 = vector.shape_cast %add3A_67 : vector<16xi32> to vector<1x16xi32>
          tpu.vector_store %arg6[%swap3A, %swap3A_70], %swap3A_73 {strides = array<i32>} : memref<16x128xi32, #tpu.memory_space<vmem>>, vector<1x16xi32>,
        }
        %scan3A_58 = arith.constant 8 : i32
      }
      %scan3A_33 = arith.constant 16 : i32
      %dma_start3A = arith.constant 0 : i32
      %dma_start3A_34 = arith.constant 0 : i32
      %dma_start3A_35 = tpu.memref_slice %arg6[%dma_start3A, %dma_start3A_34] : memref<16x128xi32, #tpu.memory_space<vmem>> -> memref<1x128xi32, #tpu.memory_space<vmem>>
      %dma_start3A_36 = tpu.memref_squeeze %dma_start3A_35 : memref<1x128xi32, #tpu.memory_space<vmem>> -> memref<128xi32, #tpu.memory_space<vmem>>
      %dma_start3A_37 = arith.constant 0 : i32
      %dma_start3A_38 = arith.constant 0 : i32
      %dma_start3A_39 = tpu.memref_slice %arg2[%dma_start3A_37, %dma_start3A_38] : memref<20000x128xf32, #tpu.memory_space<hbm>> -> memref<20000x128xf32, #tpu.memory_space<hbm>>
      tpu.enqueue_indirect_dma source(%dma_start3A_39 : memref<20000x128xf32, #tpu.memory_space<hbm>>) target(%arg8 : memref<128x128xf32, #tpu.memory_space<vmem>>) offsets(%dma_start3A_36 : memref<128xi32, #tpu.memory_space<vmem>>) semaphore(%arg11 : memref<!tpu.dma_semaphore, #tpu.memory_space<semaphore_mem>>)
      %dma_start3A_40 = arith.constant 1 : i32
      %dma_start3A_41 = arith.constant 0 : i32
      %dma_start3A_42 = tpu.memref_slice %arg6[%dma_start3A_40, %dma_start3A_41] : memref<16x128xi32, #tpu.memory_space<vmem>> -> memref<1x128xi32, #tpu.memory_space<vmem>>
      %dma_start3A_43 = tpu.memref_squeeze %dma_start3A_42 : memref<1x128xi32, #tpu.memory_space<vmem>> -> memref<128xi32, #tpu.memory_space<vmem>>
      %dma_start3A_44 = arith.constant 0 : i32
      %dma_start3A_45 = arith.constant 0 : i32
      %dma_start3A_46 = tpu.memref_slice %arg2[%dma_start3A_44, %dma_start3A_45] : memref<20000x128xf32, #tpu.memory_space<hbm>> -> memref<20000x128xf32, #tpu.memory_space<hbm>>
      tpu.enqueue_indirect_dma source(%dma_start3A_46 : memref<20000x128xf32, #tpu.memory_space<hbm>>) target(%arg9 : memref<128x128xf32, #tpu.memory_space<vmem>>) offsets(%dma_start3A_43 : memref<128xi32, #tpu.memory_space<vmem>>) semaphore(%arg12 : memref<!tpu.dma_semaphore, #tpu.memory_space<semaphore_mem>>)
      %scan3A_47 = arith.constant 0 : i32
      %scan3A_48 = arith.constant 0 : i32
      %scan3A_49 = arith.constant 8 : i32
      %scan3A_50 = arith.addi %scan3A_48, %scan3A_49 : i32
      %scan3A_51 = arith.constant 1 : i32
      scf.for %scan3A_53 = %scan3A_48 to %scan3A_50 step %scan3A_51  : i32 {
        %mul3A_54 = arith.constant 2 : i32
        %mul3A_55 = arith.muli %mul3A_54, %scan3A_53 : i32
        %add3A = arith.constant 0 : i32
        %add3A_56 = arith.addi %mul3A_55, %add3A : i32
        %dma_wait3A = arith.constant 0 : i32
        %dma_wait3A_57 = tpu.memref_slice %arg6[%add3A_56, %dma_wait3A] : memref<16x128xi32, #tpu.memory_space<vmem>> -> memref<1x128xi32, #tpu.memory_space<vmem>>
        %dma_wait3A_58 = tpu.memref_squeeze %dma_wait3A_57 : memref<1x128xi32, #tpu.memory_space<vmem>> -> memref<128xi32, #tpu.memory_space<vmem>>
        %dma_wait3A_59 = arith.constant 0 : i32
        %dma_wait3A_60 = arith.constant 0 : i32
        %dma_wait3A_61 = tpu.memref_slice %arg2[%dma_wait3A_59, %dma_wait3A_60] : memref<20000x128xf32, #tpu.memory_space<hbm>> -> memref<20000x128xf32, #tpu.memory_space<hbm>>
        tpu.wait_indirect_dma semaphore(%arg11 : memref<!tpu.dma_semaphore, #tpu.memory_space<semaphore_mem>>) src(%dma_wait3A_61 : memref<20000x128xf32, #tpu.memory_space<hbm>>) dst(%arg8 : memref<128x128xf32, #tpu.memory_space<vmem>>)
        %dma_start3A_62 = arith.constant 0 : i32
        %dma_start3A_63 = tpu.memref_slice %arg7[%add3A_56, %dma_start3A_62] : memref<16x128xi32, #tpu.memory_space<vmem>> -> memref<1x128xi32, #tpu.memory_space<vmem>>
        %dma_start3A_64 = tpu.memref_squeeze %dma_start3A_63 : memref<1x128xi32, #tpu.memory_space<vmem>> -> memref<128xi32, #tpu.memory_space<vmem>>
        %dma_start3A_65 = arith.constant 0 : i32
        %dma_start3A_66 = arith.constant 0 : i32
        %dma_start3A_67 = tpu.memref_slice %arg10[%dma_start3A_65, %dma_start3A_66] : memref<10112x128xf32, #tpu.memory_space<vmem_shared>> -> memref<10112x128xf32, #tpu.memory_space<vmem_shared>>
        tpu.enqueue_indirect_dma source(%arg8 : memref<128x128xf32, #tpu.memory_space<vmem>>) target(%dma_start3A_67 : memref<10112x128xf32, #tpu.memory_space<vmem_shared>>) offsets(%dma_start3A_64 : memref<128xi32, #tpu.memory_space<vmem>>) semaphore(%arg13 : memref<!tpu.dma_semaphore, #tpu.memory_space<semaphore_mem>>) {add = true}
        %mul3A_68 = arith.constant 2 : i32
        %mul3A_69 = arith.muli %mul3A_68, %scan3A_53 : i32
        %add3A_70 = arith.constant 1 : i32
        %add3A_71 = arith.addi %mul3A_69, %add3A_70 : i32
        %dma_wait3A_72 = arith.constant 0 : i32
        %dma_wait3A_73 = tpu.memref_slice %arg6[%add3A_71, %dma_wait3A_72] : memref<16x128xi32, #tpu.memory_space<vmem>> -> memref<1x128xi32, #tpu.memory_space<vmem>>
        %dma_wait3A_74 = tpu.memref_squeeze %dma_wait3A_73 : memref<1x128xi32, #tpu.memory_space<vmem>> -> memref<128xi32, #tpu.memory_space<vmem>>
        %dma_wait3A_75 = arith.constant 0 : i32
        %dma_wait3A_76 = arith.constant 0 : i32
        %dma_wait3A_77 = tpu.memref_slice %arg2[%dma_wait3A_75, %dma_wait3A_76] : memref<20000x128xf32, #tpu.memory_space<hbm>> -> memref<20000x128xf32, #tpu.memory_space<hbm>>
        tpu.wait_indirect_dma semaphore(%arg12 : memref<!tpu.dma_semaphore, #tpu.memory_space<semaphore_mem>>) src(%dma_wait3A_77 : memref<20000x128xf32, #tpu.memory_space<hbm>>) dst(%arg9 : memref<128x128xf32, #tpu.memory_space<vmem>>)
        %dma_start3A_78 = arith.constant 0 : i32
        %dma_start3A_79 = tpu.memref_slice %arg7[%add3A_71, %dma_start3A_78] : memref<16x128xi32, #tpu.memory_space<vmem>> -> memref<1x128xi32, #tpu.memory_space<vmem>>
        %dma_start3A_80 = tpu.memref_squeeze %dma_start3A_79 : memref<1x128xi32, #tpu.memory_space<vmem>> -> memref<128xi32, #tpu.memory_space<vmem>>
        %dma_start3A_81 = arith.constant 0 : i32
        %dma_start3A_82 = arith.constant 0 : i32
        %dma_start3A_83 = tpu.memref_slice %arg10[%dma_start3A_81, %dma_start3A_82] : memref<10112x128xf32, #tpu.memory_space<vmem_shared>> -> memref<10112x128xf32, #tpu.memory_space<vmem_shared>>
        tpu.enqueue_indirect_dma source(%arg9 : memref<128x128xf32, #tpu.memory_space<vmem>>) target(%dma_start3A_83 : memref<10112x128xf32, #tpu.memory_space<vmem_shared>>) offsets(%dma_start3A_80 : memref<128xi32, #tpu.memory_space<vmem>>) semaphore(%arg14 : memref<!tpu.dma_semaphore, #tpu.memory_space<semaphore_mem>>) {add = true}
        %mul3A_84 = arith.constant 2 : i32
        %mul3A_85 = arith.muli %mul3A_84, %scan3A_53 : i32
        %add3A_86 = arith.constant 0 : i32
        %add3A_87 = arith.addi %mul3A_85, %add3A_86 : i32
        %dma_wait3A_88 = arith.constant 0 : i32
        %dma_wait3A_89 = tpu.memref_slice %arg7[%add3A_87, %dma_wait3A_88] : memref<16x128xi32, #tpu.memory_space<vmem>> -> memref<1x128xi32, #tpu.memory_space<vmem>>
        %dma_wait3A_90 = tpu.memref_squeeze %dma_wait3A_89 : memref<1x128xi32, #tpu.memory_space<vmem>> -> memref<128xi32, #tpu.memory_space<vmem>>
        %dma_wait3A_91 = arith.constant 0 : i32
        %dma_wait3A_92 = arith.constant 0 : i32
        %dma_wait3A_93 = tpu.memref_slice %arg10[%dma_wait3A_91, %dma_wait3A_92] : memref<10112x128xf32, #tpu.memory_space<vmem_shared>> -> memref<10112x128xf32, #tpu.memory_space<vmem_shared>>
        tpu.wait_indirect_dma semaphore(%arg13 : memref<!tpu.dma_semaphore, #tpu.memory_space<semaphore_mem>>) src(%arg8 : memref<128x128xf32, #tpu.memory_space<vmem>>) dst(%dma_wait3A_93 : memref<10112x128xf32, #tpu.memory_space<vmem_shared>>)
        %add3A_94 = arith.constant 2 : i32
        %add3A_95 = arith.addi %add3A_87, %add3A_94 : i32
        %lt3A = arith.constant 16 : i32
        %lt3A_96 = arith.cmpi slt, %add3A_95, %lt3A : i32
        %convert_element_type3A = arith.extui %lt3A_96 : i1 to i32
        %cond3A = arith.constant 0 : i32
        %cond3A_97 = arith.cmpi ne, %convert_element_type3A, %cond3A : i32
        scf.if %cond3A_97 {
          %dma_start3A_115 = arith.constant 0 : i32
          %dma_start3A_116 = tpu.memref_slice %arg6[%add3A_95, %dma_start3A_115] : memref<16x128xi32, #tpu.memory_space<vmem>> -> memref<1x128xi32, #tpu.memory_space<vmem>>
          %dma_start3A_117 = tpu.memref_squeeze %dma_start3A_116 : memref<1x128xi32, #tpu.memory_space<vmem>> -> memref<128xi32, #tpu.memory_space<vmem>>
          %dma_start3A_118 = arith.constant 0 : i32
          %dma_start3A_119 = arith.constant 0 : i32
          %dma_start3A_120 = tpu.memref_slice %arg2[%dma_start3A_118, %dma_start3A_119] : memref<20000x128xf32, #tpu.memory_space<hbm>> -> memref<20000x128xf32, #tpu.memory_space<hbm>>
          tpu.enqueue_indirect_dma source(%dma_start3A_120 : memref<20000x128xf32, #tpu.memory_space<hbm>>) target(%arg8 : memref<128x128xf32, #tpu.memory_space<vmem>>) offsets(%dma_start3A_117 : memref<128xi32, #tpu.memory_space<vmem>>) semaphore(%arg11 : memref<!tpu.dma_semaphore, #tpu.memory_space<semaphore_mem>>)
        } else {
        }
        %mul3A_98 = arith.constant 2 : i32
        %mul3A_99 = arith.muli %mul3A_98, %scan3A_53 : i32
        %add3A_100 = arith.constant 1 : i32
        %add3A_101 = arith.addi %mul3A_99, %add3A_100 : i32
        %dma_wait3A_102 = arith.constant 0 : i32
        %dma_wait3A_103 = tpu.memref_slice %arg7[%add3A_101, %dma_wait3A_102] : memref<16x128xi32, #tpu.memory_space<vmem>> -> memref<1x128xi32, #tpu.memory_space<vmem>>
        %dma_wait3A_104 = tpu.memref_squeeze %dma_wait3A_103 : memref<1x128xi32, #tpu.memory_space<vmem>> -> memref<128xi32, #tpu.memory_space<vmem>>
        %dma_wait3A_105 = arith.constant 0 : i32
        %dma_wait3A_106 = arith.constant 0 : i32
        %dma_wait3A_107 = tpu.memref_slice %arg10[%dma_wait3A_105, %dma_wait3A_106] : memref<10112x128xf32, #tpu.memory_space<vmem_shared>> -> memref<10112x128xf32, #tpu.memory_space<vmem_shared>>
        tpu.wait_indirect_dma semaphore(%arg14 : memref<!tpu.dma_semaphore, #tpu.memory_space<semaphore_mem>>) src(%arg9 : memref<128x128xf32, #tpu.memory_space<vmem>>) dst(%dma_wait3A_107 : memref<10112x128xf32, #tpu.memory_space<vmem_shared>>)
        %add3A_108 = arith.constant 2 : i32
        %add3A_109 = arith.addi %add3A_101, %add3A_108 : i32
        %lt3A_110 = arith.constant 16 : i32
        %lt3A_111 = arith.cmpi slt, %add3A_109, %lt3A_110 : i32
        %convert_element_type3A_112 = arith.extui %lt3A_111 : i1 to i32
        %cond3A_113 = arith.constant 0 : i32
        %cond3A_114 = arith.cmpi ne, %convert_element_type3A_112, %cond3A_113 : i32
        scf.if %cond3A_114 {
          %dma_start3A_115 = arith.constant 0 : i32
          %dma_start3A_116 = tpu.memref_slice %arg6[%add3A_109, %dma_start3A_115] : memref<16x128xi32, #tpu.memory_space<vmem>> -> memref<1x128xi32, #tpu.memory_space<vmem>>
          %dma_start3A_117 = tpu.memref_squeeze %dma_start3A_116 : memref<1x128xi32, #tpu.memory_space<vmem>> -> memref<128xi32, #tpu.memory_space<vmem>>
          %dma_start3A_118 = arith.constant 0 : i32
          %dma_start3A_119 = arith.constant 0 : i32
          %dma_start3A_120 = tpu.memref_slice %arg2[%dma_start3A_118, %dma_start3A_119] : memref<20000x128xf32, #tpu.memory_space<hbm>> -> memref<20000x128xf32, #tpu.memory_space<hbm>>
          tpu.enqueue_indirect_dma source(%dma_start3A_120 : memref<20000x128xf32, #tpu.memory_space<hbm>>) target(%arg9 : memref<128x128xf32, #tpu.memory_space<vmem>>) offsets(%dma_start3A_117 : memref<128xi32, #tpu.memory_space<vmem>>) semaphore(%arg12 : memref<!tpu.dma_semaphore, #tpu.memory_space<semaphore_mem>>)
        } else {
        }
      }
      %scan3A_52 = arith.constant 8 : i32
    }
    %scan3A_16 = arith.constant 5 : i32
    %barrier3A_17 = arith.constant 0 : index
    tpu.barrier barrier_id(%barrier3A_17)
    %scan3A_18 = arith.constant 0 : i32
    %scan3A_19 = arith.constant 0 : i32
    %scan3A_20 = arith.constant 5 : i32
    %scan3A_21 = arith.addi %scan3A_19, %scan3A_20 : i32
    %scan3A_22 = arith.constant 1 : i32
    scf.for %scan3A_24 = %scan3A_19 to %scan3A_21 step %scan3A_22  : i32 {
      %mul3A = arith.constant 16 : i32
      %mul3A_25 = arith.muli %mul3A, %scan3A_24 : i32
      %add3A = arith.addi %arg1, %mul3A_25 : i32
      %lt3A = arith.constant 78 : i32
      %lt3A_26 = arith.cmpi slt, %add3A, %lt3A : i32
      %convert_element_type3A = arith.extui %lt3A_26 : i1 to i32
      %cond3A = arith.constant 0 : i32
      %cond3A_27 = arith.cmpi ne, %convert_element_type3A, %cond3A : i32
      scf.if %cond3A_27 {
        %mul3A_32 = arith.constant 128 : i32
        %mul3A_33 = arith.muli %add3A, %mul3A_32 : i32
        "tpu.region"() ({
          %run_scoped3A = tpu.sem_alloc : memref<!tpu.dma_semaphore, #tpu.memory_space<semaphore_mem>>
          %dma_start3A = arith.constant 0 : i32
          %dma_start3A_36 = tpu.memref_slice %arg10[%mul3A_33, %dma_start3A] : memref<10112x128xf32, #tpu.memory_space<vmem_shared>> -> memref<128x128xf32, #tpu.memory_space<vmem_shared>>
          %dma_start3A_37 = arith.constant 0 : i32
          %dma_start3A_38 = tpu.memref_slice %arg10[%mul3A_33, %dma_start3A_37] : memref<10112x128xf32, #tpu.memory_space<vmem_shared>> -> memref<128x128xf32, #tpu.memory_space<vmem_shared>>
          tpu.enqueue_dma source(%dma_start3A_38 : memref<128x128xf32, #tpu.memory_space<vmem_shared>>) target(%arg8 : memref<128x128xf32, #tpu.memory_space<vmem>>) target_semaphore(%run_scoped3A : memref<!tpu.dma_semaphore, #tpu.memory_space<semaphore_mem>>)
          %dma_wait3A = arith.constant 0 : i32
          %dma_wait3A_39 = tpu.memref_slice %arg10[%mul3A_33, %dma_wait3A] : memref<10112x128xf32, #tpu.memory_space<vmem_shared>> -> memref<128x128xf32, #tpu.memory_space<vmem_shared>>
          %dma_wait3A_40 = arith.constant 0 : i32
          %dma_wait3A_41 = tpu.memref_slice %arg10[%mul3A_33, %dma_wait3A_40] : memref<10112x128xf32, #tpu.memory_space<vmem_shared>> -> memref<128x128xf32, #tpu.memory_space<vmem_shared>>
          tpu.wait_dma2 semaphore(%run_scoped3A : memref<!tpu.dma_semaphore, #tpu.memory_space<semaphore_mem>>) src(%dma_wait3A_41 : memref<128x128xf32, #tpu.memory_space<vmem_shared>>) dst(%arg8 : memref<128x128xf32, #tpu.memory_space<vmem>>)
          tpu.yield
        }) : () -> ()
        %mul3A_34 = arith.constant 128 : i32
        %mul3A_35 = arith.muli %add3A, %mul3A_34 : i32
        "tpu.region"() ({
          %run_scoped3A = tpu.sem_alloc : memref<!tpu.dma_semaphore, #tpu.memory_space<semaphore_mem>>
          %dma_start3A = arith.constant 0 : i32
          %dma_start3A_36 = arith.constant 0 : i32
          %dma_start3A_37 = tpu.memref_slice %arg5[%arg0, %dma_start3A, %dma_start3A_36] : memref<2x10000x128xf32, #tpu.memory_space<hbm>> -> memref<1x10000x128xf32, #tpu.memory_space<hbm>>
          %dma_start3A_38 = tpu.memref_squeeze %dma_start3A_37 : memref<1x10000x128xf32, #tpu.memory_space<hbm>> -> memref<10000x128xf32, #tpu.memory_space<hbm>>
          %dma_start3A_39 = arith.constant 0 : i32
          %dma_start3A_40 = tpu.memref_slice %dma_start3A_38[%mul3A_35, %dma_start3A_39] : memref<10000x128xf32, #tpu.memory_space<hbm>> -> memref<128x128xf32, #tpu.memory_space<hbm>>
          %dma_start3A_41 = arith.constant 0 : i32
          %dma_start3A_42 = arith.constant 0 : i32
          %dma_start3A_43 = tpu.memref_slice %arg5[%arg0, %dma_start3A_41, %dma_start3A_42] : memref<2x10000x128xf32, #tpu.memory_space<hbm>> -> memref<1x10000x128xf32, #tpu.memory_space<hbm>>
          %dma_start3A_44 = tpu.memref_squeeze %dma_start3A_43 : memref<1x10000x128xf32, #tpu.memory_space<hbm>> -> memref<10000x128xf32, #tpu.memory_space<hbm>>
          %dma_start3A_45 = arith.constant 0 : i32
          %dma_start3A_46 = tpu.memref_slice %dma_start3A_44[%mul3A_35, %dma_start3A_45] : memref<10000x128xf32, #tpu.memory_space<hbm>> -> memref<128x128xf32, #tpu.memory_space<hbm>>
          tpu.enqueue_dma source(%arg8 : memref<128x128xf32, #tpu.memory_space<vmem>>) target(%dma_start3A_46 : memref<128x128xf32, #tpu.memory_space<hbm>>) target_semaphore(%run_scoped3A : memref<!tpu.dma_semaphore, #tpu.memory_space<semaphore_mem>>)
          %dma_wait3A = arith.constant 0 : i32
          %dma_wait3A_47 = arith.constant 0 : i32
          %dma_wait3A_48 = tpu.memref_slice %arg5[%arg0, %dma_wait3A, %dma_wait3A_47] : memref<2x10000x128xf32, #tpu.memory_space<hbm>> -> memref<1x10000x128xf32, #tpu.memory_space<hbm>>
          %dma_wait3A_49 = tpu.memref_squeeze %dma_wait3A_48 : memref<1x10000x128xf32, #tpu.memory_space<hbm>> -> memref<10000x128xf32, #tpu.memory_space<hbm>>
          %dma_wait3A_50 = arith.constant 0 : i32
          %dma_wait3A_51 = tpu.memref_slice %dma_wait3A_49[%mul3A_35, %dma_wait3A_50] : memref<10000x128xf32, #tpu.memory_space<hbm>> -> memref<128x128xf32, #tpu.memory_space<hbm>>
          %dma_wait3A_52 = arith.constant 0 : i32
          %dma_wait3A_53 = arith.constant 0 : i32
          %dma_wait3A_54 = tpu.memref_slice %arg5[%arg0, %dma_wait3A_52, %dma_wait3A_53] : memref<2x10000x128xf32, #tpu.memory_space<hbm>> -> memref<1x10000x128xf32, #tpu.memory_space<hbm>>
          %dma_wait3A_55 = tpu.memref_squeeze %dma_wait3A_54 : memref<1x10000x128xf32, #tpu.memory_space<hbm>> -> memref<10000x128xf32, #tpu.memory_space<hbm>>
          %dma_wait3A_56 = arith.constant 0 : i32
          %dma_wait3A_57 = tpu.memref_slice %dma_wait3A_55[%mul3A_35, %dma_wait3A_56] : memref<10000x128xf32, #tpu.memory_space<hbm>> -> memref<128x128xf32, #tpu.memory_space<hbm>>
          tpu.wait_dma2 semaphore(%run_scoped3A : memref<!tpu.dma_semaphore, #tpu.memory_space<semaphore_mem>>) src(%arg8 : memref<128x128xf32, #tpu.memory_space<vmem>>) dst(%dma_wait3A_57 : memref<128x128xf32, #tpu.memory_space<hbm>>)
          tpu.yield
        }) : () -> ()
      } else {
      }
      %eq3A = arith.constant 78 : i32
      %eq3A_28 = arith.cmpi eq, %add3A, %eq3A : i32
      %convert_element_type3A_29 = arith.extui %eq3A_28 : i1 to i32
      %cond3A_30 = arith.constant 0 : i32
      %cond3A_31 = arith.cmpi ne, %convert_element_type3A_29, %cond3A_30 : i32
      scf.if %cond3A_31 {
        "tpu.region"() ({
          %run_scoped3A = tpu.sem_alloc : memref<!tpu.dma_semaphore, #tpu.memory_space<semaphore_mem>>
          %dma_start3A = arith.constant 0 : i32
          %dma_start3A_32 = arith.constant 0 : i32
          %dma_start3A_33 = tpu.memref_slice %arg8[%dma_start3A, %dma_start3A_32] : memref<128x128xf32, #tpu.memory_space<vmem>> -> memref<16x128xf32, #tpu.memory_space<vmem>>
          %dma_start3A_34 = arith.constant 9984 : i32
          %dma_start3A_35 = arith.constant 0 : i32
          %dma_start3A_36 = tpu.memref_slice %arg10[%dma_start3A_34, %dma_start3A_35] : memref<10112x128xf32, #tpu.memory_space<vmem_shared>> -> memref<16x128xf32, #tpu.memory_space<vmem_shared>>
          %dma_start3A_37 = arith.constant 0 : i32
          %dma_start3A_38 = arith.constant 0 : i32
          %dma_start3A_39 = tpu.memref_slice %arg8[%dma_start3A_37, %dma_start3A_38] : memref<128x128xf32, #tpu.memory_space<vmem>> -> memref<16x128xf32, #tpu.memory_space<vmem>>
          %dma_start3A_40 = arith.constant 9984 : i32
          %dma_start3A_41 = arith.constant 0 : i32
          %dma_start3A_42 = tpu.memref_slice %arg10[%dma_start3A_40, %dma_start3A_41] : memref<10112x128xf32, #tpu.memory_space<vmem_shared>> -> memref<16x128xf32, #tpu.memory_space<vmem_shared>>
          tpu.enqueue_dma source(%dma_start3A_42 : memref<16x128xf32, #tpu.memory_space<vmem_shared>>) target(%dma_start3A_39 : memref<16x128xf32, #tpu.memory_space<vmem>>) target_semaphore(%run_scoped3A : memref<!tpu.dma_semaphore, #tpu.memory_space<semaphore_mem>>)
          %dma_wait3A = arith.constant 0 : i32
          %dma_wait3A_43 = arith.constant 0 : i32
          %dma_wait3A_44 = tpu.memref_slice %arg8[%dma_wait3A, %dma_wait3A_43] : memref<128x128xf32, #tpu.memory_space<vmem>> -> memref<16x128xf32, #tpu.memory_space<vmem>>
          %dma_wait3A_45 = arith.constant 9984 : i32
          %dma_wait3A_46 = arith.constant 0 : i32
          %dma_wait3A_47 = tpu.memref_slice %arg10[%dma_wait3A_45, %dma_wait3A_46] : memref<10112x128xf32, #tpu.memory_space<vmem_shared>> -> memref<16x128xf32, #tpu.memory_space<vmem_shared>>
          %dma_wait3A_48 = arith.constant 0 : i32
          %dma_wait3A_49 = arith.constant 0 : i32
          %dma_wait3A_50 = tpu.memref_slice %arg8[%dma_wait3A_48, %dma_wait3A_49] : memref<128x128xf32, #tpu.memory_space<vmem>> -> memref<16x128xf32, #tpu.memory_space<vmem>>
          %dma_wait3A_51 = arith.constant 9984 : i32
          %dma_wait3A_52 = arith.constant 0 : i32
          %dma_wait3A_53 = tpu.memref_slice %arg10[%dma_wait3A_51, %dma_wait3A_52] : memref<10112x128xf32, #tpu.memory_space<vmem_shared>> -> memref<16x128xf32, #tpu.memory_space<vmem_shared>>
          tpu.wait_dma2 semaphore(%run_scoped3A : memref<!tpu.dma_semaphore, #tpu.memory_space<semaphore_mem>>) src(%dma_wait3A_53 : memref<16x128xf32, #tpu.memory_space<vmem_shared>>) dst(%dma_wait3A_50 : memref<16x128xf32, #tpu.memory_space<vmem>>)
          tpu.yield
        }) : () -> ()
        "tpu.region"() ({
          %run_scoped3A = tpu.sem_alloc : memref<!tpu.dma_semaphore, #tpu.memory_space<semaphore_mem>>
          %dma_start3A = arith.constant 0 : i32
          %dma_start3A_32 = arith.constant 0 : i32
          %dma_start3A_33 = tpu.memref_slice %arg8[%dma_start3A, %dma_start3A_32] : memref<128x128xf32, #tpu.memory_space<vmem>> -> memref<16x128xf32, #tpu.memory_space<vmem>>
          %dma_start3A_34 = arith.constant 0 : i32
          %dma_start3A_35 = arith.constant 0 : i32
          %dma_start3A_36 = tpu.memref_slice %arg5[%arg0, %dma_start3A_34, %dma_start3A_35] : memref<2x10000x128xf32, #tpu.memory_space<hbm>> -> memref<1x10000x128xf32, #tpu.memory_space<hbm>>
          %dma_start3A_37 = tpu.memref_squeeze %dma_start3A_36 : memref<1x10000x128xf32, #tpu.memory_space<hbm>> -> memref<10000x128xf32, #tpu.memory_space<hbm>>
          %dma_start3A_38 = arith.constant 9984 : i32
          %dma_start3A_39 = arith.constant 0 : i32
          %dma_start3A_40 = tpu.memref_slice %dma_start3A_37[%dma_start3A_38, %dma_start3A_39] : memref<10000x128xf32, #tpu.memory_space<hbm>> -> memref<16x128xf32, #tpu.memory_space<hbm>>
          %dma_start3A_41 = arith.constant 0 : i32
          %dma_start3A_42 = arith.constant 0 : i32
          %dma_start3A_43 = tpu.memref_slice %arg5[%arg0, %dma_start3A_41, %dma_start3A_42] : memref<2x10000x128xf32, #tpu.memory_space<hbm>> -> memref<1x10000x128xf32, #tpu.memory_space<hbm>>
          %dma_start3A_44 = tpu.memref_squeeze %dma_start3A_43 : memref<1x10000x128xf32, #tpu.memory_space<hbm>> -> memref<10000x128xf32, #tpu.memory_space<hbm>>
          %dma_start3A_45 = arith.constant 9984 : i32
          %dma_start3A_46 = arith.constant 0 : i32
          %dma_start3A_47 = tpu.memref_slice %dma_start3A_44[%dma_start3A_45, %dma_start3A_46] : memref<10000x128xf32, #tpu.memory_space<hbm>> -> memref<16x128xf32, #tpu.memory_space<hbm>>
          %dma_start3A_48 = arith.constant 0 : i32
          %dma_start3A_49 = arith.constant 0 : i32
          %dma_start3A_50 = tpu.memref_slice %arg8[%dma_start3A_48, %dma_start3A_49] : memref<128x128xf32, #tpu.memory_space<vmem>> -> memref<16x128xf32, #tpu.memory_space<vmem>>
          tpu.enqueue_dma source(%dma_start3A_50 : memref<16x128xf32, #tpu.memory_space<vmem>>) target(%dma_start3A_47 : memref<16x128xf32, #tpu.memory_space<hbm>>) target_semaphore(%run_scoped3A : memref<!tpu.dma_semaphore, #tpu.memory_space<semaphore_mem>>)
          %dma_wait3A = arith.constant 0 : i32
          %dma_wait3A_51 = arith.constant 0 : i32
          %dma_wait3A_52 = tpu.memref_slice %arg8[%dma_wait3A, %dma_wait3A_51] : memref<128x128xf32, #tpu.memory_space<vmem>> -> memref<16x128xf32, #tpu.memory_space<vmem>>
          %dma_wait3A_53 = arith.constant 0 : i32
          %dma_wait3A_54 = arith.constant 0 : i32
          %dma_wait3A_55 = tpu.memref_slice %arg5[%arg0, %dma_wait3A_53, %dma_wait3A_54] : memref<2x10000x128xf32, #tpu.memory_space<hbm>> -> memref<1x10000x128xf32, #tpu.memory_space<hbm>>
          %dma_wait3A_56 = tpu.memref_squeeze %dma_wait3A_55 : memref<1x10000x128xf32, #tpu.memory_space<hbm>> -> memref<10000x128xf32, #tpu.memory_space<hbm>>
          %dma_wait3A_57 = arith.constant 9984 : i32
          %dma_wait3A_58 = arith.constant 0 : i32
          %dma_wait3A_59 = tpu.memref_slice %dma_wait3A_56[%dma_wait3A_57, %dma_wait3A_58] : memref<10000x128xf32, #tpu.memory_space<hbm>> -> memref<16x128xf32, #tpu.memory_space<hbm>>
          %dma_wait3A_60 = arith.constant 0 : i32
          %dma_wait3A_61 = arith.constant 0 : i32
          %dma_wait3A_62 = tpu.memref_slice %arg5[%arg0, %dma_wait3A_60, %dma_wait3A_61] : memref<2x10000x128xf32, #tpu.memory_space<hbm>> -> memref<1x10000x128xf32, #tpu.memory_space<hbm>>
          %dma_wait3A_63 = tpu.memref_squeeze %dma_wait3A_62 : memref<1x10000x128xf32, #tpu.memory_space<hbm>> -> memref<10000x128xf32, #tpu.memory_space<hbm>>
          %dma_wait3A_64 = arith.constant 9984 : i32
          %dma_wait3A_65 = arith.constant 0 : i32
          %dma_wait3A_66 = tpu.memref_slice %dma_wait3A_63[%dma_wait3A_64, %dma_wait3A_65] : memref<10000x128xf32, #tpu.memory_space<hbm>> -> memref<16x128xf32, #tpu.memory_space<hbm>>
          %dma_wait3A_67 = arith.constant 0 : i32
          %dma_wait3A_68 = arith.constant 0 : i32
          %dma_wait3A_69 = tpu.memref_slice %arg8[%dma_wait3A_67, %dma_wait3A_68] : memref<128x128xf32, #tpu.memory_space<vmem>> -> memref<16x128xf32, #tpu.memory_space<vmem>>
          tpu.wait_dma2 semaphore(%run_scoped3A : memref<!tpu.dma_semaphore, #tpu.memory_space<semaphore_mem>>) src(%dma_wait3A_69 : memref<16x128xf32, #tpu.memory_space<vmem>>) dst(%dma_wait3A_66 : memref<16x128xf32, #tpu.memory_space<hbm>>)
          tpu.yield
        }) : () -> ()
      } else {
      }
    }
    %scan3A_23 = arith.constant 5 : i32
    return
  }
}

module attributes {stable_mosaic.version = 14 : i64} {
  func.func @_tc1_body(%arg0: i32, %arg1: memref<1000x256xf32, #tpu.memory_space<vmem>>, %arg2: memref<256x256xf32, #tpu.memory_space<vmem>>, %arg3: memref<2x1000x128xf32, #tpu.memory_space<vmem>>, %arg4: memref<1000x256xf32, #tpu.memory_space<vmem>>, %arg5: memref<2x1000x128xf32, #tpu.memory_space<vmem>>) attributes {dimension_semantics = [#tpu.dimension_semantics<arbitrary>], iteration_bounds = array<i64: 10>, scalar_prefetch = 0 : i64, scratch_operands = 0 : i64, tpu.core_type = #tpu.core_type<tc>, window_params = [{transform_indices = @transform_0, window_bounds = array<i64: 1000, 256>}, {pipeline_mode = #tpu.pipeline_mode<synchronous>, transform_indices = @transform_1, window_bounds = array<i64: 256, 256>}, {transform_indices = @transform_2, window_bounds = array<i64: 2, 1000, 128>}, {transform_indices = @transform_3, window_bounds = array<i64: 1000, 256>}, {transform_indices = @transform_4, window_bounds = array<i64: 2, 1000, 128>}]} {
    %get3A = arith.constant 0 : index
    %get3A_0 = arith.constant 0 : index
    %get3A_1 = arith.constant 0 : index
    %get3A_2 = vector.load %arg3[%get3A, %get3A_0, %get3A_1] : memref<2x1000x128xf32, #tpu.memory_space<vmem>>, vector<1x1000x1xf32>
    %get3A_3 = vector.shape_cast %get3A_2 : vector<1x1000x1xf32> to vector<1000x1xf32>
    %get3A_4 = arith.constant 1 : index
    %get3A_5 = arith.constant 0 : index
    %get3A_6 = arith.constant 0 : index
    %get3A_7 = vector.load %arg3[%get3A_4, %get3A_5, %get3A_6] : memref<2x1000x128xf32, #tpu.memory_space<vmem>>, vector<1x1000x1xf32>
    %get3A_8 = vector.shape_cast %get3A_7 : vector<1x1000x1xf32> to vector<1000x1xf32>
    %add3A = arith.addf %get3A_3, %get3A_8 : vector<1000x1xf32>
    %add3A_9 = arith.constant 1.000000e+00 : f32
    %add3A_10 = vector.broadcast %add3A_9 : f32 to vector<1000x1xf32>
    %add3A_11 = arith.addf %add3A, %add3A_10 : vector<1000x1xf32>
    %max3A = arith.constant 9.99999996E-13 : f32
    %max3A_12 = vector.broadcast %max3A : f32 to vector<1000x1xf32>
    %max3A_13 = arith.maximumf %add3A_11, %max3A_12 : vector<1000x1xf32>
    %rsqrt3A = math.rsqrt %max3A_13 : vector<1000x1xf32>
    %get3A_14 = arith.constant 0 : index
    %get3A_15 = arith.constant 0 : index
    %get3A_16 = vector.load %arg1[%get3A_14, %get3A_15] : memref<1000x256xf32, #tpu.memory_space<vmem>>, vector<1000x256xf32>
    %get3A_17 = arith.constant 0 : index
    %get3A_18 = arith.constant 0 : index
    %get3A_19 = vector.load %arg2[%get3A_17, %get3A_18] : memref<256x256xf32, #tpu.memory_space<vmem>>, vector<256x256xf32>
    %dot_general3A = arith.constant dense<0.000000e+00> : vector<1000x256xf32>
    %dot_general3A_20 = tpu.matmul %get3A_16, %get3A_19, %dot_general3A {dimension_numbers = #tpu.dot_dimension_numbers<[1], [0], [0], [1], [0, 0, 1, 1], [], []>, transpose_lhs_hint = false} : vector<1000x256xf32>, vector<256x256xf32>, vector<1000x256xf32> -> vector<1000x256xf32>
    %swap3A = arith.constant 0 : index
    %swap3A_21 = arith.constant 0 : index
    %swap3A_22 = vector.load %arg4[%swap3A, %swap3A_21] : memref<1000x256xf32, #tpu.memory_space<vmem>>, vector<1000x256xf32>
    tpu.vector_store %arg4[%swap3A, %swap3A_21], %dot_general3A_20 {strides = array<i32>} : memref<1000x256xf32, #tpu.memory_space<vmem>>, vector<1000x256xf32>,
    %mul3A = vector.broadcast %rsqrt3A : vector<1000x1xf32> to vector<1000x256xf32>
    %mul3A_23 = arith.mulf %dot_general3A_20, %mul3A : vector<1000x256xf32>
    %slice3A = vector.extract_strided_slice %mul3A_23 {offsets = [0, 0], sizes = [1000, 128], strides = [1, 1]} : vector<1000x256xf32> to vector<1000x128xf32>
    %swap3A_24 = arith.constant 0 : index
    %swap3A_25 = arith.constant 0 : index
    %swap3A_26 = arith.constant 0 : index
    %swap3A_27 = vector.load %arg5[%swap3A_24, %swap3A_25, %swap3A_26] : memref<2x1000x128xf32, #tpu.memory_space<vmem>>, vector<1x1000x128xf32>
    %swap3A_28 = vector.shape_cast %swap3A_27 : vector<1x1000x128xf32> to vector<1000x128xf32>
    %swap3A_29 = vector.shape_cast %slice3A : vector<1000x128xf32> to vector<1x1000x128xf32>
    tpu.vector_store %arg5[%swap3A_24, %swap3A_25, %swap3A_26], %swap3A_29 {strides = array<i32>} : memref<2x1000x128xf32, #tpu.memory_space<vmem>>, vector<1x1000x128xf32>,
    %slice3A_30 = vector.extract_strided_slice %mul3A_23 {offsets = [0, 128], sizes = [1000, 128], strides = [1, 1]} : vector<1000x256xf32> to vector<1000x128xf32>
    %swap3A_31 = arith.constant 1 : index
    %swap3A_32 = arith.constant 0 : index
    %swap3A_33 = arith.constant 0 : index
    %swap3A_34 = vector.load %arg5[%swap3A_31, %swap3A_32, %swap3A_33] : memref<2x1000x128xf32, #tpu.memory_space<vmem>>, vector<1x1000x128xf32>
    %swap3A_35 = vector.shape_cast %swap3A_34 : vector<1x1000x128xf32> to vector<1000x128xf32>
    %swap3A_36 = vector.shape_cast %slice3A_30 : vector<1000x128xf32> to vector<1x1000x128xf32>
    tpu.vector_store %arg5[%swap3A_31, %swap3A_32, %swap3A_33], %swap3A_36 {strides = array<i32>} : memref<2x1000x128xf32, #tpu.memory_space<vmem>>, vector<1x1000x128xf32>,
    return
  }
  func.func @transform_0(%arg0: i32) -> (i32, i32) {
    %c0_i32 = arith.constant 0 : i32
    %c0_i32_0 = arith.constant 0 : i32
    return %arg0, %c0_i32 : i32, i32
  }
  func.func @transform_1(%arg0: i32) -> (i32, i32) {
    %c0_i32 = arith.constant 0 : i32
    %c0_i32_0 = arith.constant 0 : i32
    %c0_i32_1 = arith.constant 0 : i32
    return %c0_i32, %c0_i32_0 : i32, i32
  }
  func.func @transform_2(%arg0: i32) -> (i32, i32, i32) {
    %c0_i32 = arith.constant 0 : i32
    %c0_i32_0 = arith.constant 0 : i32
    %c0_i32_1 = arith.constant 0 : i32
    return %c0_i32, %arg0, %c0_i32_0 : i32, i32, i32
  }
  func.func @transform_3(%arg0: i32) -> (i32, i32) {
    %c0_i32 = arith.constant 0 : i32
    %c0_i32_0 = arith.constant 0 : i32
    return %arg0, %c0_i32 : i32, i32
  }
  func.func @transform_4(%arg0: i32) -> (i32, i32, i32) {
    %c0_i32 = arith.constant 0 : i32
    %c0_i32_0 = arith.constant 0 : i32
    %c0_i32_1 = arith.constant 0 : i32
    return %c0_i32, %arg0, %c0_i32_0 : i32, i32, i32
  }
}

module attributes {stable_mosaic.version = 14 : i64} {
  func.func @_tc2_body(%arg0: i32, %arg1: memref<1000x256xf32, #tpu.memory_space<vmem>>, %arg2: memref<2x1000x128xf32, #tpu.memory_space<vmem>>, %arg3: memref<2x1000x128xf32, #tpu.memory_space<vmem>>, %arg4: memref<1x256xf32, #tpu.memory_space<vmem>>, %arg5: memref<256x256xf32, #tpu.memory_space<vmem>>, %arg6: memref<1000x256xf32, #tpu.memory_space<vmem>>, %arg7: memref<2x1000x128xf32, #tpu.memory_space<vmem>>) attributes {dimension_semantics = [#tpu.dimension_semantics<arbitrary>], iteration_bounds = array<i64: 10>, scalar_prefetch = 0 : i64, scratch_operands = 0 : i64, tpu.core_type = #tpu.core_type<tc>, window_params = [{transform_indices = @transform_0, window_bounds = array<i64: 1000, 256>}, {transform_indices = @transform_1, window_bounds = array<i64: 2, 1000, 128>}, {transform_indices = @transform_2, window_bounds = array<i64: 2, 1000, 128>}, {pipeline_mode = #tpu.pipeline_mode<synchronous>, transform_indices = @transform_3, window_bounds = array<i64: 1, 256>}, {pipeline_mode = #tpu.pipeline_mode<synchronous>, transform_indices = @transform_4, window_bounds = array<i64: 256, 256>}, {transform_indices = @transform_5, window_bounds = array<i64: 1000, 256>}, {transform_indices = @transform_6, window_bounds = array<i64: 2, 1000, 128>}]} {
    %get3A = arith.constant 0 : index
    %get3A_0 = arith.constant 0 : index
    %get3A_1 = arith.constant 0 : index
    %get3A_2 = vector.load %arg3[%get3A, %get3A_0, %get3A_1] : memref<2x1000x128xf32, #tpu.memory_space<vmem>>, vector<1x1000x1xf32>
    %get3A_3 = vector.shape_cast %get3A_2 : vector<1x1000x1xf32> to vector<1000x1xf32>
    %get3A_4 = arith.constant 1 : index
    %get3A_5 = arith.constant 0 : index
    %get3A_6 = arith.constant 0 : index
    %get3A_7 = vector.load %arg3[%get3A_4, %get3A_5, %get3A_6] : memref<2x1000x128xf32, #tpu.memory_space<vmem>>, vector<1x1000x1xf32>
    %get3A_8 = vector.shape_cast %get3A_7 : vector<1x1000x1xf32> to vector<1000x1xf32>
    %add3A = arith.addf %get3A_3, %get3A_8 : vector<1000x1xf32>
    %add3A_9 = arith.constant 1.000000e+00 : f32
    %add3A_10 = vector.broadcast %add3A_9 : f32 to vector<1000x1xf32>
    %add3A_11 = arith.addf %add3A, %add3A_10 : vector<1000x1xf32>
    %max3A = arith.constant 9.99999996E-13 : f32
    %max3A_12 = vector.broadcast %max3A : f32 to vector<1000x1xf32>
    %max3A_13 = arith.maximumf %add3A_11, %max3A_12 : vector<1000x1xf32>
    %rsqrt3A = math.rsqrt %max3A_13 : vector<1000x1xf32>
    %get3A_14 = arith.constant 0 : index
    %get3A_15 = arith.constant 0 : index
    %get3A_16 = arith.constant 0 : index
    %get3A_17 = vector.load %arg2[%get3A_14, %get3A_15, %get3A_16] : memref<2x1000x128xf32, #tpu.memory_space<vmem>>, vector<1x1000x128xf32>
    %get3A_18 = vector.shape_cast %get3A_17 : vector<1x1000x128xf32> to vector<1000x128xf32>
    %get3A_19 = arith.constant 1 : index
    %get3A_20 = arith.constant 0 : index
    %get3A_21 = arith.constant 0 : index
    %get3A_22 = vector.load %arg2[%get3A_19, %get3A_20, %get3A_21] : memref<2x1000x128xf32, #tpu.memory_space<vmem>>, vector<1x1000x128xf32>
    %get3A_23 = vector.shape_cast %get3A_22 : vector<1x1000x128xf32> to vector<1000x128xf32>
    %concatenate3A = tpu.concatenate %get3A_18, %get3A_23 in 1 : vector<1000x128xf32>, vector<1000x128xf32> -> vector<1000x256xf32>
    %mul3A = vector.broadcast %rsqrt3A : vector<1000x1xf32> to vector<1000x256xf32>
    %mul3A_24 = arith.mulf %mul3A, %concatenate3A : vector<1000x256xf32>
    %mul3A_25 = arith.mulf %rsqrt3A, %rsqrt3A : vector<1000x1xf32>
    %get3A_26 = arith.constant 0 : index
    %get3A_27 = arith.constant 0 : index
    %get3A_28 = vector.load %arg1[%get3A_26, %get3A_27] : memref<1000x256xf32, #tpu.memory_space<vmem>>, vector<1000x256xf32>
    %mul3A_29 = vector.broadcast %mul3A_25 : vector<1000x1xf32> to vector<1000x256xf32>
    %mul3A_30 = arith.mulf %mul3A_29, %get3A_28 : vector<1000x256xf32>
    %add3A_31 = arith.addf %mul3A_24, %mul3A_30 : vector<1000x256xf32>
    %get3A_32 = arith.constant 0 : index
    %get3A_33 = arith.constant 0 : index
    %get3A_34 = vector.load %arg4[%get3A_32, %get3A_33] : memref<1x256xf32, #tpu.memory_space<vmem>>, vector<1x256xf32>
    %add3A_35 = vector.broadcast %get3A_34 : vector<1x256xf32> to vector<1000x256xf32>
    %add3A_36 = arith.addf %add3A_31, %add3A_35 : vector<1000x256xf32>
    %max3A_37 = arith.constant 0.000000e+00 : f32
    %max3A_38 = vector.broadcast %max3A_37 : f32 to vector<1000x256xf32>
    %max3A_39 = arith.maximumf %add3A_36, %max3A_38 : vector<1000x256xf32>
    %get3A_40 = arith.constant 0 : index
    %get3A_41 = arith.constant 0 : index
    %get3A_42 = vector.load %arg5[%get3A_40, %get3A_41] : memref<256x256xf32, #tpu.memory_space<vmem>>, vector<256x256xf32>
    %dot_general3A = arith.constant dense<0.000000e+00> : vector<1000x256xf32>
    %dot_general3A_43 = tpu.matmul %max3A_39, %get3A_42, %dot_general3A {dimension_numbers = #tpu.dot_dimension_numbers<[1], [0], [0], [1], [0, 0, 1, 1], [], []>, transpose_lhs_hint = false} : vector<1000x256xf32>, vector<256x256xf32>, vector<1000x256xf32> -> vector<1000x256xf32>
    %swap3A = arith.constant 0 : index
    %swap3A_44 = arith.constant 0 : index
    %swap3A_45 = vector.load %arg6[%swap3A, %swap3A_44] : memref<1000x256xf32, #tpu.memory_space<vmem>>, vector<1000x256xf32>
    tpu.vector_store %arg6[%swap3A, %swap3A_44], %dot_general3A_43 {strides = array<i32>} : memref<1000x256xf32, #tpu.memory_space<vmem>>, vector<1000x256xf32>,
    %mul3A_46 = vector.broadcast %rsqrt3A : vector<1000x1xf32> to vector<1000x256xf32>
    %mul3A_47 = arith.mulf %dot_general3A_43, %mul3A_46 : vector<1000x256xf32>
    %slice3A = vector.extract_strided_slice %mul3A_47 {offsets = [0, 0], sizes = [1000, 128], strides = [1, 1]} : vector<1000x256xf32> to vector<1000x128xf32>
    %swap3A_48 = arith.constant 0 : index
    %swap3A_49 = arith.constant 0 : index
    %swap3A_50 = arith.constant 0 : index
    %swap3A_51 = vector.load %arg7[%swap3A_48, %swap3A_49, %swap3A_50] : memref<2x1000x128xf32, #tpu.memory_space<vmem>>, vector<1x1000x128xf32>
    %swap3A_52 = vector.shape_cast %swap3A_51 : vector<1x1000x128xf32> to vector<1000x128xf32>
    %swap3A_53 = vector.shape_cast %slice3A : vector<1000x128xf32> to vector<1x1000x128xf32>
    tpu.vector_store %arg7[%swap3A_48, %swap3A_49, %swap3A_50], %swap3A_53 {strides = array<i32>} : memref<2x1000x128xf32, #tpu.memory_space<vmem>>, vector<1x1000x128xf32>,
    %slice3A_54 = vector.extract_strided_slice %mul3A_47 {offsets = [0, 128], sizes = [1000, 128], strides = [1, 1]} : vector<1000x256xf32> to vector<1000x128xf32>
    %swap3A_55 = arith.constant 1 : index
    %swap3A_56 = arith.constant 0 : index
    %swap3A_57 = arith.constant 0 : index
    %swap3A_58 = vector.load %arg7[%swap3A_55, %swap3A_56, %swap3A_57] : memref<2x1000x128xf32, #tpu.memory_space<vmem>>, vector<1x1000x128xf32>
    %swap3A_59 = vector.shape_cast %swap3A_58 : vector<1x1000x128xf32> to vector<1000x128xf32>
    %swap3A_60 = vector.shape_cast %slice3A_54 : vector<1000x128xf32> to vector<1x1000x128xf32>
    tpu.vector_store %arg7[%swap3A_55, %swap3A_56, %swap3A_57], %swap3A_60 {strides = array<i32>} : memref<2x1000x128xf32, #tpu.memory_space<vmem>>, vector<1x1000x128xf32>,
    return
  }
  func.func @transform_0(%arg0: i32) -> (i32, i32) {
    %c0_i32 = arith.constant 0 : i32
    %c0_i32_0 = arith.constant 0 : i32
    return %arg0, %c0_i32 : i32, i32
  }
  func.func @transform_1(%arg0: i32) -> (i32, i32, i32) {
    %c0_i32 = arith.constant 0 : i32
    %c0_i32_0 = arith.constant 0 : i32
    %c0_i32_1 = arith.constant 0 : i32
    return %c0_i32, %arg0, %c0_i32_0 : i32, i32, i32
  }
  func.func @transform_2(%arg0: i32) -> (i32, i32, i32) {
    %c0_i32 = arith.constant 0 : i32
    %c0_i32_0 = arith.constant 0 : i32
    %c0_i32_1 = arith.constant 0 : i32
    return %c0_i32, %arg0, %c0_i32_0 : i32, i32, i32
  }
  func.func @transform_3(%arg0: i32) -> (i32, i32) {
    %c0_i32 = arith.constant 0 : i32
    %c0_i32_0 = arith.constant 0 : i32
    %c0_i32_1 = arith.constant 0 : i32
    return %c0_i32, %c0_i32_0 : i32, i32
  }
  func.func @transform_4(%arg0: i32) -> (i32, i32) {
    %c0_i32 = arith.constant 0 : i32
    %c0_i32_0 = arith.constant 0 : i32
    %c0_i32_1 = arith.constant 0 : i32
    return %c0_i32, %c0_i32_0 : i32, i32
  }
  func.func @transform_5(%arg0: i32) -> (i32, i32) {
    %c0_i32 = arith.constant 0 : i32
    %c0_i32_0 = arith.constant 0 : i32
    return %arg0, %c0_i32 : i32, i32
  }
  func.func @transform_6(%arg0: i32) -> (i32, i32, i32) {
    %c0_i32 = arith.constant 0 : i32
    %c0_i32_0 = arith.constant 0 : i32
    %c0_i32_1 = arith.constant 0 : i32
    return %c0_i32, %arg0, %c0_i32_0 : i32, i32, i32
  }
}

module attributes {stable_mosaic.version = 14 : i64} {
  func.func @_tc3_body(%arg0: i32, %arg1: memref<1000x256xf32, #tpu.memory_space<vmem>>, %arg2: memref<2x1000x128xf32, #tpu.memory_space<vmem>>, %arg3: memref<2x1000x128xf32, #tpu.memory_space<vmem>>, %arg4: memref<1x256xf32, #tpu.memory_space<vmem>>, %arg5: memref<1000x1xi32, #tpu.memory_space<vmem>>, %arg6: memref<64x256xf32, #tpu.memory_space<vmem>>, %arg7: memref<256x256xf32, #tpu.memory_space<vmem>>, %arg8: memref<1x256xf32, #tpu.memory_space<vmem>>, %arg9: memref<256x256xf32, #tpu.memory_space<vmem>>, %arg10: memref<1x256xf32, #tpu.memory_space<vmem>>, %arg11: memref<256x256xf32, #tpu.memory_space<vmem>>, %arg12: memref<1x256xf32, #tpu.memory_space<vmem>>, %arg13: memref<64x128xf32, #tpu.memory_space<vmem>>, %arg14: memref<64x256xf32, #tpu.memory_space<vmem>>, %arg15: memref<64x128xf32, #tpu.memory_space<vmem>>) attributes {dimension_semantics = [#tpu.dimension_semantics<arbitrary>], iteration_bounds = array<i64: 10>, scalar_prefetch = 0 : i64, scratch_operands = 2 : i64, tpu.core_type = #tpu.core_type<tc>, window_params = [{transform_indices = @transform_0, window_bounds = array<i64: 1000, 256>}, {transform_indices = @transform_1, window_bounds = array<i64: 2, 1000, 128>}, {transform_indices = @transform_2, window_bounds = array<i64: 2, 1000, 128>}, {pipeline_mode = #tpu.pipeline_mode<synchronous>, transform_indices = @transform_3, window_bounds = array<i64: 1, 256>}, {transform_indices = @transform_4, window_bounds = array<i64: 1000, 1>}, {pipeline_mode = #tpu.pipeline_mode<synchronous>, transform_indices = @transform_5, window_bounds = array<i64: 64, 256>}, {pipeline_mode = #tpu.pipeline_mode<synchronous>, transform_indices = @transform_6, window_bounds = array<i64: 256, 256>}, {pipeline_mode = #tpu.pipeline_mode<synchronous>, transform_indices = @transform_7, window_bounds = array<i64: 1, 256>}, {pipeline_mode = #tpu.pipeline_mode<synchronous>, transform_indices = @transform_8, window_bounds = array<i64: 256, 256>}, {pipeline_mode = #tpu.pipeline_mode<synchronous>, transform_indices = @transform_9, window_bounds = array<i64: 1, 256>}, {pipeline_mode = #tpu.pipeline_mode<synchronous>, transform_indices = @transform_10, window_bounds = array<i64: 256, 256>}, {pipeline_mode = #tpu.pipeline_mode<synchronous>, transform_indices = @transform_11, window_bounds = array<i64: 1, 256>}, {pipeline_mode = #tpu.pipeline_mode<synchronous>, transform_indices = @transform_12, window_bounds = array<i64: 64, 128>}]} {
    %get3A = arith.constant 0 : index
    %get3A_0 = arith.constant 0 : index
    %get3A_1 = arith.constant 0 : index
    %get3A_2 = vector.load %arg3[%get3A, %get3A_0, %get3A_1] : memref<2x1000x128xf32, #tpu.memory_space<vmem>>, vector<1x1000x1xf32>
    %get3A_3 = vector.shape_cast %get3A_2 : vector<1x1000x1xf32> to vector<1000x1xf32>
    %get3A_4 = arith.constant 1 : index
    %get3A_5 = arith.constant 0 : index
    %get3A_6 = arith.constant 0 : index
    %get3A_7 = vector.load %arg3[%get3A_4, %get3A_5, %get3A_6] : memref<2x1000x128xf32, #tpu.memory_space<vmem>>, vector<1x1000x1xf32>
    %get3A_8 = vector.shape_cast %get3A_7 : vector<1x1000x1xf32> to vector<1000x1xf32>
    %add3A = arith.addf %get3A_3, %get3A_8 : vector<1000x1xf32>
    %add3A_9 = arith.constant 1.000000e+00 : f32
    %add3A_10 = vector.broadcast %add3A_9 : f32 to vector<1000x1xf32>
    %add3A_11 = arith.addf %add3A, %add3A_10 : vector<1000x1xf32>
    %max3A = arith.constant 9.99999996E-13 : f32
    %max3A_12 = vector.broadcast %max3A : f32 to vector<1000x1xf32>
    %max3A_13 = arith.maximumf %add3A_11, %max3A_12 : vector<1000x1xf32>
    %rsqrt3A = math.rsqrt %max3A_13 : vector<1000x1xf32>
    %get3A_14 = arith.constant 0 : index
    %get3A_15 = arith.constant 0 : index
    %get3A_16 = arith.constant 0 : index
    %get3A_17 = vector.load %arg2[%get3A_14, %get3A_15, %get3A_16] : memref<2x1000x128xf32, #tpu.memory_space<vmem>>, vector<1x1000x128xf32>
    %get3A_18 = vector.shape_cast %get3A_17 : vector<1x1000x128xf32> to vector<1000x128xf32>
    %get3A_19 = arith.constant 1 : index
    %get3A_20 = arith.constant 0 : index
    %get3A_21 = arith.constant 0 : index
    %get3A_22 = vector.load %arg2[%get3A_19, %get3A_20, %get3A_21] : memref<2x1000x128xf32, #tpu.memory_space<vmem>>, vector<1x1000x128xf32>
    %get3A_23 = vector.shape_cast %get3A_22 : vector<1x1000x128xf32> to vector<1000x128xf32>
    %concatenate3A = tpu.concatenate %get3A_18, %get3A_23 in 1 : vector<1000x128xf32>, vector<1000x128xf32> -> vector<1000x256xf32>
    %mul3A = vector.broadcast %rsqrt3A : vector<1000x1xf32> to vector<1000x256xf32>
    %mul3A_24 = arith.mulf %mul3A, %concatenate3A : vector<1000x256xf32>
    %mul3A_25 = arith.mulf %rsqrt3A, %rsqrt3A : vector<1000x1xf32>
    %get3A_26 = arith.constant 0 : index
    %get3A_27 = arith.constant 0 : index
    %get3A_28 = vector.load %arg1[%get3A_26, %get3A_27] : memref<1000x256xf32, #tpu.memory_space<vmem>>, vector<1000x256xf32>
    %mul3A_29 = vector.broadcast %mul3A_25 : vector<1000x1xf32> to vector<1000x256xf32>
    %mul3A_30 = arith.mulf %mul3A_29, %get3A_28 : vector<1000x256xf32>
    %add3A_31 = arith.addf %mul3A_24, %mul3A_30 : vector<1000x256xf32>
    %get3A_32 = arith.constant 0 : index
    %get3A_33 = arith.constant 0 : index
    %get3A_34 = vector.load %arg4[%get3A_32, %get3A_33] : memref<1x256xf32, #tpu.memory_space<vmem>>, vector<1x256xf32>
    %add3A_35 = vector.broadcast %get3A_34 : vector<1x256xf32> to vector<1000x256xf32>
    %add3A_36 = arith.addf %add3A_31, %add3A_35 : vector<1000x256xf32>
    %iota3A = tpu.iota {dimensions = array<i32: 1>} : vector<1000x64xi32>
    %get3A_37 = arith.constant 0 : index
    %get3A_38 = arith.constant 0 : index
    %get3A_39 = vector.load %arg5[%get3A_37, %get3A_38] : memref<1000x1xi32, #tpu.memory_space<vmem>>, vector<1000x1xi32>
    %eq3A = vector.broadcast %get3A_39 : vector<1000x1xi32> to vector<1000x64xi32>
    %eq3A_40 = arith.cmpi eq, %eq3A, %iota3A : vector<1000x64xi32>
    %convert_element_type3A = arith.extui %eq3A_40 : vector<1000x64xi1> to vector<1000x64xi32>
    %convert_element_type3A_41 = arith.sitofp %convert_element_type3A : vector<1000x64xi32> to vector<1000x64xf32>
    %dot_general3A = arith.constant dense<0.000000e+00> : vector<64x256xf32>
    %dot_general3A_42 = tpu.matmul %convert_element_type3A_41, %add3A_36, %dot_general3A {dimension_numbers = #tpu.dot_dimension_numbers<[0], [0], [1], [1], [0, 1, 1, 1], [], []>, transpose_lhs_hint = false} : vector<1000x64xf32>, vector<1000x256xf32>, vector<64x256xf32> -> vector<64x256xf32>
    %broadcast_in_dim3A = arith.constant 1.000000e+00 : f32
    %broadcast_in_dim3A_43 = vector.broadcast %broadcast_in_dim3A : f32 to vector<1000x128xf32>
    %dot_general3A_44 = arith.constant dense<0.000000e+00> : vector<64x128xf32>
    %dot_general3A_45 = tpu.matmul %convert_element_type3A_41, %broadcast_in_dim3A_43, %dot_general3A_44 {dimension_numbers = #tpu.dot_dimension_numbers<[0], [0], [1], [1], [0, 1, 1, 1], [], []>, transpose_lhs_hint = false} : vector<1000x64xf32>, vector<1000x128xf32>, vector<64x128xf32> -> vector<64x128xf32>
    %eq3A_46 = arith.constant 0 : i32
    %eq3A_47 = arith.cmpi eq, %arg0, %eq3A_46 : i32
    %convert_element_type3A_48 = arith.extui %eq3A_47 : i1 to i32
    %cond3A = arith.constant 0 : i32
    %cond3A_49 = arith.cmpi ne, %convert_element_type3A_48, %cond3A : i32
    scf.if %cond3A_49 {
      %broadcast_in_dim3A_68 = arith.constant 0.000000e+00 : f32
      %broadcast_in_dim3A_69 = vector.broadcast %broadcast_in_dim3A_68 : f32 to vector<64x256xf32>
      %swap3A_70 = arith.constant 0 : index
      %swap3A_71 = arith.constant 0 : index
      %swap3A_72 = vector.load %arg14[%swap3A_70, %swap3A_71] : memref<64x256xf32, #tpu.memory_space<vmem>>, vector<64x256xf32>
      tpu.vector_store %arg14[%swap3A_70, %swap3A_71], %broadcast_in_dim3A_69 {strides = array<i32>} : memref<64x256xf32, #tpu.memory_space<vmem>>, vector<64x256xf32>,
      %broadcast_in_dim3A_73 = arith.constant 0.000000e+00 : f32
      %broadcast_in_dim3A_74 = vector.broadcast %broadcast_in_dim3A_73 : f32 to vector<64x128xf32>
      %swap3A_75 = arith.constant 0 : index
      %swap3A_76 = arith.constant 0 : index
      %swap3A_77 = vector.load %arg15[%swap3A_75, %swap3A_76] : memref<64x128xf32, #tpu.memory_space<vmem>>, vector<64x128xf32>
      tpu.vector_store %arg15[%swap3A_75, %swap3A_76], %broadcast_in_dim3A_74 {strides = array<i32>} : memref<64x128xf32, #tpu.memory_space<vmem>>, vector<64x128xf32>,
    } else {
    }
    %get3A_50 = arith.constant 0 : index
    %get3A_51 = arith.constant 0 : index
    %get3A_52 = vector.load %arg14[%get3A_50, %get3A_51] : memref<64x256xf32, #tpu.memory_space<vmem>>, vector<64x256xf32>
    %add3A_53 = arith.addf %get3A_52, %dot_general3A_42 : vector<64x256xf32>
    %swap3A = arith.constant 0 : index
    %swap3A_54 = arith.constant 0 : index
    %swap3A_55 = vector.load %arg14[%swap3A, %swap3A_54] : memref<64x256xf32, #tpu.memory_space<vmem>>, vector<64x256xf32>
    tpu.vector_store %arg14[%swap3A, %swap3A_54], %add3A_53 {strides = array<i32>} : memref<64x256xf32, #tpu.memory_space<vmem>>, vector<64x256xf32>,
    %get3A_56 = arith.constant 0 : index
    %get3A_57 = arith.constant 0 : index
    %get3A_58 = vector.load %arg15[%get3A_56, %get3A_57] : memref<64x128xf32, #tpu.memory_space<vmem>>, vector<64x128xf32>
    %add3A_59 = arith.addf %get3A_58, %dot_general3A_45 : vector<64x128xf32>
    %swap3A_60 = arith.constant 0 : index
    %swap3A_61 = arith.constant 0 : index
    %swap3A_62 = vector.load %arg15[%swap3A_60, %swap3A_61] : memref<64x128xf32, #tpu.memory_space<vmem>>, vector<64x128xf32>
    tpu.vector_store %arg15[%swap3A_60, %swap3A_61], %add3A_59 {strides = array<i32>} : memref<64x128xf32, #tpu.memory_space<vmem>>, vector<64x128xf32>,
    %eq3A_63 = arith.constant 9 : i32
    %eq3A_64 = arith.cmpi eq, %arg0, %eq3A_63 : i32
    %convert_element_type3A_65 = arith.extui %eq3A_64 : i1 to i32
    %cond3A_66 = arith.constant 0 : i32
    %cond3A_67 = arith.cmpi ne, %convert_element_type3A_65, %cond3A_66 : i32
    scf.if %cond3A_67 {
      %get3A_68 = arith.constant 0 : index
      %get3A_69 = arith.constant 0 : index
      %get3A_70 = vector.load %arg15[%get3A_68, %get3A_69] : memref<64x128xf32, #tpu.memory_space<vmem>>, vector<64x1xf32>
      %get3A_71 = arith.constant 0 : index
      %get3A_72 = arith.constant 0 : index
      %get3A_73 = vector.load %arg14[%get3A_71, %get3A_72] : memref<64x256xf32, #tpu.memory_space<vmem>>, vector<64x256xf32>
      %max3A_74 = arith.constant 1.000000e+00 : f32
      %max3A_75 = vector.broadcast %max3A_74 : f32 to vector<64x1xf32>
      %max3A_76 = arith.maximumf %get3A_70, %max3A_75 : vector<64x1xf32>
      %div3A = vector.broadcast %max3A_76 : vector<64x1xf32> to vector<64x256xf32>
      %div3A_77 = arith.divf %get3A_73, %div3A : vector<64x256xf32>
      %mul3A_78 = arith.mulf %div3A_77, %div3A_77 : vector<64x256xf32>
      %reduce_sum3A = arith.constant dense<0.000000e+00> : vector<64xf32>
      %reduce_sum3A_79 = vector.multi_reduction <add>, %mul3A_78, %reduce_sum3A [1] : vector<64x256xf32> to vector<64xf32>
      %broadcast_in_dim3A_80 = vector.shape_cast %reduce_sum3A_79 : vector<64xf32> to vector<64x1xf32>
      %sqrt3A = math.sqrt %broadcast_in_dim3A_80 : vector<64x1xf32>
      %max3A_81 = arith.constant 9.99999996E-13 : f32
      %max3A_82 = vector.broadcast %max3A_81 : f32 to vector<64x1xf32>
      %max3A_83 = arith.maximumf %sqrt3A, %max3A_82 : vector<64x1xf32>
      %div3A_84 = vector.broadcast %max3A_83 : vector<64x1xf32> to vector<64x256xf32>
      %div3A_85 = arith.divf %div3A_77, %div3A_84 : vector<64x256xf32>
      %get3A_86 = arith.constant 0 : index
      %get3A_87 = arith.constant 0 : index
      %get3A_88 = vector.load %arg6[%get3A_86, %get3A_87] : memref<64x256xf32, #tpu.memory_space<vmem>>, vector<64x256xf32>
      %get3A_89 = arith.constant 0 : index
      %get3A_90 = arith.constant 0 : index
      %get3A_91 = vector.load %arg7[%get3A_89, %get3A_90] : memref<256x256xf32, #tpu.memory_space<vmem>>, vector<256x256xf32>
      %dot_general3A_92 = arith.constant dense<0.000000e+00> : vector<64x256xf32>
      %dot_general3A_93 = tpu.matmul %get3A_88, %get3A_91, %dot_general3A_92 {dimension_numbers = #tpu.dot_dimension_numbers<[1], [0], [0], [1], [0, 0, 1, 1], [], []>, transpose_lhs_hint = false} : vector<64x256xf32>, vector<256x256xf32>, vector<64x256xf32> -> vector<64x256xf32>
      %get3A_94 = arith.constant 0 : index
      %get3A_95 = arith.constant 0 : index
      %get3A_96 = vector.load %arg8[%get3A_94, %get3A_95] : memref<1x256xf32, #tpu.memory_space<vmem>>, vector<1x256xf32>
      %add3A_97 = vector.broadcast %get3A_96 : vector<1x256xf32> to vector<64x256xf32>
      %add3A_98 = arith.addf %dot_general3A_93, %add3A_97 : vector<64x256xf32>
      %max3A_99 = arith.constant 0.000000e+00 : f32
      %max3A_100 = vector.broadcast %max3A_99 : f32 to vector<64x256xf32>
      %max3A_101 = arith.maximumf %add3A_98, %max3A_100 : vector<64x256xf32>
      %get3A_102 = arith.constant 0 : index
      %get3A_103 = arith.constant 0 : index
      %get3A_104 = vector.load %arg9[%get3A_102, %get3A_103] : memref<256x256xf32, #tpu.memory_space<vmem>>, vector<256x256xf32>
      %dot_general3A_105 = arith.constant dense<0.000000e+00> : vector<64x256xf32>
      %dot_general3A_106 = tpu.matmul %max3A_101, %get3A_104, %dot_general3A_105 {dimension_numbers = #tpu.dot_dimension_numbers<[1], [0], [0], [1], [0, 0, 1, 1], [], []>, transpose_lhs_hint = false} : vector<64x256xf32>, vector<256x256xf32>, vector<64x256xf32> -> vector<64x256xf32>
      %get3A_107 = arith.constant 0 : index
      %get3A_108 = arith.constant 0 : index
      %get3A_109 = vector.load %arg10[%get3A_107, %get3A_108] : memref<1x256xf32, #tpu.memory_space<vmem>>, vector<1x256xf32>
      %add3A_110 = vector.broadcast %get3A_109 : vector<1x256xf32> to vector<64x256xf32>
      %add3A_111 = arith.addf %dot_general3A_106, %add3A_110 : vector<64x256xf32>
      %max3A_112 = arith.constant 0.000000e+00 : f32
      %max3A_113 = vector.broadcast %max3A_112 : f32 to vector<64x256xf32>
      %max3A_114 = arith.maximumf %add3A_111, %max3A_113 : vector<64x256xf32>
      %get3A_115 = arith.constant 0 : index
      %get3A_116 = arith.constant 0 : index
      %get3A_117 = vector.load %arg11[%get3A_115, %get3A_116] : memref<256x256xf32, #tpu.memory_space<vmem>>, vector<256x256xf32>
      %dot_general3A_118 = arith.constant dense<0.000000e+00> : vector<64x256xf32>
      %dot_general3A_119 = tpu.matmul %max3A_114, %get3A_117, %dot_general3A_118 {dimension_numbers = #tpu.dot_dimension_numbers<[1], [0], [0], [1], [0, 0, 1, 1], [], []>, transpose_lhs_hint = false} : vector<64x256xf32>, vector<256x256xf32>, vector<64x256xf32> -> vector<64x256xf32>
      %get3A_120 = arith.constant 0 : index
      %get3A_121 = arith.constant 0 : index
      %get3A_122 = vector.load %arg12[%get3A_120, %get3A_121] : memref<1x256xf32, #tpu.memory_space<vmem>>, vector<1x256xf32>
      %add3A_123 = vector.broadcast %get3A_122 : vector<1x256xf32> to vector<64x256xf32>
      %add3A_124 = arith.addf %dot_general3A_119, %add3A_123 : vector<64x256xf32>
      %mul3A_125 = arith.mulf %add3A_124, %add3A_124 : vector<64x256xf32>
      %reduce_sum3A_126 = arith.constant dense<0.000000e+00> : vector<64xf32>
      %reduce_sum3A_127 = vector.multi_reduction <add>, %mul3A_125, %reduce_sum3A_126 [1] : vector<64x256xf32> to vector<64xf32>
      %broadcast_in_dim3A_128 = vector.shape_cast %reduce_sum3A_127 : vector<64xf32> to vector<64x1xf32>
      %sqrt3A_129 = math.sqrt %broadcast_in_dim3A_128 : vector<64x1xf32>
      %max3A_130 = arith.constant 9.99999996E-13 : f32
      %max3A_131 = vector.broadcast %max3A_130 : f32 to vector<64x1xf32>
      %max3A_132 = arith.maximumf %sqrt3A_129, %max3A_131 : vector<64x1xf32>
      %div3A_133 = vector.broadcast %max3A_132 : vector<64x1xf32> to vector<64x256xf32>
      %div3A_134 = arith.divf %add3A_124, %div3A_133 : vector<64x256xf32>
      %mul3A_135 = arith.mulf %div3A_85, %div3A_134 : vector<64x256xf32>
      %reduce_sum3A_136 = arith.constant dense<0.000000e+00> : vector<64xf32>
      %reduce_sum3A_137 = vector.multi_reduction <add>, %mul3A_135, %reduce_sum3A_136 [1] : vector<64x256xf32> to vector<64xf32>
      %broadcast_in_dim3A_138 = vector.shape_cast %reduce_sum3A_137 : vector<64xf32> to vector<64x1xf32>
      %neg3A = arith.constant 0.000000e+00 : f32
      %neg3A_139 = vector.broadcast %neg3A : f32 to vector<64x1xf32>
      %neg3A_140 = arith.subf %neg3A_139, %broadcast_in_dim3A_138 : vector<64x1xf32>
      %exp3A = math.exp %neg3A_140 : vector<64x1xf32>
      %add3A_141 = arith.constant 1.000000e+00 : f32
      %add3A_142 = vector.broadcast %add3A_141 : f32 to vector<64x1xf32>
      %add3A_143 = arith.addf %add3A_142, %exp3A : vector<64x1xf32>
      %div3A_144 = arith.constant 1.000000e+00 : f32
      %div3A_145 = vector.broadcast %div3A_144 : f32 to vector<64x1xf32>
      %div3A_146 = arith.divf %div3A_145, %add3A_143 : vector<64x1xf32>
      %broadcast_in_dim3A_147 = vector.shape_cast %div3A_146 : vector<64x1xf32> to vector<64x1xf32>
      %broadcast_in_dim3A_148 = vector.broadcast %broadcast_in_dim3A_147 : vector<64x1xf32> to vector<64x128xf32>
      %swap3A_149 = arith.constant 0 : index
      %swap3A_150 = arith.constant 0 : index
      %swap3A_151 = vector.load %arg13[%swap3A_149, %swap3A_150] : memref<64x128xf32, #tpu.memory_space<vmem>>, vector<64x128xf32>
      tpu.vector_store %arg13[%swap3A_149, %swap3A_150], %broadcast_in_dim3A_148 {strides = array<i32>} : memref<64x128xf32, #tpu.memory_space<vmem>>, vector<64x128xf32>,
    } else {
    }
    return
  }
  func.func @transform_0(%arg0: i32) -> (i32, i32) {
    %c0_i32 = arith.constant 0 : i32
    %c0_i32_0 = arith.constant 0 : i32
    return %arg0, %c0_i32 : i32, i32
  }
  func.func @transform_1(%arg0: i32) -> (i32, i32, i32) {
    %c0_i32 = arith.constant 0 : i32
    %c0_i32_0 = arith.constant 0 : i32
    %c0_i32_1 = arith.constant 0 : i32
    return %c0_i32, %arg0, %c0_i32_0 : i32, i32, i32
  }
  func.func @transform_2(%arg0: i32) -> (i32, i32, i32) {
    %c0_i32 = arith.constant 0 : i32
    %c0_i32_0 = arith.constant 0 : i32
    %c0_i32_1 = arith.constant 0 : i32
    return %c0_i32, %arg0, %c0_i32_0 : i32, i32, i32
  }
  func.func @transform_3(%arg0: i32) -> (i32, i32) {
    %c0_i32 = arith.constant 0 : i32
    %c0_i32_0 = arith.constant 0 : i32
    %c0_i32_1 = arith.constant 0 : i32
    return %c0_i32, %c0_i32_0 : i32, i32
  }
  func.func @transform_4(%arg0: i32) -> (i32, i32) {
    %c0_i32 = arith.constant 0 : i32
    %c0_i32_0 = arith.constant 0 : i32
    return %arg0, %c0_i32 : i32, i32
  }
  func.func @transform_5(%arg0: i32) -> (i32, i32) {
    %c0_i32 = arith.constant 0 : i32
    %c0_i32_0 = arith.constant 0 : i32
    %c0_i32_1 = arith.constant 0 : i32
    return %c0_i32, %c0_i32_0 : i32, i32
  }
  func.func @transform_6(%arg0: i32) -> (i32, i32) {
    %c0_i32 = arith.constant 0 : i32
    %c0_i32_0 = arith.constant 0 : i32
    %c0_i32_1 = arith.constant 0 : i32
    return %c0_i32, %c0_i32_0 : i32, i32
  }
  func.func @transform_7(%arg0: i32) -> (i32, i32) {
    %c0_i32 = arith.constant 0 : i32
    %c0_i32_0 = arith.constant 0 : i32
    %c0_i32_1 = arith.constant 0 : i32
    return %c0_i32, %c0_i32_0 : i32, i32
  }
  func.func @transform_8(%arg0: i32) -> (i32, i32) {
    %c0_i32 = arith.constant 0 : i32
    %c0_i32_0 = arith.constant 0 : i32
    %c0_i32_1 = arith.constant 0 : i32
    return %c0_i32, %c0_i32_0 : i32, i32
  }
  func.func @transform_9(%arg0: i32) -> (i32, i32) {
    %c0_i32 = arith.constant 0 : i32
    %c0_i32_0 = arith.constant 0 : i32
    %c0_i32_1 = arith.constant 0 : i32
    return %c0_i32, %c0_i32_0 : i32, i32
  }
  func.func @transform_10(%arg0: i32) -> (i32, i32) {
    %c0_i32 = arith.constant 0 : i32
    %c0_i32_0 = arith.constant 0 : i32
    %c0_i32_1 = arith.constant 0 : i32
    return %c0_i32, %c0_i32_0 : i32, i32
  }
  func.func @transform_11(%arg0: i32) -> (i32, i32) {
    %c0_i32 = arith.constant 0 : i32
    %c0_i32_0 = arith.constant 0 : i32
    %c0_i32_1 = arith.constant 0 : i32
    return %c0_i32, %c0_i32_0 : i32, i32
  }
  func.func @transform_12(%arg0: i32) -> (i32, i32) {
    %c0_i32 = arith.constant 0 : i32
    %c0_i32_0 = arith.constant 0 : i32
    %c0_i32_1 = arith.constant 0 : i32
    return %c0_i32, %c0_i32_0 : i32, i32
  }
}

</mosaic_0001>

<sc_bundles>
// kernel: kernel.11.cloned.1.call-start
scs
__scs_entry_jumppad:
0x0: {  	(pc) =	sbr.rel $0x88, $3  }
0x1: {  	(tag) =	ssettag $0x0;
	lr =	simm.s32 $0x1  }
0x2: {  	[smem:$0x3F93] =	sst lr;
	_ =	strace $0xD0000000  }
0x3: {  	_ = 	snop  }
0x4: {  	_ = 	snop  }
0x5: {  	_ = 	snop  }
0x6: {  	_ = 	snop  }
0x7: {  	_ = 	snop  }
__scs_overlays_trampoline_lowered:
0x8: {  	[smem:$0x3FA2] =	sst s0  }
0x9: {  	[smem:$0x3FA3] =	sst s1  }
0xa: {  	[smem:$0x3FA4] =	sst s2  }
0xb: {  	[smem:$0x3FA5] =	sst s3  }
0xc: {  	[smem:$0x3FA6] =	sst s4  }
0xd: {  	[smem:$0x3FA7] =	sst s5  }
0xe: {  	[smem:$0x3FA8] =	sst s6  }
0xf: {  	[smem:$0x3FA9] =	sst s7  }
0x10: {  	[smem:$0x3FAA] =	sst s8  }
0x11: {  	[smem:$0x3FAB] =	sst s9;
	s0 =	simm.s32 @!p0 $0x0  }
0x12: {  	s1 =	sld [smem:$0x3F91];
	s0 =	simm.s32 @p0 $0x1  }
0x13: {  	[smem:$0x3FAC] =	sst s0;
	s0 =	simm.s32 @!p1 $0x0  }
0x14: {  	s2 =	sld [smem:$0x3F90];
	s0 =	simm.s32 @p1 $0x1  }
0x15: {  	[smem:$0x3FAD] =	sst s0;
	s0 =	simm.s32 @!p2 $0x0  }
0x16: {  	s3 =	sld [smem:$0x3FDB];
	s0 =	simm.s32 @p2 $0x1  }
0x17: {  	s4 =	simm.s32 $0x1BF5;
	[smem:$0x3FAF] =	sst s0  }
0x18: {  	s0 =	sld [smem:$0x3F92];
	_ =	swait.ge [sflag:s4], $0x0  }
0x19: {  	s7 =	sld [smem:$0x3F93]  }
0x1a: {  	s8 =	sadd.s32 $0xFFFFE003, lr  }
0x1b: {  	s9 =	sadd.s32 $0xFFFFFEF7, lr;
	s5 =	simm.s32 $0xFFFFFFFF;
	p2 =	slt.u32 s8, $0xFFFFF086  }
0x1c: {  	p1 =	slt.u32 s9, $0xF7A;
	s5 =	simm.s32 @!p2 $0x0  }
0x1d: {  	s5 =	simm.s32 @p1 $0x1;
	p0 =	seq.s32 s7, s2  }
0x1e: {  	s7 =	smul.u32 @!p0 $0xF7A, s2;
	p2 =	seq.s32 @!p0 s5, $0x0  }
0x1f: {  	s9 =	smul.u32 $0xF7A, s1;
	s8 =	simm.s32 @!p0 $0x1BF5;
	p2 =	por !p2, p0  }
0x20: {  	[sflag:s8] =	ssyncset.s32 @!p0 $0xFFFFF086;
	s6 =	sadd.s32 @!p0 s3, s7;
	s7 =	simm.s32 @!p0 $0x108  }
0x21: {  	s3 =	sadd.s32 s3, s9;
	s6 =	sadd.s32 @!p0 $0x88, s6;
	s7 =	simm.s32 @p2 $0x1082  }
0x22: {  	[simem:s7], [sflag:s8] =	dma.local @!p0 [hbm:s6], $0xF7A  }
0x23: {  	s9 =	sor.u32 $0xD0000000, s2;
	s6 =	simm.s32 $0x108;
	_ =	swait.ge @!p0 [sflag:s8], $0x0  }
0x24: {  	s3 =	sadd.s32 $0x88, s3;
	s6 =	simm.s32 @!p1 $0x1082;
	[sflag:s4] =	ssyncset.s32 $0xFFFFF086  }
0x25: {  	[simem:s6], [sflag:s4] =	dma.local [hbm:s3], $0xF7A  }
0x26: {  	[smem:$0x3F93] =	sst s1;
	(tag) =	ssettag s2;
	_ =	strace s9  }
0x27: {  	s1 =	sld [smem:$0x3FA3]  }
0x28: {  	s2 =	sld [smem:$0x3FA4]  }
0x29: {  	s4 =	sld [smem:$0x3FA6]  }
0x2a: {  	p0 =	seq.s32 s5, $0x0;
	s5 =	sld [smem:$0x3FA7]  }
0x2b: {  	s6 =	sld [smem:$0x3FA8]  }
0x2c: {  	s7 =	sld [smem:$0x3FA9]  }
0x2d: {  	s3 =	simm.s32 $0x108;
	s8 =	sld [smem:$0x3FAA]  }
0x2e: {  	s3 =	simm.s32 @!p0 $0x1082;
	s9 =	sld [smem:$0x3FAB]  }
0x2f: {  	lr =	sadd.s32 s0, s3;
	s0 =	sld [smem:$0x3FA2]  }
0x30: {  	s3 =	sld [smem:$0x3FA5]  }
0x31: {  	[smem:$0x3FAE] =	sst s10  }
0x32: {  	s10 =	sld [smem:$0x3FAC];
	_ =	sdelay $0x3  }
0x33: {  	p0 =	seq.s32 s10, $0x1;
	s10 =	sld [smem:$0x3FAE];
	_ =	sdelay $0x3  }
0x34: {  	[smem:$0x3FAE] =	sst s10  }
0x35: {  	s10 =	sld [smem:$0x3FAD];
	_ =	sdelay $0x3  }
0x36: {  	p1 =	seq.s32 s10, $0x1;
	s10 =	sld [smem:$0x3FAE];
	_ =	sdelay $0x3  }
0x37: {  	[smem:$0x3FAE] =	sst s10  }
0x38: {  	s10 =	sld [smem:$0x3FAF]  }
0x39: {  	_ = 	snop;
	(pc) =	sbr.ind lr, $3  }
0x3a: {  	_ = 	snop  }
0x3b: {  	_ = 	snop  }
0x3c: {  	p2 =	seq.s32 s10, $0x1;
	s10 =	sld [smem:$0x3FAE]  }
0x3d: {  	_ =	shalt  }
0x3e: {  	_ =	shalt  }
0x3f: {  	_ =	shalt  }
0x40: {  	_ =	shalt  }
0x41: {  	_ =	shalt  }
0x42: {  	_ =	shalt  }
0x43: {  	_ =	shalt  }
0x44: {  	_ =	shalt  }
0x45: {  	_ =	shalt  }
0x46: {  	_ =	shalt  }
0x47: {  	_ =	shalt  }
0x48: {  	_ =	shalt  }
0x49: {  	_ =	shalt  }
0x4a: {  	_ =	shalt  }
0x4b: {  	_ =	shalt  }
0x4c: {  	_ =	shalt  }
0x4d: {  	_ =	shalt  }
0x4e: {  	_ =	shalt  }
0x4f: {  	_ =	shalt  }
0x50: {  	_ =	shalt  }
0x51: {  	_ =	shalt  }
0x52: {  	_ =	shalt  }
0x53: {  	_ =	shalt  }
0x54: {  	_ =	shalt  }
0x55: {  	_ =	shalt  }
0x56: {  	_ =	shalt  }
0x57: {  	_ =	shalt  }
0x58: {  	_ =	shalt  }
0x59: {  	_ =	shalt  }
0x5a: {  	_ =	shalt  }
0x5b: {  	_ =	shalt  }
0x5c: {  	_ =	shalt  }
0x5d: {  	_ =	shalt  }
0x5e: {  	_ =	shalt  }
0x5f: {  	_ =	shalt  }
0x60: {  	_ =	shalt  }
0x61: {  	_ =	shalt  }
0x62: {  	_ =	shalt  }
0x63: {  	_ =	shalt  }
0x64: {  	_ =	shalt  }
0x65: {  	_ =	shalt  }
0x66: {  	_ =	shalt  }
0x67: {  	_ =	shalt  }
0x68: {  	_ =	shalt  }
0x69: {  	_ =	shalt  }
0x6a: {  	_ =	shalt  }
0x6b: {  	_ =	shalt  }
0x6c: {  	_ =	shalt  }
0x6d: {  	_ =	shalt  }
0x6e: {  	_ =	shalt  }
0x6f: {  	_ =	shalt  }
0x70: {  	_ =	shalt  }
0x71: {  	_ =	shalt  }
0x72: {  	_ =	shalt  }
0x73: {  	_ =	shalt  }
0x74: {  	_ =	shalt  }
0x75: {  	_ =	shalt  }
0x76: {  	_ =	shalt  }
0x77: {  	_ =	shalt  }
0x78: {  	_ =	shalt  }
0x79: {  	_ =	shalt  }
0x7a: {  	_ =	shalt  }
0x7b: {  	_ =	shalt  }
0x7c: {  	_ =	shalt  }
0x7d: {  	_ =	shalt  }
0x7e: {  	_ =	shalt  }
0x7f: {  	_ =	shalt  }
0x80: {  	_ =	shalt  }
0x81: {  	_ =	shalt  }
0x82: {  	_ =	shalt  }
0x83: {  	_ =	shalt  }
0x84: {  	_ =	shalt  }
0x85: {  	_ =	shalt  }
0x86: {  	_ =	shalt  }
0x87: {  	_ =	shalt  }
.Lfunc_end0:
.L_simem_size_0:
called_computation.1_lowered:
.L_overlay_start_0:
0x88: {  	s2 =	sld [smem:$0x3FD9]  }
0x89: {  	s3 =	sld [smem:$0x3FFE];
	_ =	sdelay $0x1  }
0x8a: {  	s1 =	srdreg.scid  }
0x8b: {  	s0 =	sand.u32 $0x1, s1  }
0x8c: {  	s16 =	sshll.u32 s0, $0xA;
	s2 =	sadd.s32 s3, s2  }
0x8d: {  	s2 =	sadd.s32 s2, s16  }
0x8e: {  	[smem:$0x3FBA] =	sst s2  }
0x8f: {  	_ = 	snop  }
0x90: {  	(tm) =	ssettm $0x1  }
0x91: {  	s17 =	sld [smem:$0x3FFB];
	_ =	sdelay $0x3  }
0x92: {  	_ =	strace s17  }
0x93: {  	s2 =	sld [smem:$0x3FFC];
	_ =	sdelay $0x3  }
0x94: {  	_ =	strace s2  }
0x95: {  	s2 =	sld [smem:$0x3FFD];
	_ =	sdelay $0x3  }
0x96: {  	_ =	strace s2  }
0x97: {  	_ =	strace $0x8FFFFFFF  }
0x98: {  	s18 =	sld [smem:$0x3FDB];
	_ =	sdelay $0x1  }
0x99: {  	s19 =	simm.s32 $_scs_section_size  }
0x9a: {  	s4 =	simm.s32 $_size__tile_overlayer_lowered;
	s5 =	simm.s32 $_tile_overlayer_lowered  }
0x9b: {  	s22 =	simm.s32 $0x1BFF;
	s21 =	sshll.u32 s5, $0x1;
	s2 =	sadd.s32 s19, s18  }
0x9c: {  	s6 =	simm.s32 $0x0;
	s20 =	sshll.u32 s4, $0x1;
	s4 =	sadd.s32 s21, s2  }
0x9d: {  	[timem:s6], [sflag:s22] =	dma.local [hbm:s4], s20  }
0x9e: {  	_ =	swait.ge [sflag:s22], s20  }
0x9f: {  	s3 =	ssub.s32 $0x0, s20;
	[sflag:s22] =	ssyncset.done $0x0  }
0xa0: {  	[sflag:s22] =	ssyncadd.s32 s3;
	_ =	sdelay $0x1  }
0xa1: {  	s23 =	simm.s32 $0x1B8B  }
0xa2: {  	_ =	swait.ge [sflag:s23], $0x1  }
0xa3: {  	[sflag:s23] =	ssyncset.done $0x0  }
0xa4: {  	s25 =	simm.s32 $0x1B8E;
	s24 =	sld [smem:$0x3FFE];
	[sflag:s23] =	ssyncadd.s32 $0xFFFFFFFF  }
0xa5: {  	s26 =	simm.s32 $execute0_lowered;
	[smem:$0x3FD2] =	sst s25  }
0xa6: {  	s4 =	sshll.u32 s26, $0x1;
	_ =	strace $0x80000049;
	[dreg:$0x1] =	wrdreg $0xFFFFFFFF  }
0xa7: {  	s28 =	simm.s32 $_size_execute0_lowered;
	s2 =	sadd.s32 s2, s4;
	[dreg:$0x0] =	wrdreg $0x0  }
0xa8: {  	s4 =	sshll.u32 s28, $0x1;
	[dreg:$0x2] =	wrdreg s2  }
0xa9: {  	[dreg:$0x3] =	wrdreg s4  }
0xaa: {  	[dreg:$0x4] =	wrdreg $0xC0  }
0xab: {  	_ =	task [dreg:s6], $0x5FFFF  }
0xac: {  	[dreg:$0x1] =	wrdreg $0xFFFFFFFF  }
0xad: {  	[dreg:$0x0] =	wrdreg $0x60  }
0xae: {  	[dreg:$0x2] =	wrdreg s24  }
0xaf: {  	[dreg:$0x3] =	wrdreg $0x90000  }
0xb0: {  	[dreg:$0x4] =	wrdreg $0x9  }
0xb1: {  	_ =	task.clear_ibuf [dreg:s6], $0x5FFFF;
	_ =	strace $0x90000049  }
0xb2: {  	s29 =	simm.s32 $0x9;
	_ =	strace $0x8000004B  }
0xb3: {  	_ =	swait.ge [sflag:s29], $0x1  }
0xb4: {  	[sflag:s29] =	ssyncadd.s32 $0xFFFFFFFF  }
0xb5: {  	_ =	strace $0x9000004B  }
0xb6: {  	_ =	sfence  }
0xb7: {  	s30 =	sld [smem:$0x0];
	_ =	sdelay $0x2  }
0xb8: {  	s31 =	sshll.u32 s1, $0xD;
	s1 =	sshrl.u32 s1, $0x2  }
0xb9: {  	s3 =	sand.u32 $0x4000, s31;
	s1 =	sadd.s32 s1, s30  }
0xba: {  	s0 =	sor.u32 s3, s0;
	s1 =	sshll.u32 s1, $0x11  }
0xbb: {  	s0 =	sor.u32 s1, s0  }
0xbc: {  	s0 =	sadd.s32 $0x8F2B, s0  }
0xbd: {  	[sflag:s0] =	ssyncadd.remote.s32 $0x1  }
0xbe: {  	_ =	sfence.sel $0xFFFF  }
0xbf: {  	[dreg:$0x0] =	wrdreg $0xFFFFFFFF;
	(pc) =	sbr.abs _section_cstart, $3  }
0xc0: {  	[dreg:$0x1] =	wrdreg $0xFFFFFFFF  }
0xc1: {  	_ =	task.clear_ibuf [dreg:s6], $0x2FFFF;
	_ =	strace $0x9FFFFFFF  }
0xc2: {  	(tm) =	ssettm $0x7FFFFFFF  }
0xc3: {  	_ =	shalt  }
tec
execute0_lowered:
.L_overlay_start_1:
0x0: {  	(tag) =	ssettag $0x1  }
0x1: {  	s0 =	rddreg [dreg:$0x0]  }
0x2: {  	s2 =	rddreg [dreg:$0x1];
	s1 =	stileid.u32  }
0x3: {  	s3 =	srdreg.scid;
	s30 =	simm.s32 $0x0;
	s16 =	simm.s32 $0x1000  }
0x4: {  	s17 =	simm.s32 $0x5;
	s18 =	simm.s32 $0x800;
	s19 =	simm.s32 $0x80  }
0x5: {  	s20 =	simm.s32 $0x5000;
	s21 =	simm.s32 $0x1;
	s31 =	simm.s32 $0x880  }
0x6: {  	s11 =	simm.s32 $0xE00;
	s12 =	simm.s32 $0xE80;
	s13 =	simm.s32 $0x700  }
0x7: {  	s14 =	simm.s32 $0x780;
	s15 =	simm.s32 $0xF00;
	s5 =	smul.u32 $0x500, s1  }
0x8: {  	s3 =	sand.u32 $0x1, s3;
	[smem:$0x7FF] =	sst s30;
	s4 =	sadd.s32 $0x5B000, s0  }
0x9: {  	s10 =	sshll.u32 s1, $0xE;
	s29 =	sshll.u32 s1, $0xB;
	p0 =	seq.s32 s1, $0xF  }
0xa: {  	s6 =	smul.u32 $0x27100, s3;
	_ =	strace $0x8000004A;
	s7 =	ssub.s32 $0x2, s3  }
0xb: {  	s3 =	smul.u32 $0x2710, s3;
	[dreg:$0x9] =	wrdreg s29;
	s22 =	sshrl.u32 s7, $0x1  }
0xc: {  	s8 =	sadd.s32 s5, s0;
	s0 =	sadd.s32 s6, s0;
	s9 =	ssub.s32 s7, s22  }
0xd: {  	s5 =	sadd.s32 $0x56000, s8;
	s6 =	sadd.s32 $0x2000, s8;
	s23 =	smax.u32 s9, $0x1  }
0xe: {  	s8 =	sadd.s32 $0xF7400, s0;
	s0 =	sadd.s32 s10, s2;
	[dreg:$0x3] =	wrdreg s23  }
0xf: {  	s7 =	sadd.s32 $0x138000, s2;
	s24 =	sadd.s32 $0x40000, s0;
	[dreg:$0x4] =	wrdreg s0  }
0x10: {  	s22 =	simm.s32 $0x2;
	s25 =	sadd.s32 $0x80000, s0;
	[dreg:$0x5] =	wrdreg s24  }
0x11: {  	v0 =	vmov s3;
	s3 =	simm.s32 $0x0;
	s26 =	sadd.s32 $0xC0000, s0;
	[dreg:$0x6] =	wrdreg s25  }
0x12: {  	s10 =	simm.s32 $0xF80;
	s28 =	sadd.s32 $0x100000, s0;
	[dreg:$0x7] =	wrdreg s26  }
0x13: {  	v1 =	vimm.f32 $0.0e+00;
	[dreg:$0x8] =	wrdreg s28;
	s24 =	simm.s32 $0x3;
	s26 =	simm.s32 $0x4  }
.LBB2_1:
0x14: {  	[dreg:$0xa] =	wrdreg s3;
	s3 =	simm.s32 $0x0;
	s23 =	simm.s32 $0x200  }
.LBB2_2:
0x15: {  	p1 =	sne.s32 s23, $0xFE00;
	[tilespmem:s3+$0x1070] =	vst v1  }
0x16: {  	[tilespmem:s3+$0x1000] =	vst v1  }
0x17: {  	[tilespmem:s3+$0x1010] =	vst v1  }
.Ltmp0:
0x18: {  	[tilespmem:s3+$0x1020] =	vst v1;
	(pc) =	sbr.rel @p1 .LBB2_2-.Ltmp0, $4  }
0x19: {  	[tilespmem:s3+$0x1030] =	vst v1  }
0x1a: {  	[tilespmem:s3+$0x1040] =	vst v1  }
0x1b: {  	[tilespmem:s3+$0x1050] =	vst v1  }
0x1c: {  	[tilespmem:s3+$0x1060] =	vst v1;
	s3 =	sshra.s32 s23, $0x2;
	s23 =	sadd.s32 $0x200, s23  }
0x1d: {  	[tilespmem:s3+$0x1070] =	vst v1  }
0x1e: {  	[tilespmem:s3+$0x1000] =	vst v1  }
0x1f: {  	[tilespmem:s3+$0x1010] =	vst v1  }
0x20: {  	[tilespmem:s3+$0x1020] =	vst v1  }
0x21: {  	[tilespmem:s3+$0x1030] =	vst v1  }
0x22: {  	[tilespmem:s3+$0x1040] =	vst v1  }
0x23: {  	[tilespmem:s3+$0x1050] =	vst v1  }
0x24: {  	[tilespmem:s3+$0x1060] =	vst v1  }
0x25: {  	[spmem:s0] =	stream.linear.scatter [tilespmem:s16], [sflag:$0x5], $0x4000, $0x38;
	[tilespmem:$0x1CC00] =	vst v63  }
0x26: {  	_ =	swait.ge [sflag:s17], $0x4000  }
0x27: {  	[sflag:s17] =	ssyncset.done $0x0  }
0x28: {  	s25 =	rddreg [dreg:$0x5];
	[sflag:s17] =	ssyncadd.s32 $0xFFFFC000  }
0x29: {  	[spmem:s25] =	stream.linear.scatter [tilespmem:s16], [sflag:$0x5], $0x4000, $0x38;
	[tilespmem:$0x1CC00] =	vst v63  }
0x2a: {  	_ =	swait.ge [sflag:s17], $0x4000  }
0x2b: {  	[sflag:s17] =	ssyncset.done $0x0  }
0x2c: {  	s28 =	rddreg [dreg:$0x6];
	[sflag:s17] =	ssyncadd.s32 $0xFFFFC000  }
0x2d: {  	[spmem:s28] =	stream.linear.scatter [tilespmem:s16], [sflag:$0x5], $0x4000, $0x38;
	[tilespmem:$0x1CC00] =	vst v63  }
0x2e: {  	_ =	swait.ge [sflag:s17], $0x4000  }
0x2f: {  	[sflag:s17] =	ssyncset.done $0x0  }
0x30: {  	s29 =	rddreg [dreg:$0x7];
	[sflag:s17] =	ssyncadd.s32 $0xFFFFC000  }
0x31: {  	[spmem:s29] =	stream.linear.scatter [tilespmem:s16], [sflag:$0x5], $0x4000, $0x38;
	[tilespmem:$0x1CC00] =	vst v63  }
0x32: {  	_ =	swait.ge [sflag:s17], $0x4000  }
0x33: {  	[sflag:s17] =	ssyncset.done $0x0  }
0x34: {  	s3 =	simm.s32 @!p0 $0x1000;
	s9 =	rddreg [dreg:$0x8];
	[sflag:s17] =	ssyncadd.s32 $0xFFFFC000  }
0x35: {  	[spmem:s9] =	stream.linear.scatter @!p0 [tilespmem:s3], [sflag:$0x5], $0x4000, $0x38;
	[tilespmem:$0x1CC00] =	vst v63  }
0x36: {  	s3 =	simm.s32 @!p0 $0x5  }
0x37: {  	_ =	swait.ge @!p0 [sflag:s3], $0x4000  }
0x38: {  	[sflag:s3] =	ssyncset.done @!p0 $0x0  }
0x39: {  	s23 =	simm.s32 $0x0;
	[sflag:s3] =	ssyncadd.s32 @!p0 $0xFFFFC000  }
0x3a: {  	s9 =	simm.s32 $0x100;
	s3 =	simm.s32 $0x0;
	[bflag:$0x0] =	sbarrier.arrive $0xFFFF  }
.LBB2_4:
0x3b: {  	s25 =	sshll.u32 s23, $0x8  }
0x3c: {  	s28 =	sadd.s32 s25, s5  }
0x3d: {  	[tilespmem:s3], [sflag:$0x5] =	stream.linear.gather [hbm4b:s28+s3], $0x800, $0x38;
	[tilespmem:$0x1CC00] =	vst v63  }
0x3e: {  	_ =	swait.ge [sflag:s17], $0x800  }
0x3f: {  	[sflag:s17] =	ssyncset.done $0x0  }
0x40: {  	s25 =	sadd.s32 s25, s6;
	[sflag:s17] =	ssyncadd.s32 $0xFFFFF800  }
0x41: {  	[tilespmem:s18], [sflag:$0x5] =	stream.linear.gather [hbm4b:s25+s3], $0x800, $0x38;
	[tilespmem:$0x1CC00] =	vst v63  }
0x42: {  	_ =	swait.ge [sflag:s17], $0x800  }
0x43: {  	[sflag:s17] =	ssyncset.done $0x0  }
0x44: {  	s25 =	simm.s32 $0x0;
	[sflag:s17] =	ssyncadd.s32 $0xFFFFF800  }
0x45: {  	v4 =	vld [tilespmem:s25+$0x0]  }
0x46: {  	v6 =	vld [tilespmem:s25+$0x10]  }
0x47: {  	v5 =	vld [tilespmem:s25+$0x20]  }
0x48: {  	v3 =	vld [tilespmem:s25+$0x30]  }
0x49: {  	v2 =	vld [tilespmem:s25+$0x40]  }
0x4a: {  	v7 =	vadd.s32 v0, v4;
	v4 =	vld [tilespmem:s25+$0x50]  }
0x4b: {  	s28 =	simm.s32 $0x200;
	[tilespmem:s25+$0x0] =	vst v7;
	v7 =	vadd.s32 v0, v6;
	v6 =	vld [tilespmem:s25+$0x60]  }
.LBB2_5:
0x4c: {  	s29 =	sshra.s32 s28, $0x2;
	p1 =	sne.s32 s28, $0x1E00;
	[tilespmem:s25+$0x10] =	vst v7;
	v5 =	vadd.s32 v0, v5;
	v7 =	vld [tilespmem:s25+$0x70]  }
0x4d: {  	v8 =	vld [tilespmem:s29+$0x0];
	[tilespmem:s25+$0x20] =	vst v5;
	v3 =	vadd.s32 v0, v3  }
0x4e: {  	v9 =	vld [tilespmem:s29+$0x10];
	[tilespmem:s25+$0x30] =	vst v3;
	v2 =	vadd.s32 v0, v2  }
.Ltmp1:
0x4f: {  	v5 =	vld [tilespmem:s29+$0x20];
	[tilespmem:s25+$0x40] =	vst v2;
	v2 =	vadd.s32 v0, v4;
	(pc) =	sbr.rel @p1 .LBB2_5-.Ltmp1, $4  }
0x50: {  	v3 =	vld [tilespmem:s29+$0x30];
	[tilespmem:s25+$0x50] =	vst v2;
	v4 =	vadd.s32 v0, v6  }
0x51: {  	v2 =	vld [tilespmem:s29+$0x40];
	[tilespmem:s25+$0x60] =	vst v4;
	v6 =	vadd.s32 v0, v7  }
0x52: {  	v7 =	vadd.s32 v0, v8;
	v4 =	vld [tilespmem:s29+$0x50];
	[tilespmem:s25+$0x70] =	vst v6;
	s25 =	smov.u32 s29  }
0x53: {  	s28 =	sadd.s32 $0x200, s28;
	[tilespmem:s25+$0x0] =	vst v7;
	v7 =	vadd.s32 v0, v9;
	v6 =	vld [tilespmem:s25+$0x60]  }
0x54: {  	[tilespmem:s25+$0x10] =	vst v7;
	v5 =	vadd.s32 v0, v5;
	v63 =	vld [tilespmem:s25+$0x70]  }
0x55: {  	[tilespmem:s25+$0x20] =	vst v5;
	v3 =	vadd.s32 v0, v3  }
0x56: {  	[tilespmem:s25+$0x30] =	vst v3;
	v2 =	vadd.s32 v0, v2  }
0x57: {  	[tilespmem:s25+$0x40] =	vst v2;
	v2 =	vadd.s32 v0, v4  }
0x58: {  	[tilespmem:s25+$0x50] =	vst v2;
	v2 =	vadd.s32 v0, v6  }
0x59: {  	[tilespmem:s25+$0x60] =	vst v2;
	v2 =	vadd.s32 v0, v63  }
0x5a: {  	[tilespmem:s25+$0x70] =	vst v2  }
0x5b: {  	[tilespmem:s16], [sflag:$0x1] =	stream.indirect.gather [hbm4b:s4+s19], $0x80, s30, s19, $0xb8;
	[tilespmem:$0x1CC00] =	vst v63  }
0x5c: {  	_ = 	snop  }
0x5d: {  	[tilespmem:s20], [sflag:$0x2] =	stream.indirect.gather [hbm4b:s4+s19], $0x80, s19, s19, $0xb8;
	[tilespmem:$0x1CC00] =	vst v63  }
0x5e: {  	_ =	swait.ge [sflag:s21], $0x4000  }
0x5f: {  	[sflag:s21] =	ssyncset.done $0x0  }
0x60: {  	[sflag:s21] =	ssyncadd.s32 $0xFFFFC000  }
0x61: {  	[spmem:s2] =	stream.indirect.scatter.add.f32 [tilespmem:s16], [sflag:$0x3], $0x80, s18, s19, $0xb8;
	[tilespmem:$0x1CC00] =	vst v63  }
0x62: {  	_ =	swait.ge [sflag:s22], $0x4000  }
0x63: {  	[sflag:s22] =	ssyncset.done $0x0  }
0x64: {  	[sflag:s22] =	ssyncadd.s32 $0xFFFFC000  }
0x65: {  	[spmem:s2] =	stream.indirect.scatter.add.f32 [tilespmem:s20], [sflag:$0x4], $0x80, s31, s19, $0xb8;
	[tilespmem:$0x1CC00] =	vst v63  }
0x66: {  	_ =	swait.ge [sflag:s24], $0x4000  }
0x67: {  	[sflag:s24] =	ssyncset.done $0x0  }
0x68: {  	[sflag:s24] =	ssyncadd.s32 $0xFFFFC000  }
0x69: {  	[tilespmem:s16], [sflag:$0x1] =	stream.indirect.gather [hbm4b:s4+s19], $0x80, s9, s19, $0xb8;
	[tilespmem:$0x1CC00] =	vst v63  }
0x6a: {  	_ =	swait.ge [sflag:s26], $0x4000  }
0x6b: {  	[sflag:s26] =	ssyncset.done $0x0  }
0x6c: {  	s29 =	simm.s32 $0x180;
	[sflag:s26] =	ssyncadd.s32 $0xFFFFC000  }
0x6d: {  	[tilespmem:s20], [sflag:$0x2] =	stream.indirect.gather [hbm4b:s4+s19], $0x80, s29, s19, $0xb8;
	[tilespmem:$0x1CC00] =	vst v63  }
0x6e: {  	_ =	swait.ge [sflag:s21], $0x4000  }
0x6f: {  	[sflag:s21] =	ssyncset.done $0x0  }
0x70: {  	s28 =	simm.s32 $0x900;
	[sflag:s21] =	ssyncadd.s32 $0xFFFFC000  }
0x71: {  	[spmem:s2] =	stream.indirect.scatter.add.f32 [tilespmem:s16], [sflag:$0x3], $0x80, s28, s19, $0xb8;
	[tilespmem:$0x1CC00] =	vst v63  }
0x72: {  	_ =	swait.ge [sflag:s22], $0x4000  }
0x73: {  	[sflag:s22] =	ssyncset.done $0x0  }
0x74: {  	s29 =	simm.s32 $0x980;
	[sflag:s22] =	ssyncadd.s32 $0xFFFFC000  }
0x75: {  	[spmem:s2] =	stream.indirect.scatter.add.f32 [tilespmem:s20], [sflag:$0x4], $0x80, s29, s19, $0xb8;
	[tilespmem:$0x1CC00] =	vst v63  }
0x76: {  	_ =	swait.ge [sflag:s24], $0x4000  }
0x77: {  	[sflag:s24] =	ssyncset.done $0x0  }
0x78: {  	s28 =	simm.s32 $0x200;
	[sflag:s24] =	ssyncadd.s32 $0xFFFFC000  }
0x79: {  	[tilespmem:s16], [sflag:$0x1] =	stream.indirect.gather [hbm4b:s4+s19], $0x80, s28, s19, $0xb8;
	[tilespmem:$0x1CC00] =	vst v63  }
0x7a: {  	_ =	swait.ge [sflag:s26], $0x4000  }
0x7b: {  	[sflag:s26] =	ssyncset.done $0x0  }
0x7c: {  	s29 =	simm.s32 $0x280;
	[sflag:s26] =	ssyncadd.s32 $0xFFFFC000  }
0x7d: {  	[tilespmem:s20], [sflag:$0x2] =	stream.indirect.gather [hbm4b:s4+s19], $0x80, s29, s19, $0xb8;
	[tilespmem:$0x1CC00] =	vst v63  }
0x7e: {  	_ =	swait.ge [sflag:s21], $0x4000  }
0x7f: {  	[sflag:s21] =	ssyncset.done $0x0  }
0x80: {  	s28 =	simm.s32 $0xA00;
	[sflag:s21] =	ssyncadd.s32 $0xFFFFC000  }
0x81: {  	[spmem:s2] =	stream.indirect.scatter.add.f32 [tilespmem:s16], [sflag:$0x3], $0x80, s28, s19, $0xb8;
	[tilespmem:$0x1CC00] =	vst v63  }
0x82: {  	_ =	swait.ge [sflag:s22], $0x4000  }
0x83: {  	[sflag:s22] =	ssyncset.done $0x0  }
0x84: {  	s29 =	simm.s32 $0xA80;
	[sflag:s22] =	ssyncadd.s32 $0xFFFFC000  }
0x85: {  	[spmem:s2] =	stream.indirect.scatter.add.f32 [tilespmem:s20], [sflag:$0x4], $0x80, s29, s19, $0xb8;
	[tilespmem:$0x1CC00] =	vst v63  }
0x86: {  	_ =	swait.ge [sflag:s24], $0x4000  }
0x87: {  	[sflag:s24] =	ssyncset.done $0x0  }
0x88: {  	s28 =	simm.s32 $0x300;
	[sflag:s24] =	ssyncadd.s32 $0xFFFFC000  }
0x89: {  	[tilespmem:s16], [sflag:$0x1] =	stream.indirect.gather [hbm4b:s4+s19], $0x80, s28, s19, $0xb8;
	[tilespmem:$0x1CC00] =	vst v63  }
0x8a: {  	_ =	swait.ge [sflag:s26], $0x4000  }
0x8b: {  	[sflag:s26] =	ssyncset.done $0x0  }
0x8c: {  	s29 =	simm.s32 $0x380;
	[sflag:s26] =	ssyncadd.s32 $0xFFFFC000  }
0x8d: {  	[tilespmem:s20], [sflag:$0x2] =	stream.indirect.gather [hbm4b:s4+s19], $0x80, s29, s19, $0xb8;
	[tilespmem:$0x1CC00] =	vst v63  }
0x8e: {  	_ =	swait.ge [sflag:s21], $0x4000  }
0x8f: {  	[sflag:s21] =	ssyncset.done $0x0  }
0x90: {  	s28 =	simm.s32 $0xB00;
	[sflag:s21] =	ssyncadd.s32 $0xFFFFC000  }
0x91: {  	[spmem:s2] =	stream.indirect.scatter.add.f32 [tilespmem:s16], [sflag:$0x3], $0x80, s28, s19, $0xb8;
	[tilespmem:$0x1CC00] =	vst v63  }
0x92: {  	_ =	swait.ge [sflag:s22], $0x4000  }
0x93: {  	[sflag:s22] =	ssyncset.done $0x0  }
0x94: {  	s29 =	simm.s32 $0xB80;
	[sflag:s22] =	ssyncadd.s32 $0xFFFFC000  }
0x95: {  	[spmem:s2] =	stream.indirect.scatter.add.f32 [tilespmem:s20], [sflag:$0x4], $0x80, s29, s19, $0xb8;
	[tilespmem:$0x1CC00] =	vst v63  }
0x96: {  	_ =	swait.ge [sflag:s24], $0x4000  }
0x97: {  	[sflag:s24] =	ssyncset.done $0x0  }
0x98: {  	s28 =	simm.s32 $0x400;
	[sflag:s24] =	ssyncadd.s32 $0xFFFFC000  }
0x99: {  	[tilespmem:s16], [sflag:$0x1] =	stream.indirect.gather [hbm4b:s4+s19], $0x80, s28, s19, $0xb8;
	[tilespmem:$0x1CC00] =	vst v63  }
0x9a: {  	_ =	swait.ge [sflag:s26], $0x4000  }
0x9b: {  	[sflag:s26] =	ssyncset.done $0x0  }
0x9c: {  	s29 =	simm.s32 $0x480;
	[sflag:s26] =	ssyncadd.s32 $0xFFFFC000  }
0x9d: {  	[tilespmem:s20], [sflag:$0x2] =	stream.indirect.gather [hbm4b:s4+s19], $0x80, s29, s19, $0xb8;
	[tilespmem:$0x1CC00] =	vst v63  }
0x9e: {  	_ =	swait.ge [sflag:s21], $0x4000  }
0x9f: {  	[sflag:s21] =	ssyncset.done $0x0  }
0xa0: {  	s28 =	simm.s32 $0xC00;
	[sflag:s21] =	ssyncadd.s32 $0xFFFFC000  }
0xa1: {  	[spmem:s2] =	stream.indirect.scatter.add.f32 [tilespmem:s16], [sflag:$0x3], $0x80, s28, s19, $0xb8;
	[tilespmem:$0x1CC00] =	vst v63  }
0xa2: {  	_ =	swait.ge [sflag:s22], $0x4000  }
0xa3: {  	[sflag:s22] =	ssyncset.done $0x0  }
0xa4: {  	s29 =	simm.s32 $0xC80;
	[sflag:s22] =	ssyncadd.s32 $0xFFFFC000  }
0xa5: {  	[spmem:s2] =	stream.indirect.scatter.add.f32 [tilespmem:s20], [sflag:$0x4], $0x80, s29, s19, $0xb8;
	[tilespmem:$0x1CC00] =	vst v63  }
0xa6: {  	_ =	swait.ge [sflag:s24], $0x4000  }
0xa7: {  	[sflag:s24] =	ssyncset.done $0x0  }
0xa8: {  	s28 =	simm.s32 $0x500;
	[sflag:s24] =	ssyncadd.s32 $0xFFFFC000  }
0xa9: {  	[tilespmem:s16], [sflag:$0x1] =	stream.indirect.gather [hbm4b:s4+s19], $0x80, s28, s19, $0xb8;
	[tilespmem:$0x1CC00] =	vst v63  }
0xaa: {  	_ =	swait.ge [sflag:s26], $0x4000  }
0xab: {  	[sflag:s26] =	ssyncset.done $0x0  }
0xac: {  	s29 =	simm.s32 $0x580;
	[sflag:s26] =	ssyncadd.s32 $0xFFFFC000  }
0xad: {  	[tilespmem:s20], [sflag:$0x2] =	stream.indirect.gather [hbm4b:s4+s19], $0x80, s29, s19, $0xb8;
	[tilespmem:$0x1CC00] =	vst v63  }
0xae: {  	_ =	swait.ge [sflag:s21], $0x4000  }
0xaf: {  	[sflag:s21] =	ssyncset.done $0x0  }
0xb0: {  	s28 =	simm.s32 $0xD00;
	[sflag:s21] =	ssyncadd.s32 $0xFFFFC000  }
0xb1: {  	[spmem:s2] =	stream.indirect.scatter.add.f32 [tilespmem:s16], [sflag:$0x3], $0x80, s28, s19, $0xb8;
	[tilespmem:$0x1CC00] =	vst v63  }
0xb2: {  	_ =	swait.ge [sflag:s22], $0x4000  }
0xb3: {  	[sflag:s22] =	ssyncset.done $0x0  }
0xb4: {  	s29 =	simm.s32 $0xD80;
	[sflag:s22] =	ssyncadd.s32 $0xFFFFC000  }
0xb5: {  	[spmem:s2] =	stream.indirect.scatter.add.f32 [tilespmem:s20], [sflag:$0x4], $0x80, s29, s19, $0xb8;
	[tilespmem:$0x1CC00] =	vst v63  }
0xb6: {  	_ =	swait.ge [sflag:s24], $0x4000  }
0xb7: {  	[sflag:s24] =	ssyncset.done $0x0  }
0xb8: {  	s28 =	simm.s32 $0x600;
	[sflag:s24] =	ssyncadd.s32 $0xFFFFC000  }
0xb9: {  	[tilespmem:s16], [sflag:$0x1] =	stream.indirect.gather [hbm4b:s4+s19], $0x80, s28, s19, $0xb8;
	[tilespmem:$0x1CC00] =	vst v63  }
0xba: {  	_ =	swait.ge [sflag:s26], $0x4000  }
0xbb: {  	[sflag:s26] =	ssyncset.done $0x0  }
0xbc: {  	s29 =	simm.s32 $0x680;
	[sflag:s26] =	ssyncadd.s32 $0xFFFFC000  }
0xbd: {  	[tilespmem:s20], [sflag:$0x2] =	stream.indirect.gather [hbm4b:s4+s19], $0x80, s29, s19, $0xb8;
	[tilespmem:$0x1CC00] =	vst v63  }
0xbe: {  	_ =	swait.ge [sflag:s21], $0x4000  }
0xbf: {  	[sflag:s21] =	ssyncset.done $0x0  }
0xc0: {  	[sflag:s21] =	ssyncadd.s32 $0xFFFFC000  }
0xc1: {  	[spmem:s2] =	stream.indirect.scatter.add.f32 [tilespmem:s16], [sflag:$0x3], $0x80, s11, s19, $0xb8;
	[tilespmem:$0x1CC00] =	vst v63  }
0xc2: {  	_ =	swait.ge [sflag:s22], $0x4000  }
0xc3: {  	[sflag:s22] =	ssyncset.done $0x0  }
0xc4: {  	[sflag:s22] =	ssyncadd.s32 $0xFFFFC000  }
0xc5: {  	[spmem:s2] =	stream.indirect.scatter.add.f32 [tilespmem:s20], [sflag:$0x4], $0x80, s12, s19, $0xb8;
	[tilespmem:$0x1CC00] =	vst v63  }
0xc6: {  	_ =	swait.ge [sflag:s24], $0x4000  }
0xc7: {  	[sflag:s24] =	ssyncset.done $0x0  }
0xc8: {  	[sflag:s24] =	ssyncadd.s32 $0xFFFFC000  }
0xc9: {  	[tilespmem:s16], [sflag:$0x1] =	stream.indirect.gather [hbm4b:s4+s19], $0x80, s13, s19, $0xb8;
	[tilespmem:$0x1CC00] =	vst v63  }
0xca: {  	_ =	swait.ge [sflag:s26], $0x4000  }
0xcb: {  	[sflag:s26] =	ssyncset.done $0x0  }
0xcc: {  	[sflag:s26] =	ssyncadd.s32 $0xFFFFC000  }
0xcd: {  	[tilespmem:s20], [sflag:$0x2] =	stream.indirect.gather [hbm4b:s4+s19], $0x80, s14, s19, $0xb8;
	[tilespmem:$0x1CC00] =	vst v63  }
0xce: {  	_ =	swait.ge [sflag:s21], $0x4000  }
0xcf: {  	[sflag:s21] =	ssyncset.done $0x0  }
0xd0: {  	[sflag:s21] =	ssyncadd.s32 $0xFFFFC000  }
0xd1: {  	[spmem:s2] =	stream.indirect.scatter.add.f32 [tilespmem:s16], [sflag:$0x3], $0x80, s15, s19, $0xb8;
	[tilespmem:$0x1CC00] =	vst v63  }
0xd2: {  	_ =	swait.ge [sflag:s22], $0x4000  }
0xd3: {  	[sflag:s22] =	ssyncset.done $0x0  }
0xd4: {  	s23 =	sadd.s32 $0x1, s23;
	[sflag:s22] =	ssyncadd.s32 $0xFFFFC000  }
0xd5: {  	[spmem:s2] =	stream.indirect.scatter.add.f32 [tilespmem:s20], [sflag:$0x4], $0x80, s10, s19, $0xb8;
	[tilespmem:$0x1CC00] =	vst v63  }
0xd6: {  	p1 =	sne.s32 s23, $0x5;
	_ =	swait.ge [sflag:s24], $0x4000  }
.Ltmp2:
0xd7: {  	[sflag:s24] =	ssyncset.done $0x0;
	(pc) =	sbr.rel @p1 .LBB2_4-.Ltmp2, $4  }
0xd8: {  	[sflag:s24] =	ssyncadd.s32 $0xFFFFC000  }
0xd9: {  	_ =	swait.ge [sflag:s26], $0x4000  }
0xda: {  	[sflag:s26] =	ssyncset.done $0x0  }
0xdb: {  	[sflag:s26] =	ssyncadd.s32 $0xFFFFC000  }
0xdc: {  	s3 =	sadd.s32 $0xFFFFFFB0, s1  }
0xdd: {  	s23 =	sadd.s32 $0x50, s3  }
0xde: {  	p1 =	sgt.u32 s23, $0x4D  }
0xdf: {  	p2 =	sne.s32 @p1 s3, $0xFFFFFFFE  }
0xe0: {  	p2 =	por p2, !p1  }
0xe1: {  	[bflag:$0x0] =	sbarrier.arrive $0xFFFF;
	s3 =	simm.s32 @!p2 $0x1000;
	s23 =	simm.s32 @!p2 $0x6  }
0xe2: {  	[tilespmem:s3], [sflag:$0x6] =	stream.linear.gather @!p2 [spmem:s7], $0x800, $0x38;
	[tilespmem:$0x1CC00] =	vst v63  }
0xe3: {  	_ =	swait.ge @!p2 [sflag:s23], $0x800  }
0xe4: {  	p1 =	por p1, p1;
	s29 =	simm.s32 @!p2 $0x5;
	[sflag:s23] =	ssyncset.done @!p2 $0x0  }
0xe5: {  	s25 =	simm.s32 @!p2 $0x0;
	[sflag:s23] =	ssyncadd.s32 @!p2 $0xFFFFF800;
	s23 =	sadd.s32 @!p2 $0x27000, s8  }
0xe6: {  	[hbm4b:s23+s25] =	stream.linear.scatter @!p2 [tilespmem:s3], [sflag:$0x5], $0x800, $0x38;
	[tilespmem:$0x1CC00] =	vst v63  }
0xe7: {  	s28 =	simm.s32 @!p1 $0x6;
	s23 =	sadd.s32 $0xFFFFFFC0, s1;
	_ =	swait.ge @!p2 [sflag:s29], $0x800  }
0xe8: {  	s25 =	simm.s32 $0xFFFFFFD0;
	s30 =	sadd.s32 $0x50, s23;
	[sflag:s29] =	ssyncset.done @!p2 $0x0  }
0xe9: {  	[sflag:s29] =	ssyncadd.s32 @!p2 $0xFFFFF800;
	s29 =	simm.s32 @!p1 $0x1000;
	p2 =	sgt.u32 s30, $0x4D  }
0xea: {  	[tilespmem:s29], [sflag:$0x6] =	stream.linear.gather @!p1 [spmem:s0], $0x4000, $0x38;
	[tilespmem:$0x1CC00] =	vst v63  }
0xeb: {  	s30 =	simm.s32 @!p1 $0x0;
	p4 =	sne.s32 @p2 s23, $0xFFFFFFFE;
	_ =	swait.ge @!p1 [sflag:s28], $0x4000  }
0xec: {  	s23 =	smov.u32 s0;
	s9 =	rddreg [dreg:$0x9];
	[sflag:s28] =	ssyncset.done @!p1 $0x0  }
0xed: {  	s3 =	sadd.s32 $0x8000, s9;
	[sflag:s28] =	ssyncadd.s32 @!p1 $0xFFFFC000;
	s31 =	sadd.s32 @!p1 s9, s8  }
.LBB2_8:
0xee: {  	p4 =	por p4, !p2;
	s23 =	sadd.s32 $0x40000, s23  }
0xef: {  	s0 =	smov.u32 s25;
	s25 =	sadd.s32 $0x10, s25;
	s9 =	smov.u32 s3  }
0xf0: {  	[hbm4b:s31+s30] =	stream.linear.scatter @!p1 [tilespmem:s29], [sflag:$0x6], $0x4000, $0x38;
	[tilespmem:$0x1CC00] =	vst v63  }
0xf1: {  	p3 =	sne.s32 s25, $0x0;
	_ =	swait.ge @!p1 [sflag:s28], $0x4000  }
0xf2: {  	[sflag:s28] =	ssyncset.done @!p1 $0x0  }
0xf3: {  	s29 =	simm.s32 @!p4 $0x1000;
	s30 =	simm.s32 @!p4 $0x6;
	[sflag:s28] =	ssyncadd.s32 @!p1 $0xFFFFC000  }
0xf4: {  	[tilespmem:s29], [sflag:$0x6] =	stream.linear.gather @!p4 [spmem:s7], $0x800, $0x38;
	[tilespmem:$0x1CC00] =	vst v63  }
0xf5: {  	p1 =	por p2, p2;
	_ =	swait.ge @!p4 [sflag:s30], $0x800  }
0xf6: {  	s31 =	simm.s32 @!p4 $0x5;
	[sflag:s30] =	ssyncset.done @!p4 $0x0  }
0xf7: {  	s28 =	sadd.s32 @!p4 $0x27000, s8;
	[sflag:s30] =	ssyncadd.s32 @!p4 $0xFFFFF800;
	s30 =	simm.s32 @!p4 $0x0  }
0xf8: {  	[hbm4b:s28+s30] =	stream.linear.scatter @!p4 [tilespmem:s29], [sflag:$0x5], $0x800, $0x38;
	[tilespmem:$0x1CC00] =	vst v63  }
0xf9: {  	_ =	swait.ge @!p4 [sflag:s31], $0x800  }
0xfa: {  	s0 =	sadd.s32 s0, s1;
	s28 =	simm.s32 @!p1 $0x6;
	[sflag:s31] =	ssyncset.done @!p4 $0x0  }
.Ltmp3:
0xfb: {  	s29 =	simm.s32 @!p1 $0x1000;
	[sflag:s31] =	ssyncadd.s32 @!p4 $0xFFFFF800;
	(pc) =	sbr.rel @p3 .LBB2_8-.Ltmp3, $4  }
0xfc: {  	[tilespmem:s29], [sflag:$0x6] =	stream.linear.gather @!p1 [spmem:s23], $0x4000, $0x38;
	[tilespmem:$0x1CC00] =	vst v63  }
0xfd: {  	s3 =	sadd.s32 $0x8000, s3;
	s30 =	sadd.s32 $0x50, s0;
	_ =	swait.ge @!p1 [sflag:s28], $0x4000  }
0xfe: {  	p2 =	sgt.u32 s30, $0x4D;
	s30 =	simm.s32 @!p1 $0x0;
	[sflag:s28] =	ssyncset.done @!p1 $0x0  }
0xff: {  	p4 =	sne.s32 @p2 s0, $0xFFFFFFFE;
	s31 =	sadd.s32 @!p1 s9, s8;
	[sflag:s28] =	ssyncadd.s32 @!p1 $0xFFFFC000  }
0x100: {  	[hbm4b:s31+s30] =	stream.linear.scatter @!p1 [tilespmem:s29], [sflag:$0x6], $0x4000, $0x38;
	[tilespmem:$0x1CC00] =	vst v63  }
0x101: {  	_ =	swait.ge @!p1 [sflag:s28], $0x4000  }
0x102: {  	p3 =	por p4, !p2;
	[sflag:s28] =	ssyncset.done @!p1 $0x0  }
0x103: {  	s0 =	simm.s32 @!p3 $0x1000;
	s9 =	simm.s32 @!p3 $0x6;
	[sflag:s28] =	ssyncadd.s32 @!p1 $0xFFFFC000  }
0x104: {  	[tilespmem:s0], [sflag:$0x6] =	stream.linear.gather @!p3 [spmem:s7], $0x800, $0x38;
	[tilespmem:$0x1CC00] =	vst v63  }
0x105: {  	_ =	swait.ge @!p3 [sflag:s9], $0x800  }
0x106: {  	s25 =	simm.s32 @!p3 $0x5;
	[sflag:s9] =	ssyncset.done @!p3 $0x0  }
0x107: {  	s28 =	simm.s32 @!p3 $0x0;
	[sflag:s9] =	ssyncadd.s32 @!p3 $0xFFFFF800;
	s9 =	sadd.s32 @!p3 $0x27000, s8  }
0x108: {  	[hbm4b:s9+s28] =	stream.linear.scatter @!p3 [tilespmem:s0], [sflag:$0x5], $0x800, $0x38;
	[tilespmem:$0x1CC00] =	vst v63  }
0x109: {  	_ =	swait.ge @!p3 [sflag:s25], $0x800  }
0x10a: {  	p1 =	por p2, p2;
	s0 =	sadd.s32 $0x40000, s23;
	[sflag:s25] =	ssyncset.done @!p3 $0x0  }
0x10b: {  	s9 =	simm.s32 @!p1 $0x6;
	s23 =	simm.s32 @!p1 $0x1000;
	[sflag:s25] =	ssyncadd.s32 @!p3 $0xFFFFF800  }
0x10c: {  	[tilespmem:s23], [sflag:$0x6] =	stream.linear.gather @!p1 [spmem:s0], $0x4000, $0x38;
	[tilespmem:$0x1CC00] =	vst v63  }
0x10d: {  	_ =	swait.ge @!p1 [sflag:s9], $0x4000  }
0x10e: {  	[sflag:s9] =	ssyncset.done @!p1 $0x0  }
0x10f: {  	s3 =	sadd.s32 @!p1 s3, s8;
	s0 =	simm.s32 @!p1 $0x0;
	[sflag:s9] =	ssyncadd.s32 @!p1 $0xFFFFC000  }
0x110: {  	[hbm4b:s3+s0] =	stream.linear.scatter @!p1 [tilespmem:s23], [sflag:$0x6], $0x4000, $0x38;
	[tilespmem:$0x1CC00] =	vst v63  }
0x111: {  	_ =	swait.ge @!p1 [sflag:s9], $0x4000  }
0x112: {  	s28 =	rddreg [dreg:$0xa]  }
0x113: {  	s29 =	rddreg [dreg:$0x3];
	s3 =	sadd.s32 $0x1, s28  }
0x114: {  	p2 =	sne.s32 s3, s29  }
.Ltmp4:
0x115: {  	_ = 	snop;
	(pc) =	sbr.rel @p2 .LBB2_1-.Ltmp4, $3  }
0x116: {  	_ =	sdelay $0x1  }
0x117: {  	s30 =	simm.s32 $0x0;
	[sflag:s9] =	ssyncset.done @!p1 $0x0  }
0x118: {  	s31 =	simm.s32 $0x880;
	s0 =	rddreg [dreg:$0x4];
	[sflag:s9] =	ssyncadd.s32 @!p1 $0xFFFFC000  }
0x119: {  	_ =	sfence.sel $0x180000  }
0x11a: {  	[bflag:$0x0] =	sbarrier.arrive $0xFFFF  }
0x11b: {  	_ =	strace $0x9000004A  }
0x11c: {  	[bflag:$0x2] =	sbarrier.arrive $0xFFFF  }
0x11d: {  	p0 =	sne.s32 s1, $0x0;
	s0 =	rddreg [dreg:$0x2]  }
0x11e: {  	s0 =	sadd.s32 @!p0 $0x100000, s0  }
0x11f: {  	[sflag:s0] =	ssyncadd.tile.s32 @!p0 $0x1;
	_ =	shalt  }
.Lfunc_end2:
_tile_overlayer_lowered:
.L_overlay_start_2:
0x120: {  	(tag) =	ssettag $0x2  }
0x121: {  	s0 =	rddreg [dreg:$0x0];
	s2 =	stileid.u32  }
0x122: {  	s1 =	rddreg [dreg:$0x1];
	p0 =	sne.s32 s2, $0x0  }
0x123: {  	s3 =	rddreg [dreg:$0x2];
	[bflag:$0x3] =	sbarrier.arrive $0xFFFF;
	s2 =	simm.s32 @!p0 $0x1C05  }
0x124: {  	[timem:s3], [sflag:s2] =	dma.local @!p0 [hbm:s0], s1  }
0x125: {  	s0 =	simm.s32 @!p0 $0x5  }
0x126: {  	_ =	swait.ge @!p0 [sflag:s0], s1  }
0x127: {  	s1 =	ssub.s32 @!p0 $0x0, s1;
	[sflag:s0] =	ssyncset.done @!p0 $0x0  }
0x128: {  	[sflag:s0] =	ssyncadd.s32 @!p0 s1  }
0x129: {  	[bflag:$0x3] =	sbarrier.arrive $0xFFFF  }
0x12a: {  	_ =	shalt  }

// kernel: kernel.14.cloned.1.call-start
scs
__scs_entry_jumppad:
0x0: {  	(pc) =	sbr.rel $0x88, $3  }
0x1: {  	(tag) =	ssettag $0x0;
	lr =	simm.s32 $0x1  }
0x2: {  	[smem:$0x3F93] =	sst lr;
	_ =	strace $0xD0000000  }
0x3: {  	_ = 	snop  }
0x4: {  	_ = 	snop  }
0x5: {  	_ = 	snop  }
0x6: {  	_ = 	snop  }
0x7: {  	_ = 	snop  }
__scs_overlays_trampoline_lowered:
0x8: {  	[smem:$0x3FA2] =	sst s0  }
0x9: {  	[smem:$0x3FA3] =	sst s1  }
0xa: {  	[smem:$0x3FA4] =	sst s2  }
0xb: {  	[smem:$0x3FA5] =	sst s3  }
0xc: {  	[smem:$0x3FA6] =	sst s4  }
0xd: {  	[smem:$0x3FA7] =	sst s5  }
0xe: {  	[smem:$0x3FA8] =	sst s6  }
0xf: {  	[smem:$0x3FA9] =	sst s7  }
0x10: {  	[smem:$0x3FAA] =	sst s8  }
0x11: {  	[smem:$0x3FAB] =	sst s9;
	s0 =	simm.s32 @!p0 $0x0  }
0x12: {  	s1 =	sld [smem:$0x3F91];
	s0 =	simm.s32 @p0 $0x1  }
0x13: {  	[smem:$0x3FAC] =	sst s0;
	s0 =	simm.s32 @!p1 $0x0  }
0x14: {  	s2 =	sld [smem:$0x3F90];
	s0 =	simm.s32 @p1 $0x1  }
0x15: {  	[smem:$0x3FAD] =	sst s0;
	s0 =	simm.s32 @!p2 $0x0  }
0x16: {  	s3 =	sld [smem:$0x3FDB];
	s0 =	simm.s32 @p2 $0x1  }
0x17: {  	s4 =	simm.s32 $0x1BF5;
	[smem:$0x3FAF] =	sst s0  }
0x18: {  	s0 =	sld [smem:$0x3F92];
	_ =	swait.ge [sflag:s4], $0x0  }
0x19: {  	s7 =	sld [smem:$0x3F93]  }
0x1a: {  	s8 =	sadd.s32 $0xFFFFE003, lr  }
0x1b: {  	s9 =	sadd.s32 $0xFFFFFEF7, lr;
	s5 =	simm.s32 $0xFFFFFFFF;
	p2 =	slt.u32 s8, $0xFFFFF086  }
0x1c: {  	p1 =	slt.u32 s9, $0xF7A;
	s5 =	simm.s32 @!p2 $0x0  }
0x1d: {  	s5 =	simm.s32 @p1 $0x1;
	p0 =	seq.s32 s7, s2  }
0x1e: {  	s7 =	smul.u32 @!p0 $0xF7A, s2;
	p2 =	seq.s32 @!p0 s5, $0x0  }
0x1f: {  	s9 =	smul.u32 $0xF7A, s1;
	s8 =	simm.s32 @!p0 $0x1BF5;
	p2 =	por !p2, p0  }
0x20: {  	[sflag:s8] =	ssyncset.s32 @!p0 $0xFFFFF086;
	s6 =	sadd.s32 @!p0 s3, s7;
	s7 =	simm.s32 @!p0 $0x108  }
0x21: {  	s3 =	sadd.s32 s3, s9;
	s6 =	sadd.s32 @!p0 $0x88, s6;
	s7 =	simm.s32 @p2 $0x1082  }
0x22: {  	[simem:s7], [sflag:s8] =	dma.local @!p0 [hbm:s6], $0xF7A  }
0x23: {  	s9 =	sor.u32 $0xD0000000, s2;
	s6 =	simm.s32 $0x108;
	_ =	swait.ge @!p0 [sflag:s8], $0x0  }
0x24: {  	s3 =	sadd.s32 $0x88, s3;
	s6 =	simm.s32 @!p1 $0x1082;
	[sflag:s4] =	ssyncset.s32 $0xFFFFF086  }
0x25: {  	[simem:s6], [sflag:s4] =	dma.local [hbm:s3], $0xF7A  }
0x26: {  	[smem:$0x3F93] =	sst s1;
	(tag) =	ssettag s2;
	_ =	strace s9  }
0x27: {  	s1 =	sld [smem:$0x3FA3]  }
0x28: {  	s2 =	sld [smem:$0x3FA4]  }
0x29: {  	s4 =	sld [smem:$0x3FA6]  }
0x2a: {  	p0 =	seq.s32 s5, $0x0;
	s5 =	sld [smem:$0x3FA7]  }
0x2b: {  	s6 =	sld [smem:$0x3FA8]  }
0x2c: {  	s7 =	sld [smem:$0x3FA9]  }
0x2d: {  	s3 =	simm.s32 $0x108;
	s8 =	sld [smem:$0x3FAA]  }
0x2e: {  	s3 =	simm.s32 @!p0 $0x1082;
	s9 =	sld [smem:$0x3FAB]  }
0x2f: {  	lr =	sadd.s32 s0, s3;
	s0 =	sld [smem:$0x3FA2]  }
0x30: {  	s3 =	sld [smem:$0x3FA5]  }
0x31: {  	[smem:$0x3FAE] =	sst s10  }
0x32: {  	s10 =	sld [smem:$0x3FAC];
	_ =	sdelay $0x3  }
0x33: {  	p0 =	seq.s32 s10, $0x1;
	s10 =	sld [smem:$0x3FAE];
	_ =	sdelay $0x3  }
0x34: {  	[smem:$0x3FAE] =	sst s10  }
0x35: {  	s10 =	sld [smem:$0x3FAD];
	_ =	sdelay $0x3  }
0x36: {  	p1 =	seq.s32 s10, $0x1;
	s10 =	sld [smem:$0x3FAE];
	_ =	sdelay $0x3  }
0x37: {  	[smem:$0x3FAE] =	sst s10  }
0x38: {  	s10 =	sld [smem:$0x3FAF]  }
0x39: {  	_ = 	snop;
	(pc) =	sbr.ind lr, $3  }
0x3a: {  	_ = 	snop  }
0x3b: {  	_ = 	snop  }
0x3c: {  	p2 =	seq.s32 s10, $0x1;
	s10 =	sld [smem:$0x3FAE]  }
0x3d: {  	_ =	shalt  }
0x3e: {  	_ =	shalt  }
0x3f: {  	_ =	shalt  }
0x40: {  	_ =	shalt  }
0x41: {  	_ =	shalt  }
0x42: {  	_ =	shalt  }
0x43: {  	_ =	shalt  }
0x44: {  	_ =	shalt  }
0x45: {  	_ =	shalt  }
0x46: {  	_ =	shalt  }
0x47: {  	_ =	shalt  }
0x48: {  	_ =	shalt  }
0x49: {  	_ =	shalt  }
0x4a: {  	_ =	shalt  }
0x4b: {  	_ =	shalt  }
0x4c: {  	_ =	shalt  }
0x4d: {  	_ =	shalt  }
0x4e: {  	_ =	shalt  }
0x4f: {  	_ =	shalt  }
0x50: {  	_ =	shalt  }
0x51: {  	_ =	shalt  }
0x52: {  	_ =	shalt  }
0x53: {  	_ =	shalt  }
0x54: {  	_ =	shalt  }
0x55: {  	_ =	shalt  }
0x56: {  	_ =	shalt  }
0x57: {  	_ =	shalt  }
0x58: {  	_ =	shalt  }
0x59: {  	_ =	shalt  }
0x5a: {  	_ =	shalt  }
0x5b: {  	_ =	shalt  }
0x5c: {  	_ =	shalt  }
0x5d: {  	_ =	shalt  }
0x5e: {  	_ =	shalt  }
0x5f: {  	_ =	shalt  }
0x60: {  	_ =	shalt  }
0x61: {  	_ =	shalt  }
0x62: {  	_ =	shalt  }
0x63: {  	_ =	shalt  }
0x64: {  	_ =	shalt  }
0x65: {  	_ =	shalt  }
0x66: {  	_ =	shalt  }
0x67: {  	_ =	shalt  }
0x68: {  	_ =	shalt  }
0x69: {  	_ =	shalt  }
0x6a: {  	_ =	shalt  }
0x6b: {  	_ =	shalt  }
0x6c: {  	_ =	shalt  }
0x6d: {  	_ =	shalt  }
0x6e: {  	_ =	shalt  }
0x6f: {  	_ =	shalt  }
0x70: {  	_ =	shalt  }
0x71: {  	_ =	shalt  }
0x72: {  	_ =	shalt  }
0x73: {  	_ =	shalt  }
0x74: {  	_ =	shalt  }
0x75: {  	_ =	shalt  }
0x76: {  	_ =	shalt  }
0x77: {  	_ =	shalt  }
0x78: {  	_ =	shalt  }
0x79: {  	_ =	shalt  }
0x7a: {  	_ =	shalt  }
0x7b: {  	_ =	shalt  }
0x7c: {  	_ =	shalt  }
0x7d: {  	_ =	shalt  }
0x7e: {  	_ =	shalt  }
0x7f: {  	_ =	shalt  }
0x80: {  	_ =	shalt  }
0x81: {  	_ =	shalt  }
0x82: {  	_ =	shalt  }
0x83: {  	_ =	shalt  }
0x84: {  	_ =	shalt  }
0x85: {  	_ =	shalt  }
0x86: {  	_ =	shalt  }
0x87: {  	_ =	shalt  }
.Lfunc_end0:
.L_simem_size_0:
called_computation.2_lowered:
.L_overlay_start_0:
0x88: {  	s2 =	sld [smem:$0x3FD9]  }
0x89: {  	s3 =	sld [smem:$0x3FFE];
	_ =	sdelay $0x1  }
0x8a: {  	s1 =	srdreg.scid  }
0x8b: {  	s0 =	sand.u32 $0x1, s1  }
0x8c: {  	s16 =	sshll.u32 s0, $0xA;
	s2 =	sadd.s32 s3, s2  }
0x8d: {  	s2 =	sadd.s32 s2, s16  }
0x8e: {  	[smem:$0x3FBA] =	sst s2  }
0x8f: {  	_ = 	snop  }
0x90: {  	(tm) =	ssettm $0x1  }
0x91: {  	s17 =	sld [smem:$0x3FFB];
	_ =	sdelay $0x3  }
0x92: {  	_ =	strace s17  }
0x93: {  	s2 =	sld [smem:$0x3FFC];
	_ =	sdelay $0x3  }
0x94: {  	_ =	strace s2  }
0x95: {  	s2 =	sld [smem:$0x3FFD];
	_ =	sdelay $0x3  }
0x96: {  	_ =	strace s2  }
0x97: {  	_ =	strace $0x8FFFFFFF  }
0x98: {  	s18 =	sld [smem:$0x3FDB];
	_ =	sdelay $0x1  }
0x99: {  	s19 =	simm.s32 $_scs_section_size  }
0x9a: {  	s4 =	simm.s32 $_size__tile_overlayer_lowered;
	s5 =	simm.s32 $_tile_overlayer_lowered  }
0x9b: {  	s22 =	simm.s32 $0x1BFF;
	s21 =	sshll.u32 s5, $0x1;
	s2 =	sadd.s32 s19, s18  }
0x9c: {  	s6 =	simm.s32 $0x0;
	s20 =	sshll.u32 s4, $0x1;
	s4 =	sadd.s32 s21, s2  }
0x9d: {  	[timem:s6], [sflag:s22] =	dma.local [hbm:s4], s20  }
0x9e: {  	_ =	swait.ge [sflag:s22], s20  }
0x9f: {  	s3 =	ssub.s32 $0x0, s20;
	[sflag:s22] =	ssyncset.done $0x0  }
0xa0: {  	[sflag:s22] =	ssyncadd.s32 s3;
	_ =	sdelay $0x1  }
0xa1: {  	s23 =	simm.s32 $0x1B8B  }
0xa2: {  	_ =	swait.ge [sflag:s23], $0x1  }
0xa3: {  	[sflag:s23] =	ssyncset.done $0x0  }
0xa4: {  	s25 =	simm.s32 $0x1B8E;
	s24 =	sld [smem:$0x3FFE];
	[sflag:s23] =	ssyncadd.s32 $0xFFFFFFFF  }
0xa5: {  	s26 =	simm.s32 $execute0_lowered;
	[smem:$0x3FD2] =	sst s25  }
0xa6: {  	s4 =	sshll.u32 s26, $0x1;
	_ =	strace $0x8000004C;
	[dreg:$0x1] =	wrdreg $0xFFFFFFFF  }
0xa7: {  	s28 =	simm.s32 $_size_execute0_lowered;
	s2 =	sadd.s32 s2, s4;
	[dreg:$0x0] =	wrdreg $0x0  }
0xa8: {  	s4 =	sshll.u32 s28, $0x1;
	[dreg:$0x2] =	wrdreg s2  }
0xa9: {  	[dreg:$0x3] =	wrdreg s4  }
0xaa: {  	[dreg:$0x4] =	wrdreg $0xC0  }
0xab: {  	_ =	task [dreg:s6], $0x5FFFF  }
0xac: {  	[dreg:$0x1] =	wrdreg $0xFFFFFFFF  }
0xad: {  	[dreg:$0x0] =	wrdreg $0x60  }
0xae: {  	[dreg:$0x2] =	wrdreg s24  }
0xaf: {  	[dreg:$0x3] =	wrdreg $0x90000  }
0xb0: {  	[dreg:$0x4] =	wrdreg $0x9  }
0xb1: {  	_ =	task.clear_ibuf [dreg:s6], $0x5FFFF;
	_ =	strace $0x9000004C  }
0xb2: {  	s29 =	simm.s32 $0x9;
	_ =	strace $0x8000004E  }
0xb3: {  	_ =	swait.ge [sflag:s29], $0x1  }
0xb4: {  	[sflag:s29] =	ssyncadd.s32 $0xFFFFFFFF  }
0xb5: {  	_ =	strace $0x9000004E  }
0xb6: {  	_ =	sfence  }
0xb7: {  	s30 =	sld [smem:$0x0];
	_ =	sdelay $0x2  }
0xb8: {  	s31 =	sshll.u32 s1, $0xD;
	s1 =	sshrl.u32 s1, $0x2  }
0xb9: {  	s3 =	sand.u32 $0x4000, s31;
	s1 =	sadd.s32 s1, s30  }
0xba: {  	s0 =	sor.u32 s3, s0;
	s1 =	sshll.u32 s1, $0x11  }
0xbb: {  	s0 =	sor.u32 s1, s0  }
0xbc: {  	s0 =	sadd.s32 $0x8F2B, s0  }
0xbd: {  	[sflag:s0] =	ssyncadd.remote.s32 $0x1  }
0xbe: {  	_ =	sfence.sel $0xFFFF  }
0xbf: {  	[dreg:$0x0] =	wrdreg $0xFFFFFFFF;
	(pc) =	sbr.abs _section_cstart, $3  }
0xc0: {  	[dreg:$0x1] =	wrdreg $0xFFFFFFFF  }
0xc1: {  	_ =	task.clear_ibuf [dreg:s6], $0x2FFFF;
	_ =	strace $0x9FFFFFFF  }
0xc2: {  	(tm) =	ssettm $0x7FFFFFFF  }
0xc3: {  	_ =	shalt  }
tec
execute0_lowered:
.L_overlay_start_1:
0x0: {  	(tag) =	ssettag $0x1  }
0x1: {  	s0 =	rddreg [dreg:$0x0]  }
0x2: {  	s2 =	rddreg [dreg:$0x1];
	s1 =	stileid.u32  }
0x3: {  	s3 =	srdreg.scid;
	s30 =	simm.s32 $0x0;
	s16 =	simm.s32 $0x1000  }
0x4: {  	s17 =	simm.s32 $0x5;
	s18 =	simm.s32 $0x800;
	s19 =	simm.s32 $0x80  }
0x5: {  	s20 =	simm.s32 $0x5000;
	s21 =	simm.s32 $0x1;
	s31 =	simm.s32 $0x880  }
0x6: {  	s11 =	simm.s32 $0xE00;
	s12 =	simm.s32 $0xE80;
	s13 =	simm.s32 $0x700  }
0x7: {  	s14 =	simm.s32 $0x780;
	s15 =	simm.s32 $0xF00;
	s5 =	smul.u32 $0x500, s1  }
0x8: {  	s3 =	sand.u32 $0x1, s3;
	[smem:$0x7FF] =	sst s30;
	s4 =	sadd.s32 $0x5B000, s0  }
0x9: {  	s10 =	sshll.u32 s1, $0xE;
	s29 =	sshll.u32 s1, $0xB;
	p0 =	seq.s32 s1, $0xF  }
0xa: {  	s6 =	smul.u32 $0x27100, s3;
	_ =	strace $0x8000004D;
	s7 =	ssub.s32 $0x2, s3  }
0xb: {  	s3 =	smul.u32 $0x2710, s3;
	[dreg:$0x9] =	wrdreg s29;
	s22 =	sshrl.u32 s7, $0x1  }
0xc: {  	s8 =	sadd.s32 s5, s0;
	s0 =	sadd.s32 s6, s0;
	s9 =	ssub.s32 s7, s22  }
0xd: {  	s5 =	sadd.s32 $0x56000, s8;
	s6 =	sadd.s32 $0x2000, s8;
	s23 =	smax.u32 s9, $0x1  }
0xe: {  	s8 =	sadd.s32 $0xA9200, s0;
	s0 =	sadd.s32 s10, s2;
	[dreg:$0x3] =	wrdreg s23  }
0xf: {  	s7 =	sadd.s32 $0x138000, s2;
	s24 =	sadd.s32 $0x40000, s0;
	[dreg:$0x4] =	wrdreg s0  }
0x10: {  	s22 =	simm.s32 $0x2;
	s25 =	sadd.s32 $0x80000, s0;
	[dreg:$0x5] =	wrdreg s24  }
0x11: {  	v0 =	vmov s3;
	s3 =	simm.s32 $0x0;
	s26 =	sadd.s32 $0xC0000, s0;
	[dreg:$0x6] =	wrdreg s25  }
0x12: {  	s10 =	simm.s32 $0xF80;
	s28 =	sadd.s32 $0x100000, s0;
	[dreg:$0x7] =	wrdreg s26  }
0x13: {  	v1 =	vimm.f32 $0.0e+00;
	[dreg:$0x8] =	wrdreg s28;
	s24 =	simm.s32 $0x3;
	s26 =	simm.s32 $0x4  }
.LBB2_1:
0x14: {  	[dreg:$0xa] =	wrdreg s3;
	s3 =	simm.s32 $0x0;
	s23 =	simm.s32 $0x200  }
.LBB2_2:
0x15: {  	p1 =	sne.s32 s23, $0xFE00;
	[tilespmem:s3+$0x1070] =	vst v1  }
0x16: {  	[tilespmem:s3+$0x1000] =	vst v1  }
0x17: {  	[tilespmem:s3+$0x1010] =	vst v1  }
.Ltmp0:
0x18: {  	[tilespmem:s3+$0x1020] =	vst v1;
	(pc) =	sbr.rel @p1 .LBB2_2-.Ltmp0, $4  }
0x19: {  	[tilespmem:s3+$0x1030] =	vst v1  }
0x1a: {  	[tilespmem:s3+$0x1040] =	vst v1  }
0x1b: {  	[tilespmem:s3+$0x1050] =	vst v1  }
0x1c: {  	[tilespmem:s3+$0x1060] =	vst v1;
	s3 =	sshra.s32 s23, $0x2;
	s23 =	sadd.s32 $0x200, s23  }
0x1d: {  	[tilespmem:s3+$0x1070] =	vst v1  }
0x1e: {  	[tilespmem:s3+$0x1000] =	vst v1  }
0x1f: {  	[tilespmem:s3+$0x1010] =	vst v1  }
0x20: {  	[tilespmem:s3+$0x1020] =	vst v1  }
0x21: {  	[tilespmem:s3+$0x1030] =	vst v1  }
0x22: {  	[tilespmem:s3+$0x1040] =	vst v1  }
0x23: {  	[tilespmem:s3+$0x1050] =	vst v1  }
0x24: {  	[tilespmem:s3+$0x1060] =	vst v1  }
0x25: {  	[spmem:s0] =	stream.linear.scatter [tilespmem:s16], [sflag:$0x5], $0x4000, $0x38;
	[tilespmem:$0x1CC00] =	vst v63  }
0x26: {  	_ =	swait.ge [sflag:s17], $0x4000  }
0x27: {  	[sflag:s17] =	ssyncset.done $0x0  }
0x28: {  	s25 =	rddreg [dreg:$0x5];
	[sflag:s17] =	ssyncadd.s32 $0xFFFFC000  }
0x29: {  	[spmem:s25] =	stream.linear.scatter [tilespmem:s16], [sflag:$0x5], $0x4000, $0x38;
	[tilespmem:$0x1CC00] =	vst v63  }
0x2a: {  	_ =	swait.ge [sflag:s17], $0x4000  }
0x2b: {  	[sflag:s17] =	ssyncset.done $0x0  }
0x2c: {  	s28 =	rddreg [dreg:$0x6];
	[sflag:s17] =	ssyncadd.s32 $0xFFFFC000  }
0x2d: {  	[spmem:s28] =	stream.linear.scatter [tilespmem:s16], [sflag:$0x5], $0x4000, $0x38;
	[tilespmem:$0x1CC00] =	vst v63  }
0x2e: {  	_ =	swait.ge [sflag:s17], $0x4000  }
0x2f: {  	[sflag:s17] =	ssyncset.done $0x0  }
0x30: {  	s29 =	rddreg [dreg:$0x7];
	[sflag:s17] =	ssyncadd.s32 $0xFFFFC000  }
0x31: {  	[spmem:s29] =	stream.linear.scatter [tilespmem:s16], [sflag:$0x5], $0x4000, $0x38;
	[tilespmem:$0x1CC00] =	vst v63  }
0x32: {  	_ =	swait.ge [sflag:s17], $0x4000  }
0x33: {  	[sflag:s17] =	ssyncset.done $0x0  }
0x34: {  	s3 =	simm.s32 @!p0 $0x1000;
	s9 =	rddreg [dreg:$0x8];
	[sflag:s17] =	ssyncadd.s32 $0xFFFFC000  }
0x35: {  	[spmem:s9] =	stream.linear.scatter @!p0 [tilespmem:s3], [sflag:$0x5], $0x4000, $0x38;
	[tilespmem:$0x1CC00] =	vst v63  }
0x36: {  	s3 =	simm.s32 @!p0 $0x5  }
0x37: {  	_ =	swait.ge @!p0 [sflag:s3], $0x4000  }
0x38: {  	[sflag:s3] =	ssyncset.done @!p0 $0x0  }
0x39: {  	s23 =	simm.s32 $0x0;
	[sflag:s3] =	ssyncadd.s32 @!p0 $0xFFFFC000  }
0x3a: {  	s9 =	simm.s32 $0x100;
	s3 =	simm.s32 $0x0;
	[bflag:$0x0] =	sbarrier.arrive $0xFFFF  }
.LBB2_4:
0x3b: {  	s25 =	sshll.u32 s23, $0x8  }
0x3c: {  	s28 =	sadd.s32 s25, s5  }
0x3d: {  	[tilespmem:s3], [sflag:$0x5] =	stream.linear.gather [hbm4b:s28+s3], $0x800, $0x38;
	[tilespmem:$0x1CC00] =	vst v63  }
0x3e: {  	_ =	swait.ge [sflag:s17], $0x800  }
0x3f: {  	[sflag:s17] =	ssyncset.done $0x0  }
0x40: {  	s25 =	sadd.s32 s25, s6;
	[sflag:s17] =	ssyncadd.s32 $0xFFFFF800  }
0x41: {  	[tilespmem:s18], [sflag:$0x5] =	stream.linear.gather [hbm4b:s25+s3], $0x800, $0x38;
	[tilespmem:$0x1CC00] =	vst v63  }
0x42: {  	_ =	swait.ge [sflag:s17], $0x800  }
0x43: {  	[sflag:s17] =	ssyncset.done $0x0  }
0x44: {  	s25 =	simm.s32 $0x0;
	[sflag:s17] =	ssyncadd.s32 $0xFFFFF800  }
0x45: {  	v4 =	vld [tilespmem:s25+$0x0]  }
0x46: {  	v6 =	vld [tilespmem:s25+$0x10]  }
0x47: {  	v5 =	vld [tilespmem:s25+$0x20]  }
0x48: {  	v3 =	vld [tilespmem:s25+$0x30]  }
0x49: {  	v2 =	vld [tilespmem:s25+$0x40]  }
0x4a: {  	v7 =	vadd.s32 v0, v4;
	v4 =	vld [tilespmem:s25+$0x50]  }
0x4b: {  	s28 =	simm.s32 $0x200;
	[tilespmem:s25+$0x0] =	vst v7;
	v7 =	vadd.s32 v0, v6;
	v6 =	vld [tilespmem:s25+$0x60]  }
.LBB2_5:
0x4c: {  	s29 =	sshra.s32 s28, $0x2;
	p1 =	sne.s32 s28, $0x1E00;
	[tilespmem:s25+$0x10] =	vst v7;
	v5 =	vadd.s32 v0, v5;
	v7 =	vld [tilespmem:s25+$0x70]  }
0x4d: {  	v8 =	vld [tilespmem:s29+$0x0];
	[tilespmem:s25+$0x20] =	vst v5;
	v3 =	vadd.s32 v0, v3  }
0x4e: {  	v9 =	vld [tilespmem:s29+$0x10];
	[tilespmem:s25+$0x30] =	vst v3;
	v2 =	vadd.s32 v0, v2  }
.Ltmp1:
0x4f: {  	v5 =	vld [tilespmem:s29+$0x20];
	[tilespmem:s25+$0x40] =	vst v2;
	v2 =	vadd.s32 v0, v4;
	(pc) =	sbr.rel @p1 .LBB2_5-.Ltmp1, $4  }
0x50: {  	v3 =	vld [tilespmem:s29+$0x30];
	[tilespmem:s25+$0x50] =	vst v2;
	v4 =	vadd.s32 v0, v6  }
0x51: {  	v2 =	vld [tilespmem:s29+$0x40];
	[tilespmem:s25+$0x60] =	vst v4;
	v6 =	vadd.s32 v0, v7  }
0x52: {  	v7 =	vadd.s32 v0, v8;
	v4 =	vld [tilespmem:s29+$0x50];
	[tilespmem:s25+$0x70] =	vst v6;
	s25 =	smov.u32 s29  }
0x53: {  	s28 =	sadd.s32 $0x200, s28;
	[tilespmem:s25+$0x0] =	vst v7;
	v7 =	vadd.s32 v0, v9;
	v6 =	vld [tilespmem:s25+$0x60]  }
0x54: {  	[tilespmem:s25+$0x10] =	vst v7;
	v5 =	vadd.s32 v0, v5;
	v63 =	vld [tilespmem:s25+$0x70]  }
0x55: {  	[tilespmem:s25+$0x20] =	vst v5;
	v3 =	vadd.s32 v0, v3  }
0x56: {  	[tilespmem:s25+$0x30] =	vst v3;
	v2 =	vadd.s32 v0, v2  }
0x57: {  	[tilespmem:s25+$0x40] =	vst v2;
	v2 =	vadd.s32 v0, v4  }
0x58: {  	[tilespmem:s25+$0x50] =	vst v2;
	v2 =	vadd.s32 v0, v6  }
0x59: {  	[tilespmem:s25+$0x60] =	vst v2;
	v2 =	vadd.s32 v0, v63  }
0x5a: {  	[tilespmem:s25+$0x70] =	vst v2  }
0x5b: {  	[tilespmem:s16], [sflag:$0x1] =	stream.indirect.gather [hbm4b:s4+s19], $0x80, s30, s19, $0xb8;
	[tilespmem:$0x1CC00] =	vst v63  }
0x5c: {  	_ = 	snop  }
0x5d: {  	[tilespmem:s20], [sflag:$0x2] =	stream.indirect.gather [hbm4b:s4+s19], $0x80, s19, s19, $0xb8;
	[tilespmem:$0x1CC00] =	vst v63  }
0x5e: {  	_ =	swait.ge [sflag:s21], $0x4000  }
0x5f: {  	[sflag:s21] =	ssyncset.done $0x0  }
0x60: {  	[sflag:s21] =	ssyncadd.s32 $0xFFFFC000  }
0x61: {  	[spmem:s2] =	stream.indirect.scatter.add.f32 [tilespmem:s16], [sflag:$0x3], $0x80, s18, s19, $0xb8;
	[tilespmem:$0x1CC00] =	vst v63  }
0x62: {  	_ =	swait.ge [sflag:s22], $0x4000  }
0x63: {  	[sflag:s22] =	ssyncset.done $0x0  }
0x64: {  	[sflag:s22] =	ssyncadd.s32 $0xFFFFC000  }
0x65: {  	[spmem:s2] =	stream.indirect.scatter.add.f32 [tilespmem:s20], [sflag:$0x4], $0x80, s31, s19, $0xb8;
	[tilespmem:$0x1CC00] =	vst v63  }
0x66: {  	_ =	swait.ge [sflag:s24], $0x4000  }
0x67: {  	[sflag:s24] =	ssyncset.done $0x0  }
0x68: {  	[sflag:s24] =	ssyncadd.s32 $0xFFFFC000  }
0x69: {  	[tilespmem:s16], [sflag:$0x1] =	stream.indirect.gather [hbm4b:s4+s19], $0x80, s9, s19, $0xb8;
	[tilespmem:$0x1CC00] =	vst v63  }
0x6a: {  	_ =	swait.ge [sflag:s26], $0x4000  }
0x6b: {  	[sflag:s26] =	ssyncset.done $0x0  }
0x6c: {  	s29 =	simm.s32 $0x180;
	[sflag:s26] =	ssyncadd.s32 $0xFFFFC000  }
0x6d: {  	[tilespmem:s20], [sflag:$0x2] =	stream.indirect.gather [hbm4b:s4+s19], $0x80, s29, s19, $0xb8;
	[tilespmem:$0x1CC00] =	vst v63  }
0x6e: {  	_ =	swait.ge [sflag:s21], $0x4000  }
0x6f: {  	[sflag:s21] =	ssyncset.done $0x0  }
0x70: {  	s28 =	simm.s32 $0x900;
	[sflag:s21] =	ssyncadd.s32 $0xFFFFC000  }
0x71: {  	[spmem:s2] =	stream.indirect.scatter.add.f32 [tilespmem:s16], [sflag:$0x3], $0x80, s28, s19, $0xb8;
	[tilespmem:$0x1CC00] =	vst v63  }
0x72: {  	_ =	swait.ge [sflag:s22], $0x4000  }
0x73: {  	[sflag:s22] =	ssyncset.done $0x0  }
0x74: {  	s29 =	simm.s32 $0x980;
	[sflag:s22] =	ssyncadd.s32 $0xFFFFC000  }
0x75: {  	[spmem:s2] =	stream.indirect.scatter.add.f32 [tilespmem:s20], [sflag:$0x4], $0x80, s29, s19, $0xb8;
	[tilespmem:$0x1CC00] =	vst v63  }
0x76: {  	_ =	swait.ge [sflag:s24], $0x4000  }
0x77: {  	[sflag:s24] =	ssyncset.done $0x0  }
0x78: {  	s28 =	simm.s32 $0x200;
	[sflag:s24] =	ssyncadd.s32 $0xFFFFC000  }
0x79: {  	[tilespmem:s16], [sflag:$0x1] =	stream.indirect.gather [hbm4b:s4+s19], $0x80, s28, s19, $0xb8;
	[tilespmem:$0x1CC00] =	vst v63  }
0x7a: {  	_ =	swait.ge [sflag:s26], $0x4000  }
0x7b: {  	[sflag:s26] =	ssyncset.done $0x0  }
0x7c: {  	s29 =	simm.s32 $0x280;
	[sflag:s26] =	ssyncadd.s32 $0xFFFFC000  }
0x7d: {  	[tilespmem:s20], [sflag:$0x2] =	stream.indirect.gather [hbm4b:s4+s19], $0x80, s29, s19, $0xb8;
	[tilespmem:$0x1CC00] =	vst v63  }
0x7e: {  	_ =	swait.ge [sflag:s21], $0x4000  }
0x7f: {  	[sflag:s21] =	ssyncset.done $0x0  }
0x80: {  	s28 =	simm.s32 $0xA00;
	[sflag:s21] =	ssyncadd.s32 $0xFFFFC000  }
0x81: {  	[spmem:s2] =	stream.indirect.scatter.add.f32 [tilespmem:s16], [sflag:$0x3], $0x80, s28, s19, $0xb8;
	[tilespmem:$0x1CC00] =	vst v63  }
0x82: {  	_ =	swait.ge [sflag:s22], $0x4000  }
0x83: {  	[sflag:s22] =	ssyncset.done $0x0  }
0x84: {  	s29 =	simm.s32 $0xA80;
	[sflag:s22] =	ssyncadd.s32 $0xFFFFC000  }
0x85: {  	[spmem:s2] =	stream.indirect.scatter.add.f32 [tilespmem:s20], [sflag:$0x4], $0x80, s29, s19, $0xb8;
	[tilespmem:$0x1CC00] =	vst v63  }
0x86: {  	_ =	swait.ge [sflag:s24], $0x4000  }
0x87: {  	[sflag:s24] =	ssyncset.done $0x0  }
0x88: {  	s28 =	simm.s32 $0x300;
	[sflag:s24] =	ssyncadd.s32 $0xFFFFC000  }
0x89: {  	[tilespmem:s16], [sflag:$0x1] =	stream.indirect.gather [hbm4b:s4+s19], $0x80, s28, s19, $0xb8;
	[tilespmem:$0x1CC00] =	vst v63  }
0x8a: {  	_ =	swait.ge [sflag:s26], $0x4000  }
0x8b: {  	[sflag:s26] =	ssyncset.done $0x0  }
0x8c: {  	s29 =	simm.s32 $0x380;
	[sflag:s26] =	ssyncadd.s32 $0xFFFFC000  }
0x8d: {  	[tilespmem:s20], [sflag:$0x2] =	stream.indirect.gather [hbm4b:s4+s19], $0x80, s29, s19, $0xb8;
	[tilespmem:$0x1CC00] =	vst v63  }
0x8e: {  	_ =	swait.ge [sflag:s21], $0x4000  }
0x8f: {  	[sflag:s21] =	ssyncset.done $0x0  }
0x90: {  	s28 =	simm.s32 $0xB00;
	[sflag:s21] =	ssyncadd.s32 $0xFFFFC000  }
0x91: {  	[spmem:s2] =	stream.indirect.scatter.add.f32 [tilespmem:s16], [sflag:$0x3], $0x80, s28, s19, $0xb8;
	[tilespmem:$0x1CC00] =	vst v63  }
0x92: {  	_ =	swait.ge [sflag:s22], $0x4000  }
0x93: {  	[sflag:s22] =	ssyncset.done $0x0  }
0x94: {  	s29 =	simm.s32 $0xB80;
	[sflag:s22] =	ssyncadd.s32 $0xFFFFC000  }
0x95: {  	[spmem:s2] =	stream.indirect.scatter.add.f32 [tilespmem:s20], [sflag:$0x4], $0x80, s29, s19, $0xb8;
	[tilespmem:$0x1CC00] =	vst v63  }
0x96: {  	_ =	swait.ge [sflag:s24], $0x4000  }
0x97: {  	[sflag:s24] =	ssyncset.done $0x0  }
0x98: {  	s28 =	simm.s32 $0x400;
	[sflag:s24] =	ssyncadd.s32 $0xFFFFC000  }
0x99: {  	[tilespmem:s16], [sflag:$0x1] =	stream.indirect.gather [hbm4b:s4+s19], $0x80, s28, s19, $0xb8;
	[tilespmem:$0x1CC00] =	vst v63  }
0x9a: {  	_ =	swait.ge [sflag:s26], $0x4000  }
0x9b: {  	[sflag:s26] =	ssyncset.done $0x0  }
0x9c: {  	s29 =	simm.s32 $0x480;
	[sflag:s26] =	ssyncadd.s32 $0xFFFFC000  }
0x9d: {  	[tilespmem:s20], [sflag:$0x2] =	stream.indirect.gather [hbm4b:s4+s19], $0x80, s29, s19, $0xb8;
	[tilespmem:$0x1CC00] =	vst v63  }
0x9e: {  	_ =	swait.ge [sflag:s21], $0x4000  }
0x9f: {  	[sflag:s21] =	ssyncset.done $0x0  }
0xa0: {  	s28 =	simm.s32 $0xC00;
	[sflag:s21] =	ssyncadd.s32 $0xFFFFC000  }
0xa1: {  	[spmem:s2] =	stream.indirect.scatter.add.f32 [tilespmem:s16], [sflag:$0x3], $0x80, s28, s19, $0xb8;
	[tilespmem:$0x1CC00] =	vst v63  }
0xa2: {  	_ =	swait.ge [sflag:s22], $0x4000  }
0xa3: {  	[sflag:s22] =	ssyncset.done $0x0  }
0xa4: {  	s29 =	simm.s32 $0xC80;
	[sflag:s22] =	ssyncadd.s32 $0xFFFFC000  }
0xa5: {  	[spmem:s2] =	stream.indirect.scatter.add.f32 [tilespmem:s20], [sflag:$0x4], $0x80, s29, s19, $0xb8;
	[tilespmem:$0x1CC00] =	vst v63  }
0xa6: {  	_ =	swait.ge [sflag:s24], $0x4000  }
0xa7: {  	[sflag:s24] =	ssyncset.done $0x0  }
0xa8: {  	s28 =	simm.s32 $0x500;
	[sflag:s24] =	ssyncadd.s32 $0xFFFFC000  }
0xa9: {  	[tilespmem:s16], [sflag:$0x1] =	stream.indirect.gather [hbm4b:s4+s19], $0x80, s28, s19, $0xb8;
	[tilespmem:$0x1CC00] =	vst v63  }
0xaa: {  	_ =	swait.ge [sflag:s26], $0x4000  }
0xab: {  	[sflag:s26] =	ssyncset.done $0x0  }
0xac: {  	s29 =	simm.s32 $0x580;
	[sflag:s26] =	ssyncadd.s32 $0xFFFFC000  }
0xad: {  	[tilespmem:s20], [sflag:$0x2] =	stream.indirect.gather [hbm4b:s4+s19], $0x80, s29, s19, $0xb8;
	[tilespmem:$0x1CC00] =	vst v63  }
0xae: {  	_ =	swait.ge [sflag:s21], $0x4000  }
0xaf: {  	[sflag:s21] =	ssyncset.done $0x0  }
0xb0: {  	s28 =	simm.s32 $0xD00;
	[sflag:s21] =	ssyncadd.s32 $0xFFFFC000  }
0xb1: {  	[spmem:s2] =	stream.indirect.scatter.add.f32 [tilespmem:s16], [sflag:$0x3], $0x80, s28, s19, $0xb8;
	[tilespmem:$0x1CC00] =	vst v63  }
0xb2: {  	_ =	swait.ge [sflag:s22], $0x4000  }
0xb3: {  	[sflag:s22] =	ssyncset.done $0x0  }
0xb4: {  	s29 =	simm.s32 $0xD80;
	[sflag:s22] =	ssyncadd.s32 $0xFFFFC000  }
0xb5: {  	[spmem:s2] =	stream.indirect.scatter.add.f32 [tilespmem:s20], [sflag:$0x4], $0x80, s29, s19, $0xb8;
	[tilespmem:$0x1CC00] =	vst v63  }
0xb6: {  	_ =	swait.ge [sflag:s24], $0x4000  }
0xb7: {  	[sflag:s24] =	ssyncset.done $0x0  }
0xb8: {  	s28 =	simm.s32 $0x600;
	[sflag:s24] =	ssyncadd.s32 $0xFFFFC000  }
0xb9: {  	[tilespmem:s16], [sflag:$0x1] =	stream.indirect.gather [hbm4b:s4+s19], $0x80, s28, s19, $0xb8;
	[tilespmem:$0x1CC00] =	vst v63  }
0xba: {  	_ =	swait.ge [sflag:s26], $0x4000  }
0xbb: {  	[sflag:s26] =	ssyncset.done $0x0  }
0xbc: {  	s29 =	simm.s32 $0x680;
	[sflag:s26] =	ssyncadd.s32 $0xFFFFC000  }
0xbd: {  	[tilespmem:s20], [sflag:$0x2] =	stream.indirect.gather [hbm4b:s4+s19], $0x80, s29, s19, $0xb8;
	[tilespmem:$0x1CC00] =	vst v63  }
0xbe: {  	_ =	swait.ge [sflag:s21], $0x4000  }
0xbf: {  	[sflag:s21] =	ssyncset.done $0x0  }
0xc0: {  	[sflag:s21] =	ssyncadd.s32 $0xFFFFC000  }
0xc1: {  	[spmem:s2] =	stream.indirect.scatter.add.f32 [tilespmem:s16], [sflag:$0x3], $0x80, s11, s19, $0xb8;
	[tilespmem:$0x1CC00] =	vst v63  }
0xc2: {  	_ =	swait.ge [sflag:s22], $0x4000  }
0xc3: {  	[sflag:s22] =	ssyncset.done $0x0  }
0xc4: {  	[sflag:s22] =	ssyncadd.s32 $0xFFFFC000  }
0xc5: {  	[spmem:s2] =	stream.indirect.scatter.add.f32 [tilespmem:s20], [sflag:$0x4], $0x80, s12, s19, $0xb8;
	[tilespmem:$0x1CC00] =	vst v63  }
0xc6: {  	_ =	swait.ge [sflag:s24], $0x4000  }
0xc7: {  	[sflag:s24] =	ssyncset.done $0x0  }
0xc8: {  	[sflag:s24] =	ssyncadd.s32 $0xFFFFC000  }
0xc9: {  	[tilespmem:s16], [sflag:$0x1] =	stream.indirect.gather [hbm4b:s4+s19], $0x80, s13, s19, $0xb8;
	[tilespmem:$0x1CC00] =	vst v63  }
0xca: {  	_ =	swait.ge [sflag:s26], $0x4000  }
0xcb: {  	[sflag:s26] =	ssyncset.done $0x0  }
0xcc: {  	[sflag:s26] =	ssyncadd.s32 $0xFFFFC000  }
0xcd: {  	[tilespmem:s20], [sflag:$0x2] =	stream.indirect.gather [hbm4b:s4+s19], $0x80, s14, s19, $0xb8;
	[tilespmem:$0x1CC00] =	vst v63  }
0xce: {  	_ =	swait.ge [sflag:s21], $0x4000  }
0xcf: {  	[sflag:s21] =	ssyncset.done $0x0  }
0xd0: {  	[sflag:s21] =	ssyncadd.s32 $0xFFFFC000  }
0xd1: {  	[spmem:s2] =	stream.indirect.scatter.add.f32 [tilespmem:s16], [sflag:$0x3], $0x80, s15, s19, $0xb8;
	[tilespmem:$0x1CC00] =	vst v63  }
0xd2: {  	_ =	swait.ge [sflag:s22], $0x4000  }
0xd3: {  	[sflag:s22] =	ssyncset.done $0x0  }
0xd4: {  	s23 =	sadd.s32 $0x1, s23;
	[sflag:s22] =	ssyncadd.s32 $0xFFFFC000  }
0xd5: {  	[spmem:s2] =	stream.indirect.scatter.add.f32 [tilespmem:s20], [sflag:$0x4], $0x80, s10, s19, $0xb8;
	[tilespmem:$0x1CC00] =	vst v63  }
0xd6: {  	p1 =	sne.s32 s23, $0x5;
	_ =	swait.ge [sflag:s24], $0x4000  }
.Ltmp2:
0xd7: {  	[sflag:s24] =	ssyncset.done $0x0;
	(pc) =	sbr.rel @p1 .LBB2_4-.Ltmp2, $4  }
0xd8: {  	[sflag:s24] =	ssyncadd.s32 $0xFFFFC000  }
0xd9: {  	_ =	swait.ge [sflag:s26], $0x4000  }
0xda: {  	[sflag:s26] =	ssyncset.done $0x0  }
0xdb: {  	[sflag:s26] =	ssyncadd.s32 $0xFFFFC000  }
0xdc: {  	s3 =	sadd.s32 $0xFFFFFFB0, s1  }
0xdd: {  	s23 =	sadd.s32 $0x50, s3  }
0xde: {  	p1 =	sgt.u32 s23, $0x4D  }
0xdf: {  	p2 =	sne.s32 @p1 s3, $0xFFFFFFFE  }
0xe0: {  	p2 =	por p2, !p1  }
0xe1: {  	[bflag:$0x0] =	sbarrier.arrive $0xFFFF;
	s3 =	simm.s32 @!p2 $0x1000;
	s23 =	simm.s32 @!p2 $0x6  }
0xe2: {  	[tilespmem:s3], [sflag:$0x6] =	stream.linear.gather @!p2 [spmem:s7], $0x800, $0x38;
	[tilespmem:$0x1CC00] =	vst v63  }
0xe3: {  	_ =	swait.ge @!p2 [sflag:s23], $0x800  }
0xe4: {  	p1 =	por p1, p1;
	s29 =	simm.s32 @!p2 $0x5;
	[sflag:s23] =	ssyncset.done @!p2 $0x0  }
0xe5: {  	s25 =	simm.s32 @!p2 $0x0;
	[sflag:s23] =	ssyncadd.s32 @!p2 $0xFFFFF800;
	s23 =	sadd.s32 @!p2 $0x27000, s8  }
0xe6: {  	[hbm4b:s23+s25] =	stream.linear.scatter @!p2 [tilespmem:s3], [sflag:$0x5], $0x800, $0x38;
	[tilespmem:$0x1CC00] =	vst v63  }
0xe7: {  	s28 =	simm.s32 @!p1 $0x6;
	s23 =	sadd.s32 $0xFFFFFFC0, s1;
	_ =	swait.ge @!p2 [sflag:s29], $0x800  }
0xe8: {  	s25 =	simm.s32 $0xFFFFFFD0;
	s30 =	sadd.s32 $0x50, s23;
	[sflag:s29] =	ssyncset.done @!p2 $0x0  }
0xe9: {  	[sflag:s29] =	ssyncadd.s32 @!p2 $0xFFFFF800;
	s29 =	simm.s32 @!p1 $0x1000;
	p2 =	sgt.u32 s30, $0x4D  }
0xea: {  	[tilespmem:s29], [sflag:$0x6] =	stream.linear.gather @!p1 [spmem:s0], $0x4000, $0x38;
	[tilespmem:$0x1CC00] =	vst v63  }
0xeb: {  	s30 =	simm.s32 @!p1 $0x0;
	p4 =	sne.s32 @p2 s23, $0xFFFFFFFE;
	_ =	swait.ge @!p1 [sflag:s28], $0x4000  }
0xec: {  	s23 =	smov.u32 s0;
	s9 =	rddreg [dreg:$0x9];
	[sflag:s28] =	ssyncset.done @!p1 $0x0  }
0xed: {  	s3 =	sadd.s32 $0x8000, s9;
	[sflag:s28] =	ssyncadd.s32 @!p1 $0xFFFFC000;
	s31 =	sadd.s32 @!p1 s9, s8  }
.LBB2_8:
0xee: {  	p4 =	por p4, !p2;
	s23 =	sadd.s32 $0x40000, s23  }
0xef: {  	s0 =	smov.u32 s25;
	s25 =	sadd.s32 $0x10, s25;
	s9 =	smov.u32 s3  }
0xf0: {  	[hbm4b:s31+s30] =	stream.linear.scatter @!p1 [tilespmem:s29], [sflag:$0x6], $0x4000, $0x38;
	[tilespmem:$0x1CC00] =	vst v63  }
0xf1: {  	p3 =	sne.s32 s25, $0x0;
	_ =	swait.ge @!p1 [sflag:s28], $0x4000  }
0xf2: {  	[sflag:s28] =	ssyncset.done @!p1 $0x0  }
0xf3: {  	s29 =	simm.s32 @!p4 $0x1000;
	s30 =	simm.s32 @!p4 $0x6;
	[sflag:s28] =	ssyncadd.s32 @!p1 $0xFFFFC000  }
0xf4: {  	[tilespmem:s29], [sflag:$0x6] =	stream.linear.gather @!p4 [spmem:s7], $0x800, $0x38;
	[tilespmem:$0x1CC00] =	vst v63  }
0xf5: {  	p1 =	por p2, p2;
	_ =	swait.ge @!p4 [sflag:s30], $0x800  }
0xf6: {  	s31 =	simm.s32 @!p4 $0x5;
	[sflag:s30] =	ssyncset.done @!p4 $0x0  }
0xf7: {  	s28 =	sadd.s32 @!p4 $0x27000, s8;
	[sflag:s30] =	ssyncadd.s32 @!p4 $0xFFFFF800;
	s30 =	simm.s32 @!p4 $0x0  }
0xf8: {  	[hbm4b:s28+s30] =	stream.linear.scatter @!p4 [tilespmem:s29], [sflag:$0x5], $0x800, $0x38;
	[tilespmem:$0x1CC00] =	vst v63  }
0xf9: {  	_ =	swait.ge @!p4 [sflag:s31], $0x800  }
0xfa: {  	s0 =	sadd.s32 s0, s1;
	s28 =	simm.s32 @!p1 $0x6;
	[sflag:s31] =	ssyncset.done @!p4 $0x0  }
.Ltmp3:
0xfb: {  	s29 =	simm.s32 @!p1 $0x1000;
	[sflag:s31] =	ssyncadd.s32 @!p4 $0xFFFFF800;
	(pc) =	sbr.rel @p3 .LBB2_8-.Ltmp3, $4  }
0xfc: {  	[tilespmem:s29], [sflag:$0x6] =	stream.linear.gather @!p1 [spmem:s23], $0x4000, $0x38;
	[tilespmem:$0x1CC00] =	vst v63  }
0xfd: {  	s3 =	sadd.s32 $0x8000, s3;
	s30 =	sadd.s32 $0x50, s0;
	_ =	swait.ge @!p1 [sflag:s28], $0x4000  }
0xfe: {  	p2 =	sgt.u32 s30, $0x4D;
	s30 =	simm.s32 @!p1 $0x0;
	[sflag:s28] =	ssyncset.done @!p1 $0x0  }
0xff: {  	p4 =	sne.s32 @p2 s0, $0xFFFFFFFE;
	s31 =	sadd.s32 @!p1 s9, s8;
	[sflag:s28] =	ssyncadd.s32 @!p1 $0xFFFFC000  }
0x100: {  	[hbm4b:s31+s30] =	stream.linear.scatter @!p1 [tilespmem:s29], [sflag:$0x6], $0x4000, $0x38;
	[tilespmem:$0x1CC00] =	vst v63  }
0x101: {  	_ =	swait.ge @!p1 [sflag:s28], $0x4000  }
0x102: {  	p3 =	por p4, !p2;
	[sflag:s28] =	ssyncset.done @!p1 $0x0  }
0x103: {  	s0 =	simm.s32 @!p3 $0x1000;
	s9 =	simm.s32 @!p3 $0x6;
	[sflag:s28] =	ssyncadd.s32 @!p1 $0xFFFFC000  }
0x104: {  	[tilespmem:s0], [sflag:$0x6] =	stream.linear.gather @!p3 [spmem:s7], $0x800, $0x38;
	[tilespmem:$0x1CC00] =	vst v63  }
0x105: {  	_ =	swait.ge @!p3 [sflag:s9], $0x800  }
0x106: {  	s25 =	simm.s32 @!p3 $0x5;
	[sflag:s9] =	ssyncset.done @!p3 $0x0  }
0x107: {  	s28 =	simm.s32 @!p3 $0x0;
	[sflag:s9] =	ssyncadd.s32 @!p3 $0xFFFFF800;
	s9 =	sadd.s32 @!p3 $0x27000, s8  }
0x108: {  	[hbm4b:s9+s28] =	stream.linear.scatter @!p3 [tilespmem:s0], [sflag:$0x5], $0x800, $0x38;
	[tilespmem:$0x1CC00] =	vst v63  }
0x109: {  	_ =	swait.ge @!p3 [sflag:s25], $0x800  }
0x10a: {  	p1 =	por p2, p2;
	s0 =	sadd.s32 $0x40000, s23;
	[sflag:s25] =	ssyncset.done @!p3 $0x0  }
0x10b: {  	s9 =	simm.s32 @!p1 $0x6;
	s23 =	simm.s32 @!p1 $0x1000;
	[sflag:s25] =	ssyncadd.s32 @!p3 $0xFFFFF800  }
0x10c: {  	[tilespmem:s23], [sflag:$0x6] =	stream.linear.gather @!p1 [spmem:s0], $0x4000, $0x38;
	[tilespmem:$0x1CC00] =	vst v63  }
0x10d: {  	_ =	swait.ge @!p1 [sflag:s9], $0x4000  }
0x10e: {  	[sflag:s9] =	ssyncset.done @!p1 $0x0  }
0x10f: {  	s3 =	sadd.s32 @!p1 s3, s8;
	s0 =	simm.s32 @!p1 $0x0;
	[sflag:s9] =	ssyncadd.s32 @!p1 $0xFFFFC000  }
0x110: {  	[hbm4b:s3+s0] =	stream.linear.scatter @!p1 [tilespmem:s23], [sflag:$0x6], $0x4000, $0x38;
	[tilespmem:$0x1CC00] =	vst v63  }
0x111: {  	_ =	swait.ge @!p1 [sflag:s9], $0x4000  }
0x112: {  	s28 =	rddreg [dreg:$0xa]  }
0x113: {  	s29 =	rddreg [dreg:$0x3];
	s3 =	sadd.s32 $0x1, s28  }
0x114: {  	p2 =	sne.s32 s3, s29  }
.Ltmp4:
0x115: {  	_ = 	snop;
	(pc) =	sbr.rel @p2 .LBB2_1-.Ltmp4, $3  }
0x116: {  	_ =	sdelay $0x1  }
0x117: {  	s30 =	simm.s32 $0x0;
	[sflag:s9] =	ssyncset.done @!p1 $0x0  }
0x118: {  	s31 =	simm.s32 $0x880;
	s0 =	rddreg [dreg:$0x4];
	[sflag:s9] =	ssyncadd.s32 @!p1 $0xFFFFC000  }
0x119: {  	_ =	sfence.sel $0x180000  }
0x11a: {  	[bflag:$0x0] =	sbarrier.arrive $0xFFFF  }
0x11b: {  	_ =	strace $0x9000004D  }
0x11c: {  	[bflag:$0x2] =	sbarrier.arrive $0xFFFF  }
0x11d: {  	p0 =	sne.s32 s1, $0x0;
	s0 =	rddreg [dreg:$0x2]  }
0x11e: {  	s0 =	sadd.s32 @!p0 $0x100000, s0  }
0x11f: {  	[sflag:s0] =	ssyncadd.tile.s32 @!p0 $0x1;
	_ =	shalt  }
.Lfunc_end2:
_tile_overlayer_lowered:
.L_overlay_start_2:
0x120: {  	(tag) =	ssettag $0x2  }
0x121: {  	s0 =	rddreg [dreg:$0x0];
	s2 =	stileid.u32  }
0x122: {  	s1 =	rddreg [dreg:$0x1];
	p0 =	sne.s32 s2, $0x0  }
0x123: {  	s3 =	rddreg [dreg:$0x2];
	[bflag:$0x3] =	sbarrier.arrive $0xFFFF;
	s2 =	simm.s32 @!p0 $0x1C05  }
0x124: {  	[timem:s3], [sflag:s2] =	dma.local @!p0 [hbm:s0], s1  }
0x125: {  	s0 =	simm.s32 @!p0 $0x5  }
0x126: {  	_ =	swait.ge @!p0 [sflag:s0], s1  }
0x127: {  	s1 =	ssub.s32 @!p0 $0x0, s1;
	[sflag:s0] =	ssyncset.done @!p0 $0x0  }
0x128: {  	[sflag:s0] =	ssyncadd.s32 @!p0 s1  }
0x129: {  	[bflag:$0x3] =	sbarrier.arrive $0xFFFF  }
0x12a: {  	_ =	shalt  }

// kernel: kernel.8.cloned.1.call-start
scs
__scs_entry_jumppad:
0x0: {  	(pc) =	sbr.rel $0x88, $3  }
0x1: {  	(tag) =	ssettag $0x0;
	lr =	simm.s32 $0x1  }
0x2: {  	[smem:$0x3F93] =	sst lr;
	_ =	strace $0xD0000000  }
0x3: {  	_ = 	snop  }
0x4: {  	_ = 	snop  }
0x5: {  	_ = 	snop  }
0x6: {  	_ = 	snop  }
0x7: {  	_ = 	snop  }
__scs_overlays_trampoline_lowered:
0x8: {  	[smem:$0x3FA2] =	sst s0  }
0x9: {  	[smem:$0x3FA3] =	sst s1  }
0xa: {  	[smem:$0x3FA4] =	sst s2  }
0xb: {  	[smem:$0x3FA5] =	sst s3  }
0xc: {  	[smem:$0x3FA6] =	sst s4  }
0xd: {  	[smem:$0x3FA7] =	sst s5  }
0xe: {  	[smem:$0x3FA8] =	sst s6  }
0xf: {  	[smem:$0x3FA9] =	sst s7  }
0x10: {  	[smem:$0x3FAA] =	sst s8  }
0x11: {  	[smem:$0x3FAB] =	sst s9;
	s0 =	simm.s32 @!p0 $0x0  }
0x12: {  	s1 =	sld [smem:$0x3F91];
	s0 =	simm.s32 @p0 $0x1  }
0x13: {  	[smem:$0x3FAC] =	sst s0;
	s0 =	simm.s32 @!p1 $0x0  }
0x14: {  	s2 =	sld [smem:$0x3F90];
	s0 =	simm.s32 @p1 $0x1  }
0x15: {  	[smem:$0x3FAD] =	sst s0;
	s0 =	simm.s32 @!p2 $0x0  }
0x16: {  	s3 =	sld [smem:$0x3FDB];
	s0 =	simm.s32 @p2 $0x1  }
0x17: {  	s4 =	simm.s32 $0x1BF5;
	[smem:$0x3FAF] =	sst s0  }
0x18: {  	s0 =	sld [smem:$0x3F92];
	_ =	swait.ge [sflag:s4], $0x0  }
0x19: {  	s7 =	sld [smem:$0x3F93]  }
0x1a: {  	s8 =	sadd.s32 $0xFFFFE003, lr  }
0x1b: {  	s9 =	sadd.s32 $0xFFFFFEF7, lr;
	s5 =	simm.s32 $0xFFFFFFFF;
	p2 =	slt.u32 s8, $0xFFFFF086  }
0x1c: {  	p1 =	slt.u32 s9, $0xF7A;
	s5 =	simm.s32 @!p2 $0x0  }
0x1d: {  	s5 =	simm.s32 @p1 $0x1;
	p0 =	seq.s32 s7, s2  }
0x1e: {  	s7 =	smul.u32 @!p0 $0xF7A, s2;
	p2 =	seq.s32 @!p0 s5, $0x0  }
0x1f: {  	s9 =	smul.u32 $0xF7A, s1;
	s8 =	simm.s32 @!p0 $0x1BF5;
	p2 =	por !p2, p0  }
0x20: {  	[sflag:s8] =	ssyncset.s32 @!p0 $0xFFFFF086;
	s6 =	sadd.s32 @!p0 s3, s7;
	s7 =	simm.s32 @!p0 $0x108  }
0x21: {  	s3 =	sadd.s32 s3, s9;
	s6 =	sadd.s32 @!p0 $0x88, s6;
	s7 =	simm.s32 @p2 $0x1082  }
0x22: {  	[simem:s7], [sflag:s8] =	dma.local @!p0 [hbm:s6], $0xF7A  }
0x23: {  	s9 =	sor.u32 $0xD0000000, s2;
	s6 =	simm.s32 $0x108;
	_ =	swait.ge @!p0 [sflag:s8], $0x0  }
0x24: {  	s3 =	sadd.s32 $0x88, s3;
	s6 =	simm.s32 @!p1 $0x1082;
	[sflag:s4] =	ssyncset.s32 $0xFFFFF086  }
0x25: {  	[simem:s6], [sflag:s4] =	dma.local [hbm:s3], $0xF7A  }
0x26: {  	[smem:$0x3F93] =	sst s1;
	(tag) =	ssettag s2;
	_ =	strace s9  }
0x27: {  	s1 =	sld [smem:$0x3FA3]  }
0x28: {  	s2 =	sld [smem:$0x3FA4]  }
0x29: {  	s4 =	sld [smem:$0x3FA6]  }
0x2a: {  	p0 =	seq.s32 s5, $0x0;
	s5 =	sld [smem:$0x3FA7]  }
0x2b: {  	s6 =	sld [smem:$0x3FA8]  }
0x2c: {  	s7 =	sld [smem:$0x3FA9]  }
0x2d: {  	s3 =	simm.s32 $0x108;
	s8 =	sld [smem:$0x3FAA]  }
0x2e: {  	s3 =	simm.s32 @!p0 $0x1082;
	s9 =	sld [smem:$0x3FAB]  }
0x2f: {  	lr =	sadd.s32 s0, s3;
	s0 =	sld [smem:$0x3FA2]  }
0x30: {  	s3 =	sld [smem:$0x3FA5]  }
0x31: {  	[smem:$0x3FAE] =	sst s10  }
0x32: {  	s10 =	sld [smem:$0x3FAC];
	_ =	sdelay $0x3  }
0x33: {  	p0 =	seq.s32 s10, $0x1;
	s10 =	sld [smem:$0x3FAE];
	_ =	sdelay $0x3  }
0x34: {  	[smem:$0x3FAE] =	sst s10  }
0x35: {  	s10 =	sld [smem:$0x3FAD];
	_ =	sdelay $0x3  }
0x36: {  	p1 =	seq.s32 s10, $0x1;
	s10 =	sld [smem:$0x3FAE];
	_ =	sdelay $0x3  }
0x37: {  	[smem:$0x3FAE] =	sst s10  }
0x38: {  	s10 =	sld [smem:$0x3FAF]  }
0x39: {  	_ = 	snop;
	(pc) =	sbr.ind lr, $3  }
0x3a: {  	_ = 	snop  }
0x3b: {  	_ = 	snop  }
0x3c: {  	p2 =	seq.s32 s10, $0x1;
	s10 =	sld [smem:$0x3FAE]  }
0x3d: {  	_ =	shalt  }
0x3e: {  	_ =	shalt  }
0x3f: {  	_ =	shalt  }
0x40: {  	_ =	shalt  }
0x41: {  	_ =	shalt  }
0x42: {  	_ =	shalt  }
0x43: {  	_ =	shalt  }
0x44: {  	_ =	shalt  }
0x45: {  	_ =	shalt  }
0x46: {  	_ =	shalt  }
0x47: {  	_ =	shalt  }
0x48: {  	_ =	shalt  }
0x49: {  	_ =	shalt  }
0x4a: {  	_ =	shalt  }
0x4b: {  	_ =	shalt  }
0x4c: {  	_ =	shalt  }
0x4d: {  	_ =	shalt  }
0x4e: {  	_ =	shalt  }
0x4f: {  	_ =	shalt  }
0x50: {  	_ =	shalt  }
0x51: {  	_ =	shalt  }
0x52: {  	_ =	shalt  }
0x53: {  	_ =	shalt  }
0x54: {  	_ =	shalt  }
0x55: {  	_ =	shalt  }
0x56: {  	_ =	shalt  }
0x57: {  	_ =	shalt  }
0x58: {  	_ =	shalt  }
0x59: {  	_ =	shalt  }
0x5a: {  	_ =	shalt  }
0x5b: {  	_ =	shalt  }
0x5c: {  	_ =	shalt  }
0x5d: {  	_ =	shalt  }
0x5e: {  	_ =	shalt  }
0x5f: {  	_ =	shalt  }
0x60: {  	_ =	shalt  }
0x61: {  	_ =	shalt  }
0x62: {  	_ =	shalt  }
0x63: {  	_ =	shalt  }
0x64: {  	_ =	shalt  }
0x65: {  	_ =	shalt  }
0x66: {  	_ =	shalt  }
0x67: {  	_ =	shalt  }
0x68: {  	_ =	shalt  }
0x69: {  	_ =	shalt  }
0x6a: {  	_ =	shalt  }
0x6b: {  	_ =	shalt  }
0x6c: {  	_ =	shalt  }
0x6d: {  	_ =	shalt  }
0x6e: {  	_ =	shalt  }
0x6f: {  	_ =	shalt  }
0x70: {  	_ =	shalt  }
0x71: {  	_ =	shalt  }
0x72: {  	_ =	shalt  }
0x73: {  	_ =	shalt  }
0x74: {  	_ =	shalt  }
0x75: {  	_ =	shalt  }
0x76: {  	_ =	shalt  }
0x77: {  	_ =	shalt  }
0x78: {  	_ =	shalt  }
0x79: {  	_ =	shalt  }
0x7a: {  	_ =	shalt  }
0x7b: {  	_ =	shalt  }
0x7c: {  	_ =	shalt  }
0x7d: {  	_ =	shalt  }
0x7e: {  	_ =	shalt  }
0x7f: {  	_ =	shalt  }
0x80: {  	_ =	shalt  }
0x81: {  	_ =	shalt  }
0x82: {  	_ =	shalt  }
0x83: {  	_ =	shalt  }
0x84: {  	_ =	shalt  }
0x85: {  	_ =	shalt  }
0x86: {  	_ =	shalt  }
0x87: {  	_ =	shalt  }
.Lfunc_end0:
.L_simem_size_0:
called_computation_lowered:
.L_overlay_start_0:
0x88: {  	s2 =	sld [smem:$0x3FD9]  }
0x89: {  	s3 =	sld [smem:$0x3FFE];
	_ =	sdelay $0x1  }
0x8a: {  	s1 =	srdreg.scid  }
0x8b: {  	s0 =	sand.u32 $0x1, s1  }
0x8c: {  	s16 =	sshll.u32 s0, $0xA;
	s2 =	sadd.s32 s3, s2  }
0x8d: {  	s2 =	sadd.s32 s2, s16  }
0x8e: {  	[smem:$0x3FBA] =	sst s2  }
0x8f: {  	_ = 	snop  }
0x90: {  	(tm) =	ssettm $0x1  }
0x91: {  	s17 =	sld [smem:$0x3FFB];
	_ =	sdelay $0x3  }
0x92: {  	_ =	strace s17  }
0x93: {  	s2 =	sld [smem:$0x3FFC];
	_ =	sdelay $0x3  }
0x94: {  	_ =	strace s2  }
0x95: {  	s2 =	sld [smem:$0x3FFD];
	_ =	sdelay $0x3  }
0x96: {  	_ =	strace s2  }
0x97: {  	_ =	strace $0x8FFFFFFF  }
0x98: {  	s18 =	sld [smem:$0x3FDB];
	_ =	sdelay $0x1  }
0x99: {  	s19 =	simm.s32 $_scs_section_size  }
0x9a: {  	s4 =	simm.s32 $_size__tile_overlayer_lowered;
	s5 =	simm.s32 $_tile_overlayer_lowered  }
0x9b: {  	s22 =	simm.s32 $0x1BFF;
	s21 =	sshll.u32 s5, $0x1;
	s2 =	sadd.s32 s19, s18  }
0x9c: {  	s6 =	simm.s32 $0x0;
	s20 =	sshll.u32 s4, $0x1;
	s4 =	sadd.s32 s21, s2  }
0x9d: {  	[timem:s6], [sflag:s22] =	dma.local [hbm:s4], s20  }
0x9e: {  	_ =	swait.ge [sflag:s22], s20  }
0x9f: {  	s3 =	ssub.s32 $0x0, s20;
	[sflag:s22] =	ssyncset.done $0x0  }
0xa0: {  	[sflag:s22] =	ssyncadd.s32 s3;
	_ =	sdelay $0x1  }
0xa1: {  	s23 =	simm.s32 $0x1B8B  }
0xa2: {  	_ =	swait.ge [sflag:s23], $0x1  }
0xa3: {  	[sflag:s23] =	ssyncset.done $0x0  }
0xa4: {  	s25 =	simm.s32 $0x1B8E;
	s24 =	sld [smem:$0x3FFE];
	[sflag:s23] =	ssyncadd.s32 $0xFFFFFFFF  }
0xa5: {  	s26 =	simm.s32 $execute0_lowered;
	[smem:$0x3FD2] =	sst s25  }
0xa6: {  	s4 =	sshll.u32 s26, $0x1;
	_ =	strace $0x80000046;
	[dreg:$0x1] =	wrdreg $0xFFFFFFFF  }
0xa7: {  	s28 =	simm.s32 $_size_execute0_lowered;
	s2 =	sadd.s32 s2, s4;
	[dreg:$0x0] =	wrdreg $0x0  }
0xa8: {  	s4 =	sshll.u32 s28, $0x1;
	[dreg:$0x2] =	wrdreg s2  }
0xa9: {  	[dreg:$0x3] =	wrdreg s4  }
0xaa: {  	[dreg:$0x4] =	wrdreg $0xC0  }
0xab: {  	_ =	task [dreg:s6], $0x5FFFF  }
0xac: {  	[dreg:$0x1] =	wrdreg $0xFFFFFFFF  }
0xad: {  	[dreg:$0x0] =	wrdreg $0x60  }
0xae: {  	[dreg:$0x2] =	wrdreg s24  }
0xaf: {  	[dreg:$0x3] =	wrdreg $0xA8000  }
0xb0: {  	[dreg:$0x4] =	wrdreg $0x9  }
0xb1: {  	_ =	task.clear_ibuf [dreg:s6], $0x5FFFF;
	_ =	strace $0x90000046  }
0xb2: {  	s29 =	simm.s32 $0x9;
	_ =	strace $0x80000048  }
0xb3: {  	_ =	swait.ge [sflag:s29], $0x1  }
0xb4: {  	[sflag:s29] =	ssyncadd.s32 $0xFFFFFFFF  }
0xb5: {  	_ =	strace $0x90000048  }
0xb6: {  	_ =	sfence  }
0xb7: {  	s30 =	sld [smem:$0x0];
	_ =	sdelay $0x2  }
0xb8: {  	s31 =	sshll.u32 s1, $0xD;
	s1 =	sshrl.u32 s1, $0x2  }
0xb9: {  	s3 =	sand.u32 $0x4000, s31;
	s1 =	sadd.s32 s1, s30  }
0xba: {  	s0 =	sor.u32 s3, s0;
	s1 =	sshll.u32 s1, $0x11  }
0xbb: {  	s0 =	sor.u32 s1, s0  }
0xbc: {  	s0 =	sadd.s32 $0x8F2B, s0  }
0xbd: {  	[sflag:s0] =	ssyncadd.remote.s32 $0x1  }
0xbe: {  	_ =	sfence.sel $0xFFFF  }
0xbf: {  	[dreg:$0x0] =	wrdreg $0xFFFFFFFF;
	(pc) =	sbr.abs _section_cstart, $3  }
0xc0: {  	[dreg:$0x1] =	wrdreg $0xFFFFFFFF  }
0xc1: {  	_ =	task.clear_ibuf [dreg:s6], $0x2FFFF;
	_ =	strace $0x9FFFFFFF  }
0xc2: {  	(tm) =	ssettm $0x7FFFFFFF  }
0xc3: {  	_ =	shalt  }
tec
execute0_lowered:
.L_overlay_start_1:
0x0: {  	(tag) =	ssettag $0x1  }
0x1: {  	s4 =	rddreg [dreg:$0x0]  }
0x2: {  	s2 =	rddreg [dreg:$0x1]  }
0x3: {  	s0 =	rddreg [dreg:$0x2]  }
0x4: {  	s1 =	stileid.u32;
	s5 =	srdreg.scid;
	s3 =	simm.s32 $0x0  }
0x5: {  	s16 =	simm.s32 $0x2;
	s6 =	smul.u32 $0x500, s1;
	s5 =	sand.u32 $0x1, s5  }
0x6: {  	[smem:$0x7FF] =	sst s3;
	s30 =	sshll.u32 s1, $0xE;
	s12 =	sor.u32 $0x10, s1  }
0x7: {  	s13 =	sor.u32 $0x20, s1;
	s14 =	sor.u32 $0x30, s1;
	s15 =	sor.u32 $0x40, s1  }
0x8: {  	s17 =	sshll.u32 s1, $0xB;
	p0 =	seq.s32 s1, $0xF;
	s7 =	smul.u32 $0x27800, s5  }
0x9: {  	_ =	strace $0x80000047;
	s8 =	ssub.s32 $0x2, s5;
	s5 =	sshll.u32 s5, $0x7  }
0xa: {  	s31 =	sshll.u32 s12, $0xE;
	s9 =	sshll.u32 s13, $0xE;
	s10 =	sshll.u32 s14, $0xE  }
0xb: {  	s11 =	sshll.u32 s15, $0xE;
	s18 =	sshll.u32 s12, $0xB;
	s19 =	sshll.u32 s13, $0xB  }
0xc: {  	s20 =	sshll.u32 s14, $0xB;
	s22 =	sshll.u32 s15, $0xB;
	s12 =	simm.s32 $0x6800  }
0xd: {  	s13 =	simm.s32 $0x1;
	s14 =	simm.s32 $0x80;
	s15 =	simm.s32 $0x2800  }
0xe: {  	s6 =	sadd.s32 s6, s4;
	s29 =	sshrl.u32 s8, $0x1;
	s9 =	sadd.s32 s9, s2  }
0xf: {  	s10 =	sadd.s32 s10, s2;
	s11 =	sadd.s32 s11, s2;
	s7 =	sadd.s32 s7, s4  }
0x10: {  	s8 =	ssub.s32 s8, s29;
	s4 =	sadd.s32 $0x2000, s6;
	s21 =	sadd.s32 $0x7000, s7  }
0x11: {  	s6 =	smax.u32 s8, $0x1;
	s7 =	sadd.s32 s30, s2;
	s8 =	sadd.s32 s31, s2  }
0x12: {  	s17 =	sadd.s32 s17, s21;
	s18 =	sadd.s32 s18, s21;
	s19 =	sadd.s32 s19, s21  }
0x13: {  	v0 =	vimm.f32 $1.000000000e+00;
	v1 =	vimm.f32 $0.0e+00;
	s20 =	sadd.s32 s20, s21;
	s21 =	sadd.s32 @!p0 s22, s21;
	s22 =	simm.s32 $0x0  }
.LBB2_1:
0x14: {  	s23 =	simm.s32 $0x0;
	s24 =	simm.s32 $0x200  }
.LBB2_2:
0x15: {  	p1 =	sne.s32 s24, $0xFE00;
	[tilespmem:s23+$0x2870] =	vst v0  }
0x16: {  	[tilespmem:s23+$0x2800] =	vst v0  }
0x17: {  	[tilespmem:s23+$0x2810] =	vst v0  }
.Ltmp0:
0x18: {  	[tilespmem:s23+$0x2820] =	vst v0;
	(pc) =	sbr.rel @p1 .LBB2_2-.Ltmp0, $4  }
0x19: {  	[tilespmem:s23+$0x2830] =	vst v0  }
0x1a: {  	[tilespmem:s23+$0x2840] =	vst v0  }
0x1b: {  	[tilespmem:s23+$0x2850] =	vst v0  }
0x1c: {  	[tilespmem:s23+$0x2860] =	vst v0;
	s23 =	sshra.s32 s24, $0x2;
	s24 =	sadd.s32 $0x200, s24  }
0x1d: {  	[tilespmem:s23+$0x2870] =	vst v0  }
0x1e: {  	[tilespmem:s23+$0x2800] =	vst v0  }
0x1f: {  	[tilespmem:s23+$0x2810] =	vst v0  }
0x20: {  	[tilespmem:s23+$0x2820] =	vst v0  }
0x21: {  	[tilespmem:s23+$0x2830] =	vst v0  }
0x22: {  	[tilespmem:s23+$0x2840] =	vst v0  }
0x23: {  	[tilespmem:s23+$0x2850] =	vst v0  }
0x24: {  	[tilespmem:s23+$0x2860] =	vst v0;
	s23 =	simm.s32 $0x0;
	s24 =	simm.s32 $0x200  }
.LBB2_4:
0x25: {  	p1 =	sne.s32 s24, $0xFE00;
	[tilespmem:s23+$0x6870] =	vst v1  }
0x26: {  	[tilespmem:s23+$0x6800] =	vst v1  }
0x27: {  	[tilespmem:s23+$0x6810] =	vst v1  }
.Ltmp1:
0x28: {  	[tilespmem:s23+$0x6820] =	vst v1;
	(pc) =	sbr.rel @p1 .LBB2_4-.Ltmp1, $4  }
0x29: {  	[tilespmem:s23+$0x6830] =	vst v1  }
0x2a: {  	[tilespmem:s23+$0x6840] =	vst v1  }
0x2b: {  	[tilespmem:s23+$0x6850] =	vst v1  }
0x2c: {  	[tilespmem:s23+$0x6860] =	vst v1;
	s23 =	sshra.s32 s24, $0x2;
	s24 =	sadd.s32 $0x200, s24  }
0x2d: {  	[tilespmem:s23+$0x6870] =	vst v1  }
0x2e: {  	[tilespmem:s23+$0x6800] =	vst v1  }
0x2f: {  	[tilespmem:s23+$0x6810] =	vst v1  }
0x30: {  	[tilespmem:s23+$0x6820] =	vst v1  }
0x31: {  	[tilespmem:s23+$0x6830] =	vst v1  }
0x32: {  	[tilespmem:s23+$0x6840] =	vst v1  }
0x33: {  	[tilespmem:s23+$0x6850] =	vst v1  }
0x34: {  	[tilespmem:s23+$0x6860] =	vst v1  }
0x35: {  	[spmem:s7] =	stream.linear.scatter [tilespmem:s12], [sflag:$0x1], $0x4000, $0x38;
	[tilespmem:$0x1E400] =	vst v63  }
0x36: {  	_ =	swait.ge [sflag:s13], $0x4000  }
0x37: {  	[sflag:s13] =	ssyncset.done $0x0  }
0x38: {  	[sflag:s13] =	ssyncadd.s32 $0xFFFFC000  }
0x39: {  	[spmem:s8] =	stream.linear.scatter [tilespmem:s12], [sflag:$0x1], $0x4000, $0x38;
	[tilespmem:$0x1E400] =	vst v63  }
0x3a: {  	_ =	swait.ge [sflag:s13], $0x4000  }
0x3b: {  	[sflag:s13] =	ssyncset.done $0x0  }
0x3c: {  	[sflag:s13] =	ssyncadd.s32 $0xFFFFC000  }
0x3d: {  	[spmem:s9] =	stream.linear.scatter [tilespmem:s12], [sflag:$0x1], $0x4000, $0x38;
	[tilespmem:$0x1E400] =	vst v63  }
0x3e: {  	_ =	swait.ge [sflag:s13], $0x4000  }
0x3f: {  	[sflag:s13] =	ssyncset.done $0x0  }
0x40: {  	[sflag:s13] =	ssyncadd.s32 $0xFFFFC000  }
0x41: {  	[spmem:s10] =	stream.linear.scatter [tilespmem:s12], [sflag:$0x1], $0x4000, $0x38;
	[tilespmem:$0x1E400] =	vst v63  }
0x42: {  	_ =	swait.ge [sflag:s13], $0x4000  }
0x43: {  	[sflag:s13] =	ssyncset.done $0x0  }
0x44: {  	s23 =	simm.s32 @!p0 $0x6800;
	[sflag:s13] =	ssyncadd.s32 $0xFFFFC000  }
0x45: {  	[spmem:s11] =	stream.linear.scatter @!p0 [tilespmem:s23], [sflag:$0x1], $0x4000, $0x38;
	[tilespmem:$0x1E400] =	vst v63  }
0x46: {  	s23 =	simm.s32 @!p0 $0x1  }
0x47: {  	_ =	swait.ge @!p0 [sflag:s23], $0x4000  }
0x48: {  	[sflag:s23] =	ssyncset.done @!p0 $0x0  }
0x49: {  	[sflag:s23] =	ssyncadd.s32 @!p0 $0xFFFFC000  }
0x4a: {  	s30 =	simm.s32 $0x0;
	[bflag:$0x0] =	sbarrier.arrive $0xFFFF  }
0x4b: {  	[tilespmem:s30], [sflag:$0x1] =	stream.linear.gather [hbm4b:s4+s30], $0x2800, $0x38;
	[tilespmem:$0x1E400] =	vst v63  }
0x4c: {  	_ =	swait.ge [sflag:s13], $0x2800  }
0x4d: {  	[sflag:s13] =	ssyncset.done $0x0  }
0x4e: {  	s31 =	sadd.s32 $0x0, s5;
	[sflag:s13] =	ssyncadd.s32 $0xFFFFD800  }
0x4f: {  	[spmem:s2] =	stream.indirect.scatter.add.f32 [tilespmem:s15], [sflag:$0x1], $0x80, s31, s14, $0xb8;
	[tilespmem:$0x1E400] =	vst v63  }
0x50: {  	s23 =	simm.s32 $0x400;
	_ =	swait.ge [sflag:s13], $0x4000  }
.LBB2_6:
0x51: {  	s24 =	sshra.s32 s23, $0x2;
	[sflag:s13] =	ssyncset.done $0x0;
	p1 =	sne.s32 s23, $0x9C00  }
.Ltmp2:
0x52: {  	s24 =	sadd.s32 s24, s5;
	[sflag:s13] =	ssyncadd.s32 $0xFFFFC000;
	(pc) =	sbr.rel @p1 .LBB2_6-.Ltmp2, $3  }
0x53: {  	[spmem:s2] =	stream.indirect.scatter.add.f32 [tilespmem:s15], [sflag:$0x1], $0x80, s24, s14, $0xb8;
	[tilespmem:$0x1E400] =	vst v63  }
0x54: {  	s23 =	sadd.s32 $0x400, s23;
	_ =	sdelay $0x1  }
0x55: {  	_ =	swait.ge [sflag:s13], $0x4000  }
0x56: {  	[sflag:s13] =	ssyncset.done $0x0  }
0x57: {  	[sflag:s13] =	ssyncadd.s32 $0xFFFFC000  }
0x58: {  	[bflag:$0x0] =	sbarrier.arrive $0xFFFF  }
0x59: {  	[tilespmem:s12], [sflag:$0x2] =	stream.linear.gather [spmem:s7], $0x4000, $0x38;
	[tilespmem:$0x1E400] =	vst v63  }
0x5a: {  	_ =	swait.ge [sflag:s16], $0x4000  }
0x5b: {  	[sflag:s16] =	ssyncset.done $0x0  }
0x5c: {  	[sflag:s16] =	ssyncadd.s32 $0xFFFFC000  }
0x5d: {  	[hbm4b:s17+s3] =	stream.linear.scatter [tilespmem:s12], [sflag:$0x1], $0x4000, $0x38;
	[tilespmem:$0x1E400] =	vst v63  }
0x5e: {  	_ =	swait.ge [sflag:s13], $0x4000  }
0x5f: {  	[sflag:s13] =	ssyncset.done $0x0  }
0x60: {  	[sflag:s13] =	ssyncadd.s32 $0xFFFFC000  }
0x61: {  	[tilespmem:s12], [sflag:$0x2] =	stream.linear.gather [spmem:s8], $0x4000, $0x38;
	[tilespmem:$0x1E400] =	vst v63  }
0x62: {  	_ =	swait.ge [sflag:s16], $0x4000  }
0x63: {  	[sflag:s16] =	ssyncset.done $0x0  }
0x64: {  	[sflag:s16] =	ssyncadd.s32 $0xFFFFC000  }
0x65: {  	[hbm4b:s18+s3] =	stream.linear.scatter [tilespmem:s12], [sflag:$0x1], $0x4000, $0x38;
	[tilespmem:$0x1E400] =	vst v63  }
0x66: {  	_ =	swait.ge [sflag:s13], $0x4000  }
0x67: {  	[sflag:s13] =	ssyncset.done $0x0  }
0x68: {  	[sflag:s13] =	ssyncadd.s32 $0xFFFFC000  }
0x69: {  	[tilespmem:s12], [sflag:$0x2] =	stream.linear.gather [spmem:s9], $0x4000, $0x38;
	[tilespmem:$0x1E400] =	vst v63  }
0x6a: {  	_ =	swait.ge [sflag:s16], $0x4000  }
0x6b: {  	[sflag:s16] =	ssyncset.done $0x0  }
0x6c: {  	[sflag:s16] =	ssyncadd.s32 $0xFFFFC000  }
0x6d: {  	[hbm4b:s19+s3] =	stream.linear.scatter [tilespmem:s12], [sflag:$0x1], $0x4000, $0x38;
	[tilespmem:$0x1E400] =	vst v63  }
0x6e: {  	_ =	swait.ge [sflag:s13], $0x4000  }
0x6f: {  	[sflag:s13] =	ssyncset.done $0x0  }
0x70: {  	[sflag:s13] =	ssyncadd.s32 $0xFFFFC000  }
0x71: {  	[tilespmem:s12], [sflag:$0x2] =	stream.linear.gather [spmem:s10], $0x4000, $0x38;
	[tilespmem:$0x1E400] =	vst v63  }
0x72: {  	_ =	swait.ge [sflag:s16], $0x4000  }
0x73: {  	[sflag:s16] =	ssyncset.done $0x0  }
0x74: {  	[sflag:s16] =	ssyncadd.s32 $0xFFFFC000  }
0x75: {  	[hbm4b:s20+s3] =	stream.linear.scatter [tilespmem:s12], [sflag:$0x1], $0x4000, $0x38;
	[tilespmem:$0x1E400] =	vst v63  }
0x76: {  	_ =	swait.ge [sflag:s13], $0x4000  }
0x77: {  	[sflag:s13] =	ssyncset.done $0x0  }
0x78: {  	s23 =	simm.s32 @!p0 $0x6800;
	s24 =	simm.s32 @!p0 $0x2;
	[sflag:s13] =	ssyncadd.s32 $0xFFFFC000  }
0x79: {  	[tilespmem:s23], [sflag:$0x2] =	stream.linear.gather @!p0 [spmem:s11], $0x4000, $0x38;
	[tilespmem:$0x1E400] =	vst v63  }
0x7a: {  	_ =	swait.ge @!p0 [sflag:s24], $0x4000  }
0x7b: {  	s22 =	sadd.s32 $0x1, s22;
	[sflag:s24] =	ssyncset.done @!p0 $0x0  }
0x7c: {  	p1 =	sne.s32 s22, s6;
	[sflag:s24] =	ssyncadd.s32 @!p0 $0xFFFFC000;
	s24 =	simm.s32 @!p0 $0x0  }
0x7d: {  	[hbm4b:s21+s24] =	stream.linear.scatter @!p0 [tilespmem:s23], [sflag:$0x1], $0x4000, $0x38;
	[tilespmem:$0x1E400] =	vst v63  }
.Ltmp3:
0x7e: {  	_ = 	snop;
	(pc) =	sbr.rel @p1 .LBB2_1-.Ltmp3, $4  }
0x7f: {  	s23 =	simm.s32 @!p0 $0x1  }
0x80: {  	_ =	swait.ge @!p0 [sflag:s23], $0x4000  }
0x81: {  	[sflag:s23] =	ssyncset.done @!p0 $0x0  }
0x82: {  	[sflag:s23] =	ssyncadd.s32 @!p0 $0xFFFFC000  }
0x83: {  	_ =	sfence.sel $0x180000  }
0x84: {  	[bflag:$0x0] =	sbarrier.arrive $0xFFFF  }
0x85: {  	p0 =	sne.s32 s1, $0x0;
	_ =	strace $0x90000047  }
0x86: {  	s0 =	sadd.s32 @!p0 $0x100000, s0;
	[bflag:$0x2] =	sbarrier.arrive $0xFFFF  }
0x87: {  	[sflag:s0] =	ssyncadd.tile.s32 @!p0 $0x1;
	_ =	shalt  }
.Lfunc_end2:
_tile_overlayer_lowered:
.L_overlay_start_2:
0x88: {  	(tag) =	ssettag $0x2  }
0x89: {  	s0 =	rddreg [dreg:$0x0];
	s2 =	stileid.u32  }
0x8a: {  	s1 =	rddreg [dreg:$0x1];
	p0 =	sne.s32 s2, $0x0  }
0x8b: {  	s3 =	rddreg [dreg:$0x2];
	[bflag:$0x3] =	sbarrier.arrive $0xFFFF;
	s2 =	simm.s32 @!p0 $0x1C01  }
0x8c: {  	[timem:s3], [sflag:s2] =	dma.local @!p0 [hbm:s0], s1  }
0x8d: {  	s0 =	simm.s32 @!p0 $0x1  }
0x8e: {  	_ =	swait.ge @!p0 [sflag:s0], s1  }
0x8f: {  	s1 =	ssub.s32 @!p0 $0x0, s1;
	[sflag:s0] =	ssyncset.done @!p0 $0x0  }
0x90: {  	[sflag:s0] =	ssyncadd.s32 @!p0 s1  }
0x91: {  	[bflag:$0x3] =	sbarrier.arrive $0xFFFF  }
0x92: {  	_ =	shalt  }

</sc_bundles>
